<compile_context>
chip_gen: v7x
topology: tpu7x:2x2x1
jax: 0.10.2.dev20260603
libtpu: 0.0.44.dev20260713+nightly
codegen_flags: <defaults>
</compile_context>

<pallas_src>
import functools

import jax
import jax.numpy as jnp
from jax import lax
from jax.experimental import pallas as pl
from jax.experimental.pallas import tpu as pltpu
from jax.experimental.pallas import tpu_sc as plsc

_NC = 2
_NS = 16
_CHUNK = 128
_NBUF = 6
_BLK = 2000


def _sc_mesh():
    return plsc.VectorSubcoreMesh(core_axis_name="c", subcore_axis_name="s")


def _make_deg_kernel(n_acc, cpt, dd):
    rpt = n_acc // _NS

    @functools.partial(
        pl.kernel,
        out_type=jax.ShapeDtypeStruct((_NC, n_acc, dd), jnp.float32),
        mesh=_sc_mesh(),
        compiler_params=pltpu.CompilerParams(use_tc_tiling_on_sc=False),
        scratch_types=[
            pltpu.VMEM((cpt, _CHUNK), jnp.int32),
            pltpu.VMEM((_CHUNK, dd), jnp.float32),
            pltpu.VMEM_SHARED((n_acc, dd), jnp.float32),
        ],
    )
    def deg_kernel(dst_hbm, ones_hbm, zeros_hbm, out_hbm,
                   dst_v, ones_v, acc_sh):
        c = lax.axis_index("c")
        s = lax.axis_index("s")
        pltpu.sync_copy(zeros_hbm, acc_sh.at[pl.ds(s * rpt, rpt)])
        pltpu.sync_copy(ones_hbm, ones_v)
        pltpu.sync_copy(dst_hbm.at[s], dst_v)
        plsc.subcore_barrier()

        def body(j, carry):
            jc = 2 * j + c

            @pl.when(jc < cpt)
            def _():
                pltpu.sync_copy(ones_v, acc_sh.at[dst_v.at[jc]], add=True)

            return carry

        lax.fori_loop(0, -(-cpt // 2), body, 0)
        plsc.subcore_barrier()
        pltpu.sync_copy(acc_sh.at[pl.ds(s * rpt, rpt)],
                        out_hbm.at[c, pl.ds(s * rpt, rpt)])

    return deg_kernel


def _make_agg_kernel(n_acc, cpt, dh, alt=False):
    rpt = n_acc // _NS

    @functools.partial(
        pl.kernel,
        out_type=jax.ShapeDtypeStruct((_NC, n_acc, dh), jnp.float32),
        mesh=_sc_mesh(),
        compiler_params=pltpu.CompilerParams(use_tc_tiling_on_sc=False),
        scratch_types=[
            pltpu.VMEM((cpt, _CHUNK), jnp.int32),
            pltpu.VMEM((cpt, _CHUNK), jnp.int32),
            pltpu.VMEM((_NBUF, _CHUNK, dh), jnp.float32),
            pltpu.VMEM_SHARED((n_acc, dh), jnp.float32),
        ] + [pltpu.SemaphoreType.DMA] * _NBUF,
    )
    def agg_kernel(src_hbm, dst_hbm, tbl_hbm, zeros_hbm, out_hbm,
                   src_v, dst_v, rows_v, acc_sh, *gsem):
        c = lax.axis_index("c")
        s = lax.axis_index("s")
        tbl = tbl_hbm if alt else tbl_hbm.at[c]
        cidx = (lambda k: 2 * k + c) if alt else (lambda k: k)
        nk = -(-cpt // 2) if alt else cpt
        pltpu.sync_copy(zeros_hbm, acc_sh.at[pl.ds(s * rpt, rpt)])
        pltpu.sync_copy(src_hbm.at[s], src_v)
        pltpu.sync_copy(dst_hbm.at[s], dst_v)
        plsc.subcore_barrier()

        for b in range(_NBUF):
            jc = cidx(b)
            if alt:
                @pl.when(jc < cpt)
                def _():
                    pltpu.async_copy(tbl.at[src_v.at[jc]], rows_v.at[b],
                                     gsem[b])
            else:
                pltpu.async_copy(tbl.at[src_v.at[jc]], rows_v.at[b], gsem[b])

        def group(gi, carry):
            for b in range(_NBUF):
                k = gi * _NBUF + b
                jc = cidx(k)

                @pl.when(jc < cpt)
                def _():
                    pltpu.make_async_copy(tbl.at[src_v.at[jc]], rows_v.at[b],
                                          gsem[b]).wait()
                    pltpu.sync_copy(rows_v.at[b], acc_sh.at[dst_v.at[jc]],
                                    add=True)
                    jn = cidx(k + _NBUF)

                    @pl.when(jn < cpt)
                    def _():
                        pltpu.async_copy(tbl.at[src_v.at[jn]],
                                         rows_v.at[b], gsem[b])

            return carry

        lax.fori_loop(0, -(-nk // _NBUF), group, 0)
        plsc.subcore_barrier()
        pltpu.sync_copy(acc_sh.at[pl.ds(s * rpt, rpt)],
                        out_hbm.at[c, pl.ds(s * rpt, rpt)])

    return agg_kernel


def _tc_layer1(x, w1, degp, n_acc):
    n, f_in = x.shape
    f_hid = w1.shape[1]
    dh = f_hid // 2
    grid = n // _BLK

    def body(x_ref, w_ref, degp_ref, h_ref, dinv_ref):
        deg = degp_ref[0, :, 0] + degp_ref[1, :, 0]
        dinv = jnp.where(deg > 0.0, lax.rsqrt(jnp.maximum(deg, 1e-12)), 0.0)
        h = jnp.dot(x_ref[...], w_ref[...], preferred_element_type=jnp.float32)
        h = h * dinv[:, None]
        h_ref[0] = h[:, :dh]
        h_ref[1] = h[:, dh:]
        dinv_ref[...] = jnp.broadcast_to(dinv[:, None], dinv_ref.shape)

    return pl.pallas_call(
        body,
        grid=(grid,),
        in_specs=[
            pl.BlockSpec((_BLK, f_in), lambda i: (i, 0)),
            pl.BlockSpec((f_in, f_hid), lambda i: (0, 0)),
            pl.BlockSpec((2, _BLK, 8), lambda i: (0, i, 0)),
        ],
        out_specs=[
            pl.BlockSpec((2, _BLK, dh), lambda i: (0, i, 0)),
            pl.BlockSpec((_BLK, 16), lambda i: (i, 0)),
        ],
        out_shape=[jax.ShapeDtypeStruct((2, n_acc, dh), jnp.float32),
                   jax.ShapeDtypeStruct((n, 16), jnp.float32)],
    )(x, w1, degp)


def _tc_mid(aggp, dinvb, b1, w2, n):
    n_acc = aggp.shape[1]
    dh = aggp.shape[2]
    f_hid = 2 * dh
    f_out = w2.shape[1]
    do = f_out // 2
    grid = n // _BLK

    def body(aggp_ref, dinv_ref, b1_ref, w2_ref, out_ref):
        agg = jnp.concatenate([aggp_ref[0], aggp_ref[1]], axis=1)
        dinv = dinv_ref[...][:, :1]
        hmid = jnp.maximum(agg * dinv + b1_ref[...], 0.0)
        h2 = jnp.dot(hmid, w2_ref[...], preferred_element_type=jnp.float32)
        h2 = h2 * dinv
        out_ref[0] = h2[:, :do]
        out_ref[1] = h2[:, do:]

    return pl.pallas_call(
        body,
        grid=(grid,),
        in_specs=[
            pl.BlockSpec((2, _BLK, dh), lambda i: (0, i, 0)),
            pl.BlockSpec((_BLK, 16), lambda i: (i, 0)),
            pl.BlockSpec((1, f_hid), lambda i: (0, 0)),
            pl.BlockSpec((f_hid, f_out), lambda i: (0, 0)),
        ],
        out_specs=pl.BlockSpec((2, _BLK, do), lambda i: (0, i, 0)),
        out_shape=jax.ShapeDtypeStruct((2, n_acc, do), jnp.float32),
    )(aggp, dinvb, b1, w2)


def _tc_final(aggp, dinvb, b2, n):
    do = aggp.shape[2]
    f_out = 2 * do
    grid = n // _BLK

    def body(aggp_ref, dinv_ref, b2_ref, out_ref):
        agg = jnp.concatenate([aggp_ref[0], aggp_ref[1]], axis=1)
        dinv = dinv_ref[...][:, :1]
        o = agg * dinv + b2_ref[...]
        m = jnp.max(o, axis=1, keepdims=True)
        ex = jnp.exp(o - m)
        lse = jnp.log(jnp.sum(ex, axis=1, keepdims=True)) + m
        out_ref[...] = o - lse

    return pl.pallas_call(
        body,
        grid=(grid,),
        in_specs=[
            pl.BlockSpec((2, _BLK, do), lambda i: (0, i, 0)),
            pl.BlockSpec((_BLK, 16), lambda i: (i, 0)),
            pl.BlockSpec((1, f_out), lambda i: (0, 0)),
        ],
        out_specs=pl.BlockSpec((_BLK, f_out), lambda i: (i, 0)),
        out_shape=jax.ShapeDtypeStruct((n, f_out), jnp.float32),
    )(aggp, dinvb, b2)


def kernel(x, edge_index, W1, b1, W2, b2):
    n, f_in = x.shape
    e = edge_index.shape[1]
    f_hid = W1.shape[1]
    f_out = W2.shape[1]

    cpt = -(-e // (_NS * _CHUNK))
    n_acc = -(-(n + 1) // (_NS * 8)) * (_NS * 8)
    rpt = n_acc // _NS
    dh = f_hid // 2
    do = f_out // 2

    pad = _NS * cpt * _CHUNK - e
    ei = jnp.pad(edge_index, ((0, 0), (0, pad)), constant_values=n)
    src_q = ei[0].reshape(_NS, cpt, _CHUNK)
    dst_q = ei[1].reshape(_NS, cpt, _CHUNK)

    ones_d = jnp.ones((_CHUNK, do), jnp.float32)
    zeros_do = jnp.zeros((rpt, do), jnp.float32)
    zeros_dh = jnp.zeros((rpt, dh), jnp.float32)
    zeros_fo = jnp.zeros((rpt, f_out), jnp.float32)

    degp = _make_deg_kernel(n_acc, cpt, do)(dst_q, ones_d, zeros_do)
    h1s, dinvb = _tc_layer1(x, W1, degp, n_acc)
    agg1s = _make_agg_kernel(n_acc, cpt, dh)(src_q, dst_q, h1s, zeros_dh)
    h2s = _tc_mid(agg1s, dinvb, b1.reshape(1, f_hid), W2, n)
    agg2s = _make_agg_kernel(n_acc, cpt, do)(src_q, dst_q, h2s, zeros_do)
    return _tc_final(agg2s, dinvb, b2.reshape(1, f_out), n)

# --- scband reference (transcript-rebuilt; emitter-appended) ---
"""Pipeline reference for scband-gcn-29540785062516 (READ-ONLY COPY).

The authoritative reference and input builder live on the scoring server;
editing this copy changes nothing except your own understanding.
"""

import jax, jax.numpy as jnp
import numpy as np

N = 10000
E = 320000
F_IN = 128
F_HID = 128
F_OUT = 16


def setup_inputs(seed: int = 0) -> dict:
    key = jax.random.key(seed)
    k1, k2, k3, k4, k5, k6 = jax.random.split(key, 6)
    x = jax.random.normal(k1, (N, F_IN), dtype=jnp.float32)
    edge_index = jax.random.randint(k2, (2, E), 0, N, dtype=jnp.int32)
    W1 = jax.random.normal(k3, (F_IN, F_HID), dtype=jnp.float32) * (1.0 / np.sqrt(F_IN))
    b1 = jnp.zeros((F_HID,), dtype=jnp.float32)
    W2 = jax.random.normal(k4, (F_HID, F_OUT), dtype=jnp.float32) * (1.0 / np.sqrt(F_HID))
    b2 = jnp.zeros((F_OUT,), dtype=jnp.float32)
    return {"x": x, "edge_index": edge_index, "W1": W1, "b1": b1, "W2": W2, "b2": b2}


def _gcn_conv(x, edge_index, W, b):
    # GCNConv(normalize=True, add_self_loops=False):
    #   h = x @ W
    #   deg[j] = sum of incoming edge weights (all ones) at dst j
    #   norm_e = deg^{-1/2}[src_e] * deg^{-1/2}[dst_e]
    #   out[j] = sum_{e: dst_e = j} norm_e * h[src_e]  + b
    src = edge_index[0]
    dst = edge_index[1]
    h = x @ W
    ones = jnp.ones((edge_index.shape[1],), dtype=x.dtype)
    deg = jax.ops.segment_sum(ones, dst, num_segments=N)
    dinv = jnp.where(deg > 0, jax.lax.rsqrt(jnp.maximum(deg, 1e-12)), 0.0)
    norm = dinv[src] * dinv[dst]
    msg = h[src] * norm[:, None]
    out = jax.ops.segment_sum(msg, dst, num_segments=N)
    return out + b


def reference(x, edge_index, W1, b1, W2, b2):
    h = _gcn_conv(x, edge_index, W1, b1)
    h = jax.nn.relu(h)
    o = _gcn_conv(h, edge_index, W2, b2)
    return jax.nn.log_softmax(o, axis=1)

if __name__ == "__main__":
    import jax
    _d = setup_inputs()
    print(jax.jit(kernel)(*tuple(_d.values())))

</pallas_src>

<mosaic_0001>
#map = affine_map<(d0, d1) -> (0, 0, 0)>
#map1 = affine_map<(d0, d1) -> (0, 0)>
module attributes {stable_mosaic.version = 14 : i64} {
  func.func @agg_kernel(%arg0: i32, %arg1: i32, %arg2: memref<16x157x128xi32, #tpu.memory_space<hbm>>, %arg3: memref<16x157x128xi32, #tpu.memory_space<hbm>>, %arg4: memref<2x10112x64xf32, #tpu.memory_space<hbm>>, %arg5: memref<632x64xf32, #tpu.memory_space<hbm>>, %arg6: memref<2x10112x64xf32, #tpu.memory_space<hbm>>, %arg7: memref<157x128xi32, #tpu.memory_space<vmem>>, %arg8: memref<157x128xi32, #tpu.memory_space<vmem>>, %arg9: memref<6x128x64xf32, #tpu.memory_space<vmem>>, %arg10: memref<10112x64xf32, #tpu.memory_space<vmem_shared>>, %arg11: memref<!tpu.dma_semaphore, #tpu.memory_space<semaphore_mem>>, %arg12: memref<!tpu.dma_semaphore, #tpu.memory_space<semaphore_mem>>, %arg13: memref<!tpu.dma_semaphore, #tpu.memory_space<semaphore_mem>>, %arg14: memref<!tpu.dma_semaphore, #tpu.memory_space<semaphore_mem>>, %arg15: memref<!tpu.dma_semaphore, #tpu.memory_space<semaphore_mem>>, %arg16: memref<!tpu.dma_semaphore, #tpu.memory_space<semaphore_mem>>) attributes {dimension_semantics = [#tpu.dimension_semantics<core_parallel>, #tpu.dimension_semantics<subcore_parallel>], iteration_bounds = array<i64: 2, 16>, scalar_prefetch = 0 : i64, scratch_operands = 10 : i64, tpu.core_type = #tpu.core_type<sc_vector_subcore>, window_params = [{transform_indices = #map}, {transform_indices = #map}, {transform_indices = #map}, {transform_indices = #map1}, {transform_indices = #map}]} {
    %mul3A = arith.constant 632 : i32
    %mul3A_0 = arith.muli %arg1, %mul3A : i32
    "tpu.region"() ({
      %run_scoped3A = tpu.sem_alloc : memref<!tpu.dma_semaphore, #tpu.memory_space<semaphore_mem>>
      %dma_start3A_106 = arith.constant 0 : i32
      %dma_start3A_107 = tpu.memref_slice %arg10[%mul3A_0, %dma_start3A_106] : memref<10112x64xf32, #tpu.memory_space<vmem_shared>> -> memref<632x64xf32, #tpu.memory_space<vmem_shared>>
      tpu.enqueue_dma source(%arg5 : memref<632x64xf32, #tpu.memory_space<hbm>>) target(%dma_start3A_107 : memref<632x64xf32, #tpu.memory_space<vmem_shared>>) target_semaphore(%run_scoped3A : memref<!tpu.dma_semaphore, #tpu.memory_space<semaphore_mem>>)
      %dma_wait3A = arith.constant 0 : i32
      %dma_wait3A_108 = tpu.memref_slice %arg10[%mul3A_0, %dma_wait3A] : memref<10112x64xf32, #tpu.memory_space<vmem_shared>> -> memref<632x64xf32, #tpu.memory_space<vmem_shared>>
      tpu.wait_dma2 semaphore(%run_scoped3A : memref<!tpu.dma_semaphore, #tpu.memory_space<semaphore_mem>>) src(%arg5 : memref<632x64xf32, #tpu.memory_space<hbm>>) dst(%dma_wait3A_108 : memref<632x64xf32, #tpu.memory_space<vmem_shared>>)
      tpu.yield
    }) : () -> ()
    "tpu.region"() ({
      %run_scoped3A = tpu.sem_alloc : memref<!tpu.dma_semaphore, #tpu.memory_space<semaphore_mem>>
      %dma_start3A_106 = arith.constant 0 : i32
      %dma_start3A_107 = arith.constant 0 : i32
      %dma_start3A_108 = tpu.memref_slice %arg2[%arg1, %dma_start3A_106, %dma_start3A_107] : memref<16x157x128xi32, #tpu.memory_space<hbm>> -> memref<1x157x128xi32, #tpu.memory_space<hbm>>
      %dma_start3A_109 = tpu.memref_squeeze %dma_start3A_108 : memref<1x157x128xi32, #tpu.memory_space<hbm>> -> memref<157x128xi32, #tpu.memory_space<hbm>>
      %dma_start3A_110 = arith.constant 0 : i32
      %dma_start3A_111 = arith.constant 0 : i32
      %dma_start3A_112 = tpu.memref_slice %arg2[%arg1, %dma_start3A_110, %dma_start3A_111] : memref<16x157x128xi32, #tpu.memory_space<hbm>> -> memref<1x157x128xi32, #tpu.memory_space<hbm>>
      %dma_start3A_113 = tpu.memref_squeeze %dma_start3A_112 : memref<1x157x128xi32, #tpu.memory_space<hbm>> -> memref<157x128xi32, #tpu.memory_space<hbm>>
      tpu.enqueue_dma source(%dma_start3A_113 : memref<157x128xi32, #tpu.memory_space<hbm>>) target(%arg7 : memref<157x128xi32, #tpu.memory_space<vmem>>) target_semaphore(%run_scoped3A : memref<!tpu.dma_semaphore, #tpu.memory_space<semaphore_mem>>)
      %dma_wait3A = arith.constant 0 : i32
      %dma_wait3A_114 = arith.constant 0 : i32
      %dma_wait3A_115 = tpu.memref_slice %arg2[%arg1, %dma_wait3A, %dma_wait3A_114] : memref<16x157x128xi32, #tpu.memory_space<hbm>> -> memref<1x157x128xi32, #tpu.memory_space<hbm>>
      %dma_wait3A_116 = tpu.memref_squeeze %dma_wait3A_115 : memref<1x157x128xi32, #tpu.memory_space<hbm>> -> memref<157x128xi32, #tpu.memory_space<hbm>>
      %dma_wait3A_117 = arith.constant 0 : i32
      %dma_wait3A_118 = arith.constant 0 : i32
      %dma_wait3A_119 = tpu.memref_slice %arg2[%arg1, %dma_wait3A_117, %dma_wait3A_118] : memref<16x157x128xi32, #tpu.memory_space<hbm>> -> memref<1x157x128xi32, #tpu.memory_space<hbm>>
      %dma_wait3A_120 = tpu.memref_squeeze %dma_wait3A_119 : memref<1x157x128xi32, #tpu.memory_space<hbm>> -> memref<157x128xi32, #tpu.memory_space<hbm>>
      tpu.wait_dma2 semaphore(%run_scoped3A : memref<!tpu.dma_semaphore, #tpu.memory_space<semaphore_mem>>) src(%dma_wait3A_120 : memref<157x128xi32, #tpu.memory_space<hbm>>) dst(%arg7 : memref<157x128xi32, #tpu.memory_space<vmem>>)
      tpu.yield
    }) : () -> ()
    "tpu.region"() ({
      %run_scoped3A = tpu.sem_alloc : memref<!tpu.dma_semaphore, #tpu.memory_space<semaphore_mem>>
      %dma_start3A_106 = arith.constant 0 : i32
      %dma_start3A_107 = arith.constant 0 : i32
      %dma_start3A_108 = tpu.memref_slice %arg3[%arg1, %dma_start3A_106, %dma_start3A_107] : memref<16x157x128xi32, #tpu.memory_space<hbm>> -> memref<1x157x128xi32, #tpu.memory_space<hbm>>
      %dma_start3A_109 = tpu.memref_squeeze %dma_start3A_108 : memref<1x157x128xi32, #tpu.memory_space<hbm>> -> memref<157x128xi32, #tpu.memory_space<hbm>>
      %dma_start3A_110 = arith.constant 0 : i32
      %dma_start3A_111 = arith.constant 0 : i32
      %dma_start3A_112 = tpu.memref_slice %arg3[%arg1, %dma_start3A_110, %dma_start3A_111] : memref<16x157x128xi32, #tpu.memory_space<hbm>> -> memref<1x157x128xi32, #tpu.memory_space<hbm>>
      %dma_start3A_113 = tpu.memref_squeeze %dma_start3A_112 : memref<1x157x128xi32, #tpu.memory_space<hbm>> -> memref<157x128xi32, #tpu.memory_space<hbm>>
      tpu.enqueue_dma source(%dma_start3A_113 : memref<157x128xi32, #tpu.memory_space<hbm>>) target(%arg8 : memref<157x128xi32, #tpu.memory_space<vmem>>) target_semaphore(%run_scoped3A : memref<!tpu.dma_semaphore, #tpu.memory_space<semaphore_mem>>)
      %dma_wait3A = arith.constant 0 : i32
      %dma_wait3A_114 = arith.constant 0 : i32
      %dma_wait3A_115 = tpu.memref_slice %arg3[%arg1, %dma_wait3A, %dma_wait3A_114] : memref<16x157x128xi32, #tpu.memory_space<hbm>> -> memref<1x157x128xi32, #tpu.memory_space<hbm>>
      %dma_wait3A_116 = tpu.memref_squeeze %dma_wait3A_115 : memref<1x157x128xi32, #tpu.memory_space<hbm>> -> memref<157x128xi32, #tpu.memory_space<hbm>>
      %dma_wait3A_117 = arith.constant 0 : i32
      %dma_wait3A_118 = arith.constant 0 : i32
      %dma_wait3A_119 = tpu.memref_slice %arg3[%arg1, %dma_wait3A_117, %dma_wait3A_118] : memref<16x157x128xi32, #tpu.memory_space<hbm>> -> memref<1x157x128xi32, #tpu.memory_space<hbm>>
      %dma_wait3A_120 = tpu.memref_squeeze %dma_wait3A_119 : memref<1x157x128xi32, #tpu.memory_space<hbm>> -> memref<157x128xi32, #tpu.memory_space<hbm>>
      tpu.wait_dma2 semaphore(%run_scoped3A : memref<!tpu.dma_semaphore, #tpu.memory_space<semaphore_mem>>) src(%dma_wait3A_120 : memref<157x128xi32, #tpu.memory_space<hbm>>) dst(%arg8 : memref<157x128xi32, #tpu.memory_space<vmem>>)
      tpu.yield
    }) : () -> ()
    %barrier3A = arith.constant 0 : index
    tpu.barrier barrier_id(%barrier3A)
    %dma_start3A = arith.constant 0 : i32
    %dma_start3A_1 = arith.constant 0 : i32
    %dma_start3A_2 = arith.constant 0 : i32
    %dma_start3A_3 = arith.constant 0 : i32
    %dma_start3A_4 = tpu.memref_slice %arg9[%dma_start3A_1, %dma_start3A_2, %dma_start3A_3] : memref<6x128x64xf32, #tpu.memory_space<vmem>> -> memref<1x128x64xf32, #tpu.memory_space<vmem>>
    %dma_start3A_5 = tpu.memref_squeeze %dma_start3A_4 : memref<1x128x64xf32, #tpu.memory_space<vmem>> -> memref<128x64xf32, #tpu.memory_space<vmem>>
    %dma_start3A_6 = arith.constant 0 : i32
    %dma_start3A_7 = tpu.memref_slice %arg7[%dma_start3A, %dma_start3A_6] : memref<157x128xi32, #tpu.memory_space<vmem>> -> memref<1x128xi32, #tpu.memory_space<vmem>>
    %dma_start3A_8 = tpu.memref_squeeze %dma_start3A_7 : memref<1x128xi32, #tpu.memory_space<vmem>> -> memref<128xi32, #tpu.memory_space<vmem>>
    %dma_start3A_9 = arith.constant 0 : i32
    %dma_start3A_10 = arith.constant 0 : i32
    %dma_start3A_11 = tpu.memref_slice %arg4[%arg0, %dma_start3A_9, %dma_start3A_10] : memref<2x10112x64xf32, #tpu.memory_space<hbm>> -> memref<1x10112x64xf32, #tpu.memory_space<hbm>>
    %dma_start3A_12 = tpu.memref_squeeze %dma_start3A_11 : memref<1x10112x64xf32, #tpu.memory_space<hbm>> -> memref<10112x64xf32, #tpu.memory_space<hbm>>
    %dma_start3A_13 = arith.constant 0 : i32
    %dma_start3A_14 = arith.constant 0 : i32
    %dma_start3A_15 = tpu.memref_slice %dma_start3A_12[%dma_start3A_13, %dma_start3A_14] : memref<10112x64xf32, #tpu.memory_space<hbm>> -> memref<10112x64xf32, #tpu.memory_space<hbm>>
    tpu.enqueue_indirect_dma source(%dma_start3A_15 : memref<10112x64xf32, #tpu.memory_space<hbm>>) target(%dma_start3A_5 : memref<128x64xf32, #tpu.memory_space<vmem>>) offsets(%dma_start3A_8 : memref<128xi32, #tpu.memory_space<vmem>>) semaphore(%arg11 : memref<!tpu.dma_semaphore, #tpu.memory_space<semaphore_mem>>)
    %dma_start3A_16 = arith.constant 1 : i32
    %dma_start3A_17 = arith.constant 1 : i32
    %dma_start3A_18 = arith.constant 0 : i32
    %dma_start3A_19 = arith.constant 0 : i32
    %dma_start3A_20 = tpu.memref_slice %arg9[%dma_start3A_17, %dma_start3A_18, %dma_start3A_19] : memref<6x128x64xf32, #tpu.memory_space<vmem>> -> memref<1x128x64xf32, #tpu.memory_space<vmem>>
    %dma_start3A_21 = tpu.memref_squeeze %dma_start3A_20 : memref<1x128x64xf32, #tpu.memory_space<vmem>> -> memref<128x64xf32, #tpu.memory_space<vmem>>
    %dma_start3A_22 = arith.constant 0 : i32
    %dma_start3A_23 = tpu.memref_slice %arg7[%dma_start3A_16, %dma_start3A_22] : memref<157x128xi32, #tpu.memory_space<vmem>> -> memref<1x128xi32, #tpu.memory_space<vmem>>
    %dma_start3A_24 = tpu.memref_squeeze %dma_start3A_23 : memref<1x128xi32, #tpu.memory_space<vmem>> -> memref<128xi32, #tpu.memory_space<vmem>>
    %dma_start3A_25 = arith.constant 0 : i32
    %dma_start3A_26 = arith.constant 0 : i32
    %dma_start3A_27 = tpu.memref_slice %arg4[%arg0, %dma_start3A_25, %dma_start3A_26] : memref<2x10112x64xf32, #tpu.memory_space<hbm>> -> memref<1x10112x64xf32, #tpu.memory_space<hbm>>
    %dma_start3A_28 = tpu.memref_squeeze %dma_start3A_27 : memref<1x10112x64xf32, #tpu.memory_space<hbm>> -> memref<10112x64xf32, #tpu.memory_space<hbm>>
    %dma_start3A_29 = arith.constant 0 : i32
    %dma_start3A_30 = arith.constant 0 : i32
    %dma_start3A_31 = tpu.memref_slice %dma_start3A_28[%dma_start3A_29, %dma_start3A_30] : memref<10112x64xf32, #tpu.memory_space<hbm>> -> memref<10112x64xf32, #tpu.memory_space<hbm>>
    tpu.enqueue_indirect_dma source(%dma_start3A_31 : memref<10112x64xf32, #tpu.memory_space<hbm>>) target(%dma_start3A_21 : memref<128x64xf32, #tpu.memory_space<vmem>>) offsets(%dma_start3A_24 : memref<128xi32, #tpu.memory_space<vmem>>) semaphore(%arg12 : memref<!tpu.dma_semaphore, #tpu.memory_space<semaphore_mem>>)
    %dma_start3A_32 = arith.constant 2 : i32
    %dma_start3A_33 = arith.constant 2 : i32
    %dma_start3A_34 = arith.constant 0 : i32
    %dma_start3A_35 = arith.constant 0 : i32
    %dma_start3A_36 = tpu.memref_slice %arg9[%dma_start3A_33, %dma_start3A_34, %dma_start3A_35] : memref<6x128x64xf32, #tpu.memory_space<vmem>> -> memref<1x128x64xf32, #tpu.memory_space<vmem>>
    %dma_start3A_37 = tpu.memref_squeeze %dma_start3A_36 : memref<1x128x64xf32, #tpu.memory_space<vmem>> -> memref<128x64xf32, #tpu.memory_space<vmem>>
    %dma_start3A_38 = arith.constant 0 : i32
    %dma_start3A_39 = tpu.memref_slice %arg7[%dma_start3A_32, %dma_start3A_38] : memref<157x128xi32, #tpu.memory_space<vmem>> -> memref<1x128xi32, #tpu.memory_space<vmem>>
    %dma_start3A_40 = tpu.memref_squeeze %dma_start3A_39 : memref<1x128xi32, #tpu.memory_space<vmem>> -> memref<128xi32, #tpu.memory_space<vmem>>
    %dma_start3A_41 = arith.constant 0 : i32
    %dma_start3A_42 = arith.constant 0 : i32
    %dma_start3A_43 = tpu.memref_slice %arg4[%arg0, %dma_start3A_41, %dma_start3A_42] : memref<2x10112x64xf32, #tpu.memory_space<hbm>> -> memref<1x10112x64xf32, #tpu.memory_space<hbm>>
    %dma_start3A_44 = tpu.memref_squeeze %dma_start3A_43 : memref<1x10112x64xf32, #tpu.memory_space<hbm>> -> memref<10112x64xf32, #tpu.memory_space<hbm>>
    %dma_start3A_45 = arith.constant 0 : i32
    %dma_start3A_46 = arith.constant 0 : i32
    %dma_start3A_47 = tpu.memref_slice %dma_start3A_44[%dma_start3A_45, %dma_start3A_46] : memref<10112x64xf32, #tpu.memory_space<hbm>> -> memref<10112x64xf32, #tpu.memory_space<hbm>>
    tpu.enqueue_indirect_dma source(%dma_start3A_47 : memref<10112x64xf32, #tpu.memory_space<hbm>>) target(%dma_start3A_37 : memref<128x64xf32, #tpu.memory_space<vmem>>) offsets(%dma_start3A_40 : memref<128xi32, #tpu.memory_space<vmem>>) semaphore(%arg13 : memref<!tpu.dma_semaphore, #tpu.memory_space<semaphore_mem>>)
    %dma_start3A_48 = arith.constant 3 : i32
    %dma_start3A_49 = arith.constant 3 : i32
    %dma_start3A_50 = arith.constant 0 : i32
    %dma_start3A_51 = arith.constant 0 : i32
    %dma_start3A_52 = tpu.memref_slice %arg9[%dma_start3A_49, %dma_start3A_50, %dma_start3A_51] : memref<6x128x64xf32, #tpu.memory_space<vmem>> -> memref<1x128x64xf32, #tpu.memory_space<vmem>>
    %dma_start3A_53 = tpu.memref_squeeze %dma_start3A_52 : memref<1x128x64xf32, #tpu.memory_space<vmem>> -> memref<128x64xf32, #tpu.memory_space<vmem>>
    %dma_start3A_54 = arith.constant 0 : i32
    %dma_start3A_55 = tpu.memref_slice %arg7[%dma_start3A_48, %dma_start3A_54] : memref<157x128xi32, #tpu.memory_space<vmem>> -> memref<1x128xi32, #tpu.memory_space<vmem>>
    %dma_start3A_56 = tpu.memref_squeeze %dma_start3A_55 : memref<1x128xi32, #tpu.memory_space<vmem>> -> memref<128xi32, #tpu.memory_space<vmem>>
    %dma_start3A_57 = arith.constant 0 : i32
    %dma_start3A_58 = arith.constant 0 : i32
    %dma_start3A_59 = tpu.memref_slice %arg4[%arg0, %dma_start3A_57, %dma_start3A_58] : memref<2x10112x64xf32, #tpu.memory_space<hbm>> -> memref<1x10112x64xf32, #tpu.memory_space<hbm>>
    %dma_start3A_60 = tpu.memref_squeeze %dma_start3A_59 : memref<1x10112x64xf32, #tpu.memory_space<hbm>> -> memref<10112x64xf32, #tpu.memory_space<hbm>>
    %dma_start3A_61 = arith.constant 0 : i32
    %dma_start3A_62 = arith.constant 0 : i32
    %dma_start3A_63 = tpu.memref_slice %dma_start3A_60[%dma_start3A_61, %dma_start3A_62] : memref<10112x64xf32, #tpu.memory_space<hbm>> -> memref<10112x64xf32, #tpu.memory_space<hbm>>
    tpu.enqueue_indirect_dma source(%dma_start3A_63 : memref<10112x64xf32, #tpu.memory_space<hbm>>) target(%dma_start3A_53 : memref<128x64xf32, #tpu.memory_space<vmem>>) offsets(%dma_start3A_56 : memref<128xi32, #tpu.memory_space<vmem>>) semaphore(%arg14 : memref<!tpu.dma_semaphore, #tpu.memory_space<semaphore_mem>>)
    %dma_start3A_64 = arith.constant 4 : i32
    %dma_start3A_65 = arith.constant 4 : i32
    %dma_start3A_66 = arith.constant 0 : i32
    %dma_start3A_67 = arith.constant 0 : i32
    %dma_start3A_68 = tpu.memref_slice %arg9[%dma_start3A_65, %dma_start3A_66, %dma_start3A_67] : memref<6x128x64xf32, #tpu.memory_space<vmem>> -> memref<1x128x64xf32, #tpu.memory_space<vmem>>
    %dma_start3A_69 = tpu.memref_squeeze %dma_start3A_68 : memref<1x128x64xf32, #tpu.memory_space<vmem>> -> memref<128x64xf32, #tpu.memory_space<vmem>>
    %dma_start3A_70 = arith.constant 0 : i32
    %dma_start3A_71 = tpu.memref_slice %arg7[%dma_start3A_64, %dma_start3A_70] : memref<157x128xi32, #tpu.memory_space<vmem>> -> memref<1x128xi32, #tpu.memory_space<vmem>>
    %dma_start3A_72 = tpu.memref_squeeze %dma_start3A_71 : memref<1x128xi32, #tpu.memory_space<vmem>> -> memref<128xi32, #tpu.memory_space<vmem>>
    %dma_start3A_73 = arith.constant 0 : i32
    %dma_start3A_74 = arith.constant 0 : i32
    %dma_start3A_75 = tpu.memref_slice %arg4[%arg0, %dma_start3A_73, %dma_start3A_74] : memref<2x10112x64xf32, #tpu.memory_space<hbm>> -> memref<1x10112x64xf32, #tpu.memory_space<hbm>>
    %dma_start3A_76 = tpu.memref_squeeze %dma_start3A_75 : memref<1x10112x64xf32, #tpu.memory_space<hbm>> -> memref<10112x64xf32, #tpu.memory_space<hbm>>
    %dma_start3A_77 = arith.constant 0 : i32
    %dma_start3A_78 = arith.constant 0 : i32
    %dma_start3A_79 = tpu.memref_slice %dma_start3A_76[%dma_start3A_77, %dma_start3A_78] : memref<10112x64xf32, #tpu.memory_space<hbm>> -> memref<10112x64xf32, #tpu.memory_space<hbm>>
    tpu.enqueue_indirect_dma source(%dma_start3A_79 : memref<10112x64xf32, #tpu.memory_space<hbm>>) target(%dma_start3A_69 : memref<128x64xf32, #tpu.memory_space<vmem>>) offsets(%dma_start3A_72 : memref<128xi32, #tpu.memory_space<vmem>>) semaphore(%arg15 : memref<!tpu.dma_semaphore, #tpu.memory_space<semaphore_mem>>)
    %dma_start3A_80 = arith.constant 5 : i32
    %dma_start3A_81 = arith.constant 5 : i32
    %dma_start3A_82 = arith.constant 0 : i32
    %dma_start3A_83 = arith.constant 0 : i32
    %dma_start3A_84 = tpu.memref_slice %arg9[%dma_start3A_81, %dma_start3A_82, %dma_start3A_83] : memref<6x128x64xf32, #tpu.memory_space<vmem>> -> memref<1x128x64xf32, #tpu.memory_space<vmem>>
    %dma_start3A_85 = tpu.memref_squeeze %dma_start3A_84 : memref<1x128x64xf32, #tpu.memory_space<vmem>> -> memref<128x64xf32, #tpu.memory_space<vmem>>
    %dma_start3A_86 = arith.constant 0 : i32
    %dma_start3A_87 = tpu.memref_slice %arg7[%dma_start3A_80, %dma_start3A_86] : memref<157x128xi32, #tpu.memory_space<vmem>> -> memref<1x128xi32, #tpu.memory_space<vmem>>
    %dma_start3A_88 = tpu.memref_squeeze %dma_start3A_87 : memref<1x128xi32, #tpu.memory_space<vmem>> -> memref<128xi32, #tpu.memory_space<vmem>>
    %dma_start3A_89 = arith.constant 0 : i32
    %dma_start3A_90 = arith.constant 0 : i32
    %dma_start3A_91 = tpu.memref_slice %arg4[%arg0, %dma_start3A_89, %dma_start3A_90] : memref<2x10112x64xf32, #tpu.memory_space<hbm>> -> memref<1x10112x64xf32, #tpu.memory_space<hbm>>
    %dma_start3A_92 = tpu.memref_squeeze %dma_start3A_91 : memref<1x10112x64xf32, #tpu.memory_space<hbm>> -> memref<10112x64xf32, #tpu.memory_space<hbm>>
    %dma_start3A_93 = arith.constant 0 : i32
    %dma_start3A_94 = arith.constant 0 : i32
    %dma_start3A_95 = tpu.memref_slice %dma_start3A_92[%dma_start3A_93, %dma_start3A_94] : memref<10112x64xf32, #tpu.memory_space<hbm>> -> memref<10112x64xf32, #tpu.memory_space<hbm>>
    tpu.enqueue_indirect_dma source(%dma_start3A_95 : memref<10112x64xf32, #tpu.memory_space<hbm>>) target(%dma_start3A_85 : memref<128x64xf32, #tpu.memory_space<vmem>>) offsets(%dma_start3A_88 : memref<128xi32, #tpu.memory_space<vmem>>) semaphore(%arg16 : memref<!tpu.dma_semaphore, #tpu.memory_space<semaphore_mem>>)
    %scan3A = arith.constant 0 : i32
    %scan3A_96 = arith.constant 0 : i32
    %scan3A_97 = arith.constant 27 : i32
    %scan3A_98 = arith.addi %scan3A_96, %scan3A_97 : i32
    %scan3A_99 = arith.constant 1 : i32
    scf.for %scan3A_106 = %scan3A_96 to %scan3A_98 step %scan3A_99  : i32 {
      %mul3A_107 = arith.constant 6 : i32
      %mul3A_108 = arith.muli %scan3A_106, %mul3A_107 : i32
      %add3A = arith.constant 0 : i32
      %add3A_109 = arith.addi %mul3A_108, %add3A : i32
      %lt3A = arith.constant 157 : i32
      %lt3A_110 = arith.cmpi slt, %add3A_109, %lt3A : i32
      %convert_element_type3A = arith.extui %lt3A_110 : i1 to i32
      %cond3A = arith.constant 0 : i32
      %cond3A_111 = arith.cmpi ne, %convert_element_type3A, %cond3A : i32
      scf.if %cond3A_111 {
        %dma_wait3A = arith.constant 0 : i32
        %dma_wait3A_157 = arith.constant 0 : i32
        %dma_wait3A_158 = arith.constant 0 : i32
        %dma_wait3A_159 = tpu.memref_slice %arg9[%dma_wait3A, %dma_wait3A_157, %dma_wait3A_158] : memref<6x128x64xf32, #tpu.memory_space<vmem>> -> memref<1x128x64xf32, #tpu.memory_space<vmem>>
        %dma_wait3A_160 = tpu.memref_squeeze %dma_wait3A_159 : memref<1x128x64xf32, #tpu.memory_space<vmem>> -> memref<128x64xf32, #tpu.memory_space<vmem>>
        %dma_wait3A_161 = arith.constant 0 : i32
        %dma_wait3A_162 = tpu.memref_slice %arg7[%add3A_109, %dma_wait3A_161] : memref<157x128xi32, #tpu.memory_space<vmem>> -> memref<1x128xi32, #tpu.memory_space<vmem>>
        %dma_wait3A_163 = tpu.memref_squeeze %dma_wait3A_162 : memref<1x128xi32, #tpu.memory_space<vmem>> -> memref<128xi32, #tpu.memory_space<vmem>>
        %dma_wait3A_164 = arith.constant 0 : i32
        %dma_wait3A_165 = arith.constant 0 : i32
        %dma_wait3A_166 = tpu.memref_slice %arg4[%arg0, %dma_wait3A_164, %dma_wait3A_165] : memref<2x10112x64xf32, #tpu.memory_space<hbm>> -> memref<1x10112x64xf32, #tpu.memory_space<hbm>>
        %dma_wait3A_167 = tpu.memref_squeeze %dma_wait3A_166 : memref<1x10112x64xf32, #tpu.memory_space<hbm>> -> memref<10112x64xf32, #tpu.memory_space<hbm>>
        %dma_wait3A_168 = arith.constant 0 : i32
        %dma_wait3A_169 = arith.constant 0 : i32
        %dma_wait3A_170 = tpu.memref_slice %dma_wait3A_167[%dma_wait3A_168, %dma_wait3A_169] : memref<10112x64xf32, #tpu.memory_space<hbm>> -> memref<10112x64xf32, #tpu.memory_space<hbm>>
        tpu.wait_indirect_dma semaphore(%arg11 : memref<!tpu.dma_semaphore, #tpu.memory_space<semaphore_mem>>) src(%dma_wait3A_170 : memref<10112x64xf32, #tpu.memory_space<hbm>>) dst(%dma_wait3A_160 : memref<128x64xf32, #tpu.memory_space<vmem>>)
        %run_scoped3A = arith.constant 0 : i32
        "tpu.region"() ({
          %run_scoped3A_178 = tpu.sem_alloc : memref<!tpu.dma_semaphore, #tpu.memory_space<semaphore_mem>>
          %dma_start3A_179 = arith.constant 0 : i32
          %dma_start3A_180 = arith.constant 0 : i32
          %dma_start3A_181 = tpu.memref_slice %arg9[%run_scoped3A, %dma_start3A_179, %dma_start3A_180] : memref<6x128x64xf32, #tpu.memory_space<vmem>> -> memref<1x128x64xf32, #tpu.memory_space<vmem>>
          %dma_start3A_182 = tpu.memref_squeeze %dma_start3A_181 : memref<1x128x64xf32, #tpu.memory_space<vmem>> -> memref<128x64xf32, #tpu.memory_space<vmem>>
          %dma_start3A_183 = arith.constant 0 : i32
          %dma_start3A_184 = tpu.memref_slice %arg8[%add3A_109, %dma_start3A_183] : memref<157x128xi32, #tpu.memory_space<vmem>> -> memref<1x128xi32, #tpu.memory_space<vmem>>
          %dma_start3A_185 = tpu.memref_squeeze %dma_start3A_184 : memref<1x128xi32, #tpu.memory_space<vmem>> -> memref<128xi32, #tpu.memory_space<vmem>>
          %dma_start3A_186 = arith.constant 0 : i32
          %dma_start3A_187 = arith.constant 0 : i32
          %dma_start3A_188 = tpu.memref_slice %arg10[%dma_start3A_186, %dma_start3A_187] : memref<10112x64xf32, #tpu.memory_space<vmem_shared>> -> memref<10112x64xf32, #tpu.memory_space<vmem_shared>>
          tpu.enqueue_indirect_dma source(%dma_start3A_182 : memref<128x64xf32, #tpu.memory_space<vmem>>) target(%dma_start3A_188 : memref<10112x64xf32, #tpu.memory_space<vmem_shared>>) offsets(%dma_start3A_185 : memref<128xi32, #tpu.memory_space<vmem>>) semaphore(%run_scoped3A_178 : memref<!tpu.dma_semaphore, #tpu.memory_space<semaphore_mem>>) {add = true}
          %dma_wait3A_189 = arith.constant 0 : i32
          %dma_wait3A_190 = arith.constant 0 : i32
          %dma_wait3A_191 = tpu.memref_slice %arg9[%run_scoped3A, %dma_wait3A_189, %dma_wait3A_190] : memref<6x128x64xf32, #tpu.memory_space<vmem>> -> memref<1x128x64xf32, #tpu.memory_space<vmem>>
          %dma_wait3A_192 = tpu.memref_squeeze %dma_wait3A_191 : memref<1x128x64xf32, #tpu.memory_space<vmem>> -> memref<128x64xf32, #tpu.memory_space<vmem>>
          %dma_wait3A_193 = arith.constant 0 : i32
          %dma_wait3A_194 = tpu.memref_slice %arg8[%add3A_109, %dma_wait3A_193] : memref<157x128xi32, #tpu.memory_space<vmem>> -> memref<1x128xi32, #tpu.memory_space<vmem>>
          %dma_wait3A_195 = tpu.memref_squeeze %dma_wait3A_194 : memref<1x128xi32, #tpu.memory_space<vmem>> -> memref<128xi32, #tpu.memory_space<vmem>>
          %dma_wait3A_196 = arith.constant 0 : i32
          %dma_wait3A_197 = arith.constant 0 : i32
          %dma_wait3A_198 = tpu.memref_slice %arg10[%dma_wait3A_196, %dma_wait3A_197] : memref<10112x64xf32, #tpu.memory_space<vmem_shared>> -> memref<10112x64xf32, #tpu.memory_space<vmem_shared>>
          tpu.wait_indirect_dma semaphore(%run_scoped3A_178 : memref<!tpu.dma_semaphore, #tpu.memory_space<semaphore_mem>>) src(%dma_wait3A_192 : memref<128x64xf32, #tpu.memory_space<vmem>>) dst(%dma_wait3A_198 : memref<10112x64xf32, #tpu.memory_space<vmem_shared>>)
          tpu.yield
        }) : () -> ()
        %add3A_171 = arith.constant 6 : i32
        %add3A_172 = arith.addi %add3A_109, %add3A_171 : i32
        %lt3A_173 = arith.constant 157 : i32
        %lt3A_174 = arith.cmpi slt, %add3A_172, %lt3A_173 : i32
        %convert_element_type3A_175 = arith.extui %lt3A_174 : i1 to i32
        %cond3A_176 = arith.constant 0 : i32
        %cond3A_177 = arith.cmpi ne, %convert_element_type3A_175, %cond3A_176 : i32
        scf.if %cond3A_177 {
          %dma_start3A_178 = arith.constant 0 : i32
          %dma_start3A_179 = arith.constant 0 : i32
          %dma_start3A_180 = arith.constant 0 : i32
          %dma_start3A_181 = tpu.memref_slice %arg9[%dma_start3A_178, %dma_start3A_179, %dma_start3A_180] : memref<6x128x64xf32, #tpu.memory_space<vmem>> -> memref<1x128x64xf32, #tpu.memory_space<vmem>>
          %dma_start3A_182 = tpu.memref_squeeze %dma_start3A_181 : memref<1x128x64xf32, #tpu.memory_space<vmem>> -> memref<128x64xf32, #tpu.memory_space<vmem>>
          %dma_start3A_183 = arith.constant 0 : i32
          %dma_start3A_184 = tpu.memref_slice %arg7[%add3A_172, %dma_start3A_183] : memref<157x128xi32, #tpu.memory_space<vmem>> -> memref<1x128xi32, #tpu.memory_space<vmem>>
          %dma_start3A_185 = tpu.memref_squeeze %dma_start3A_184 : memref<1x128xi32, #tpu.memory_space<vmem>> -> memref<128xi32, #tpu.memory_space<vmem>>
          %dma_start3A_186 = arith.constant 0 : i32
          %dma_start3A_187 = arith.constant 0 : i32
          %dma_start3A_188 = tpu.memref_slice %arg4[%arg0, %dma_start3A_186, %dma_start3A_187] : memref<2x10112x64xf32, #tpu.memory_space<hbm>> -> memref<1x10112x64xf32, #tpu.memory_space<hbm>>
          %dma_start3A_189 = tpu.memref_squeeze %dma_start3A_188 : memref<1x10112x64xf32, #tpu.memory_space<hbm>> -> memref<10112x64xf32, #tpu.memory_space<hbm>>
          %dma_start3A_190 = arith.constant 0 : i32
          %dma_start3A_191 = arith.constant 0 : i32
          %dma_start3A_192 = tpu.memref_slice %dma_start3A_189[%dma_start3A_190, %dma_start3A_191] : memref<10112x64xf32, #tpu.memory_space<hbm>> -> memref<10112x64xf32, #tpu.memory_space<hbm>>
          tpu.enqueue_indirect_dma source(%dma_start3A_192 : memref<10112x64xf32, #tpu.memory_space<hbm>>) target(%dma_start3A_182 : memref<128x64xf32, #tpu.memory_space<vmem>>) offsets(%dma_start3A_185 : memref<128xi32, #tpu.memory_space<vmem>>) semaphore(%arg11 : memref<!tpu.dma_semaphore, #tpu.memory_space<semaphore_mem>>)
        } else {
        }
      } else {
      }
      %mul3A_112 = arith.constant 6 : i32
      %mul3A_113 = arith.muli %scan3A_106, %mul3A_112 : i32
      %add3A_114 = arith.constant 1 : i32
      %add3A_115 = arith.addi %mul3A_113, %add3A_114 : i32
      %lt3A_116 = arith.constant 157 : i32
      %lt3A_117 = arith.cmpi slt, %add3A_115, %lt3A_116 : i32
      %convert_element_type3A_118 = arith.extui %lt3A_117 : i1 to i32
      %cond3A_119 = arith.constant 0 : i32
      %cond3A_120 = arith.cmpi ne, %convert_element_type3A_118, %cond3A_119 : i32
      scf.if %cond3A_120 {
        %dma_wait3A = arith.constant 1 : i32
        %dma_wait3A_157 = arith.constant 0 : i32
        %dma_wait3A_158 = arith.constant 0 : i32
        %dma_wait3A_159 = tpu.memref_slice %arg9[%dma_wait3A, %dma_wait3A_157, %dma_wait3A_158] : memref<6x128x64xf32, #tpu.memory_space<vmem>> -> memref<1x128x64xf32, #tpu.memory_space<vmem>>
        %dma_wait3A_160 = tpu.memref_squeeze %dma_wait3A_159 : memref<1x128x64xf32, #tpu.memory_space<vmem>> -> memref<128x64xf32, #tpu.memory_space<vmem>>
        %dma_wait3A_161 = arith.constant 0 : i32
        %dma_wait3A_162 = tpu.memref_slice %arg7[%add3A_115, %dma_wait3A_161] : memref<157x128xi32, #tpu.memory_space<vmem>> -> memref<1x128xi32, #tpu.memory_space<vmem>>
        %dma_wait3A_163 = tpu.memref_squeeze %dma_wait3A_162 : memref<1x128xi32, #tpu.memory_space<vmem>> -> memref<128xi32, #tpu.memory_space<vmem>>
        %dma_wait3A_164 = arith.constant 0 : i32
        %dma_wait3A_165 = arith.constant 0 : i32
        %dma_wait3A_166 = tpu.memref_slice %arg4[%arg0, %dma_wait3A_164, %dma_wait3A_165] : memref<2x10112x64xf32, #tpu.memory_space<hbm>> -> memref<1x10112x64xf32, #tpu.memory_space<hbm>>
        %dma_wait3A_167 = tpu.memref_squeeze %dma_wait3A_166 : memref<1x10112x64xf32, #tpu.memory_space<hbm>> -> memref<10112x64xf32, #tpu.memory_space<hbm>>
        %dma_wait3A_168 = arith.constant 0 : i32
        %dma_wait3A_169 = arith.constant 0 : i32
        %dma_wait3A_170 = tpu.memref_slice %dma_wait3A_167[%dma_wait3A_168, %dma_wait3A_169] : memref<10112x64xf32, #tpu.memory_space<hbm>> -> memref<10112x64xf32, #tpu.memory_space<hbm>>
        tpu.wait_indirect_dma semaphore(%arg12 : memref<!tpu.dma_semaphore, #tpu.memory_space<semaphore_mem>>) src(%dma_wait3A_170 : memref<10112x64xf32, #tpu.memory_space<hbm>>) dst(%dma_wait3A_160 : memref<128x64xf32, #tpu.memory_space<vmem>>)
        %run_scoped3A = arith.constant 1 : i32
        "tpu.region"() ({
          %run_scoped3A_178 = tpu.sem_alloc : memref<!tpu.dma_semaphore, #tpu.memory_space<semaphore_mem>>
          %dma_start3A_179 = arith.constant 0 : i32
          %dma_start3A_180 = arith.constant 0 : i32
          %dma_start3A_181 = tpu.memref_slice %arg9[%run_scoped3A, %dma_start3A_179, %dma_start3A_180] : memref<6x128x64xf32, #tpu.memory_space<vmem>> -> memref<1x128x64xf32, #tpu.memory_space<vmem>>
          %dma_start3A_182 = tpu.memref_squeeze %dma_start3A_181 : memref<1x128x64xf32, #tpu.memory_space<vmem>> -> memref<128x64xf32, #tpu.memory_space<vmem>>
          %dma_start3A_183 = arith.constant 0 : i32
          %dma_start3A_184 = tpu.memref_slice %arg8[%add3A_115, %dma_start3A_183] : memref<157x128xi32, #tpu.memory_space<vmem>> -> memref<1x128xi32, #tpu.memory_space<vmem>>
          %dma_start3A_185 = tpu.memref_squeeze %dma_start3A_184 : memref<1x128xi32, #tpu.memory_space<vmem>> -> memref<128xi32, #tpu.memory_space<vmem>>
          %dma_start3A_186 = arith.constant 0 : i32
          %dma_start3A_187 = arith.constant 0 : i32
          %dma_start3A_188 = tpu.memref_slice %arg10[%dma_start3A_186, %dma_start3A_187] : memref<10112x64xf32, #tpu.memory_space<vmem_shared>> -> memref<10112x64xf32, #tpu.memory_space<vmem_shared>>
          tpu.enqueue_indirect_dma source(%dma_start3A_182 : memref<128x64xf32, #tpu.memory_space<vmem>>) target(%dma_start3A_188 : memref<10112x64xf32, #tpu.memory_space<vmem_shared>>) offsets(%dma_start3A_185 : memref<128xi32, #tpu.memory_space<vmem>>) semaphore(%run_scoped3A_178 : memref<!tpu.dma_semaphore, #tpu.memory_space<semaphore_mem>>) {add = true}
          %dma_wait3A_189 = arith.constant 0 : i32
          %dma_wait3A_190 = arith.constant 0 : i32
          %dma_wait3A_191 = tpu.memref_slice %arg9[%run_scoped3A, %dma_wait3A_189, %dma_wait3A_190] : memref<6x128x64xf32, #tpu.memory_space<vmem>> -> memref<1x128x64xf32, #tpu.memory_space<vmem>>
          %dma_wait3A_192 = tpu.memref_squeeze %dma_wait3A_191 : memref<1x128x64xf32, #tpu.memory_space<vmem>> -> memref<128x64xf32, #tpu.memory_space<vmem>>
          %dma_wait3A_193 = arith.constant 0 : i32
          %dma_wait3A_194 = tpu.memref_slice %arg8[%add3A_115, %dma_wait3A_193] : memref<157x128xi32, #tpu.memory_space<vmem>> -> memref<1x128xi32, #tpu.memory_space<vmem>>
          %dma_wait3A_195 = tpu.memref_squeeze %dma_wait3A_194 : memref<1x128xi32, #tpu.memory_space<vmem>> -> memref<128xi32, #tpu.memory_space<vmem>>
          %dma_wait3A_196 = arith.constant 0 : i32
          %dma_wait3A_197 = arith.constant 0 : i32
          %dma_wait3A_198 = tpu.memref_slice %arg10[%dma_wait3A_196, %dma_wait3A_197] : memref<10112x64xf32, #tpu.memory_space<vmem_shared>> -> memref<10112x64xf32, #tpu.memory_space<vmem_shared>>
          tpu.wait_indirect_dma semaphore(%run_scoped3A_178 : memref<!tpu.dma_semaphore, #tpu.memory_space<semaphore_mem>>) src(%dma_wait3A_192 : memref<128x64xf32, #tpu.memory_space<vmem>>) dst(%dma_wait3A_198 : memref<10112x64xf32, #tpu.memory_space<vmem_shared>>)
          tpu.yield
        }) : () -> ()
        %add3A_171 = arith.constant 6 : i32
        %add3A_172 = arith.addi %add3A_115, %add3A_171 : i32
        %lt3A_173 = arith.constant 157 : i32
        %lt3A_174 = arith.cmpi slt, %add3A_172, %lt3A_173 : i32
        %convert_element_type3A_175 = arith.extui %lt3A_174 : i1 to i32
        %cond3A_176 = arith.constant 0 : i32
        %cond3A_177 = arith.cmpi ne, %convert_element_type3A_175, %cond3A_176 : i32
        scf.if %cond3A_177 {
          %dma_start3A_178 = arith.constant 1 : i32
          %dma_start3A_179 = arith.constant 0 : i32
          %dma_start3A_180 = arith.constant 0 : i32
          %dma_start3A_181 = tpu.memref_slice %arg9[%dma_start3A_178, %dma_start3A_179, %dma_start3A_180] : memref<6x128x64xf32, #tpu.memory_space<vmem>> -> memref<1x128x64xf32, #tpu.memory_space<vmem>>
          %dma_start3A_182 = tpu.memref_squeeze %dma_start3A_181 : memref<1x128x64xf32, #tpu.memory_space<vmem>> -> memref<128x64xf32, #tpu.memory_space<vmem>>
          %dma_start3A_183 = arith.constant 0 : i32
          %dma_start3A_184 = tpu.memref_slice %arg7[%add3A_172, %dma_start3A_183] : memref<157x128xi32, #tpu.memory_space<vmem>> -> memref<1x128xi32, #tpu.memory_space<vmem>>
          %dma_start3A_185 = tpu.memref_squeeze %dma_start3A_184 : memref<1x128xi32, #tpu.memory_space<vmem>> -> memref<128xi32, #tpu.memory_space<vmem>>
          %dma_start3A_186 = arith.constant 0 : i32
          %dma_start3A_187 = arith.constant 0 : i32
          %dma_start3A_188 = tpu.memref_slice %arg4[%arg0, %dma_start3A_186, %dma_start3A_187] : memref<2x10112x64xf32, #tpu.memory_space<hbm>> -> memref<1x10112x64xf32, #tpu.memory_space<hbm>>
          %dma_start3A_189 = tpu.memref_squeeze %dma_start3A_188 : memref<1x10112x64xf32, #tpu.memory_space<hbm>> -> memref<10112x64xf32, #tpu.memory_space<hbm>>
          %dma_start3A_190 = arith.constant 0 : i32
          %dma_start3A_191 = arith.constant 0 : i32
          %dma_start3A_192 = tpu.memref_slice %dma_start3A_189[%dma_start3A_190, %dma_start3A_191] : memref<10112x64xf32, #tpu.memory_space<hbm>> -> memref<10112x64xf32, #tpu.memory_space<hbm>>
          tpu.enqueue_indirect_dma source(%dma_start3A_192 : memref<10112x64xf32, #tpu.memory_space<hbm>>) target(%dma_start3A_182 : memref<128x64xf32, #tpu.memory_space<vmem>>) offsets(%dma_start3A_185 : memref<128xi32, #tpu.memory_space<vmem>>) semaphore(%arg12 : memref<!tpu.dma_semaphore, #tpu.memory_space<semaphore_mem>>)
        } else {
        }
      } else {
      }
      %mul3A_121 = arith.constant 6 : i32
      %mul3A_122 = arith.muli %scan3A_106, %mul3A_121 : i32
      %add3A_123 = arith.constant 2 : i32
      %add3A_124 = arith.addi %mul3A_122, %add3A_123 : i32
      %lt3A_125 = arith.constant 157 : i32
      %lt3A_126 = arith.cmpi slt, %add3A_124, %lt3A_125 : i32
      %convert_element_type3A_127 = arith.extui %lt3A_126 : i1 to i32
      %cond3A_128 = arith.constant 0 : i32
      %cond3A_129 = arith.cmpi ne, %convert_element_type3A_127, %cond3A_128 : i32
      scf.if %cond3A_129 {
        %dma_wait3A = arith.constant 2 : i32
        %dma_wait3A_157 = arith.constant 0 : i32
        %dma_wait3A_158 = arith.constant 0 : i32
        %dma_wait3A_159 = tpu.memref_slice %arg9[%dma_wait3A, %dma_wait3A_157, %dma_wait3A_158] : memref<6x128x64xf32, #tpu.memory_space<vmem>> -> memref<1x128x64xf32, #tpu.memory_space<vmem>>
        %dma_wait3A_160 = tpu.memref_squeeze %dma_wait3A_159 : memref<1x128x64xf32, #tpu.memory_space<vmem>> -> memref<128x64xf32, #tpu.memory_space<vmem>>
        %dma_wait3A_161 = arith.constant 0 : i32
        %dma_wait3A_162 = tpu.memref_slice %arg7[%add3A_124, %dma_wait3A_161] : memref<157x128xi32, #tpu.memory_space<vmem>> -> memref<1x128xi32, #tpu.memory_space<vmem>>
        %dma_wait3A_163 = tpu.memref_squeeze %dma_wait3A_162 : memref<1x128xi32, #tpu.memory_space<vmem>> -> memref<128xi32, #tpu.memory_space<vmem>>
        %dma_wait3A_164 = arith.constant 0 : i32
        %dma_wait3A_165 = arith.constant 0 : i32
        %dma_wait3A_166 = tpu.memref_slice %arg4[%arg0, %dma_wait3A_164, %dma_wait3A_165] : memref<2x10112x64xf32, #tpu.memory_space<hbm>> -> memref<1x10112x64xf32, #tpu.memory_space<hbm>>
        %dma_wait3A_167 = tpu.memref_squeeze %dma_wait3A_166 : memref<1x10112x64xf32, #tpu.memory_space<hbm>> -> memref<10112x64xf32, #tpu.memory_space<hbm>>
        %dma_wait3A_168 = arith.constant 0 : i32
        %dma_wait3A_169 = arith.constant 0 : i32
        %dma_wait3A_170 = tpu.memref_slice %dma_wait3A_167[%dma_wait3A_168, %dma_wait3A_169] : memref<10112x64xf32, #tpu.memory_space<hbm>> -> memref<10112x64xf32, #tpu.memory_space<hbm>>
        tpu.wait_indirect_dma semaphore(%arg13 : memref<!tpu.dma_semaphore, #tpu.memory_space<semaphore_mem>>) src(%dma_wait3A_170 : memref<10112x64xf32, #tpu.memory_space<hbm>>) dst(%dma_wait3A_160 : memref<128x64xf32, #tpu.memory_space<vmem>>)
        %run_scoped3A = arith.constant 2 : i32
        "tpu.region"() ({
          %run_scoped3A_178 = tpu.sem_alloc : memref<!tpu.dma_semaphore, #tpu.memory_space<semaphore_mem>>
          %dma_start3A_179 = arith.constant 0 : i32
          %dma_start3A_180 = arith.constant 0 : i32
          %dma_start3A_181 = tpu.memref_slice %arg9[%run_scoped3A, %dma_start3A_179, %dma_start3A_180] : memref<6x128x64xf32, #tpu.memory_space<vmem>> -> memref<1x128x64xf32, #tpu.memory_space<vmem>>
          %dma_start3A_182 = tpu.memref_squeeze %dma_start3A_181 : memref<1x128x64xf32, #tpu.memory_space<vmem>> -> memref<128x64xf32, #tpu.memory_space<vmem>>
          %dma_start3A_183 = arith.constant 0 : i32
          %dma_start3A_184 = tpu.memref_slice %arg8[%add3A_124, %dma_start3A_183] : memref<157x128xi32, #tpu.memory_space<vmem>> -> memref<1x128xi32, #tpu.memory_space<vmem>>
          %dma_start3A_185 = tpu.memref_squeeze %dma_start3A_184 : memref<1x128xi32, #tpu.memory_space<vmem>> -> memref<128xi32, #tpu.memory_space<vmem>>
          %dma_start3A_186 = arith.constant 0 : i32
          %dma_start3A_187 = arith.constant 0 : i32
          %dma_start3A_188 = tpu.memref_slice %arg10[%dma_start3A_186, %dma_start3A_187] : memref<10112x64xf32, #tpu.memory_space<vmem_shared>> -> memref<10112x64xf32, #tpu.memory_space<vmem_shared>>
          tpu.enqueue_indirect_dma source(%dma_start3A_182 : memref<128x64xf32, #tpu.memory_space<vmem>>) target(%dma_start3A_188 : memref<10112x64xf32, #tpu.memory_space<vmem_shared>>) offsets(%dma_start3A_185 : memref<128xi32, #tpu.memory_space<vmem>>) semaphore(%run_scoped3A_178 : memref<!tpu.dma_semaphore, #tpu.memory_space<semaphore_mem>>) {add = true}
          %dma_wait3A_189 = arith.constant 0 : i32
          %dma_wait3A_190 = arith.constant 0 : i32
          %dma_wait3A_191 = tpu.memref_slice %arg9[%run_scoped3A, %dma_wait3A_189, %dma_wait3A_190] : memref<6x128x64xf32, #tpu.memory_space<vmem>> -> memref<1x128x64xf32, #tpu.memory_space<vmem>>
          %dma_wait3A_192 = tpu.memref_squeeze %dma_wait3A_191 : memref<1x128x64xf32, #tpu.memory_space<vmem>> -> memref<128x64xf32, #tpu.memory_space<vmem>>
          %dma_wait3A_193 = arith.constant 0 : i32
          %dma_wait3A_194 = tpu.memref_slice %arg8[%add3A_124, %dma_wait3A_193] : memref<157x128xi32, #tpu.memory_space<vmem>> -> memref<1x128xi32, #tpu.memory_space<vmem>>
          %dma_wait3A_195 = tpu.memref_squeeze %dma_wait3A_194 : memref<1x128xi32, #tpu.memory_space<vmem>> -> memref<128xi32, #tpu.memory_space<vmem>>
          %dma_wait3A_196 = arith.constant 0 : i32
          %dma_wait3A_197 = arith.constant 0 : i32
          %dma_wait3A_198 = tpu.memref_slice %arg10[%dma_wait3A_196, %dma_wait3A_197] : memref<10112x64xf32, #tpu.memory_space<vmem_shared>> -> memref<10112x64xf32, #tpu.memory_space<vmem_shared>>
          tpu.wait_indirect_dma semaphore(%run_scoped3A_178 : memref<!tpu.dma_semaphore, #tpu.memory_space<semaphore_mem>>) src(%dma_wait3A_192 : memref<128x64xf32, #tpu.memory_space<vmem>>) dst(%dma_wait3A_198 : memref<10112x64xf32, #tpu.memory_space<vmem_shared>>)
          tpu.yield
        }) : () -> ()
        %add3A_171 = arith.constant 6 : i32
        %add3A_172 = arith.addi %add3A_124, %add3A_171 : i32
        %lt3A_173 = arith.constant 157 : i32
        %lt3A_174 = arith.cmpi slt, %add3A_172, %lt3A_173 : i32
        %convert_element_type3A_175 = arith.extui %lt3A_174 : i1 to i32
        %cond3A_176 = arith.constant 0 : i32
        %cond3A_177 = arith.cmpi ne, %convert_element_type3A_175, %cond3A_176 : i32
        scf.if %cond3A_177 {
          %dma_start3A_178 = arith.constant 2 : i32
          %dma_start3A_179 = arith.constant 0 : i32
          %dma_start3A_180 = arith.constant 0 : i32
          %dma_start3A_181 = tpu.memref_slice %arg9[%dma_start3A_178, %dma_start3A_179, %dma_start3A_180] : memref<6x128x64xf32, #tpu.memory_space<vmem>> -> memref<1x128x64xf32, #tpu.memory_space<vmem>>
          %dma_start3A_182 = tpu.memref_squeeze %dma_start3A_181 : memref<1x128x64xf32, #tpu.memory_space<vmem>> -> memref<128x64xf32, #tpu.memory_space<vmem>>
          %dma_start3A_183 = arith.constant 0 : i32
          %dma_start3A_184 = tpu.memref_slice %arg7[%add3A_172, %dma_start3A_183] : memref<157x128xi32, #tpu.memory_space<vmem>> -> memref<1x128xi32, #tpu.memory_space<vmem>>
          %dma_start3A_185 = tpu.memref_squeeze %dma_start3A_184 : memref<1x128xi32, #tpu.memory_space<vmem>> -> memref<128xi32, #tpu.memory_space<vmem>>
          %dma_start3A_186 = arith.constant 0 : i32
          %dma_start3A_187 = arith.constant 0 : i32
          %dma_start3A_188 = tpu.memref_slice %arg4[%arg0, %dma_start3A_186, %dma_start3A_187] : memref<2x10112x64xf32, #tpu.memory_space<hbm>> -> memref<1x10112x64xf32, #tpu.memory_space<hbm>>
          %dma_start3A_189 = tpu.memref_squeeze %dma_start3A_188 : memref<1x10112x64xf32, #tpu.memory_space<hbm>> -> memref<10112x64xf32, #tpu.memory_space<hbm>>
          %dma_start3A_190 = arith.constant 0 : i32
          %dma_start3A_191 = arith.constant 0 : i32
          %dma_start3A_192 = tpu.memref_slice %dma_start3A_189[%dma_start3A_190, %dma_start3A_191] : memref<10112x64xf32, #tpu.memory_space<hbm>> -> memref<10112x64xf32, #tpu.memory_space<hbm>>
          tpu.enqueue_indirect_dma source(%dma_start3A_192 : memref<10112x64xf32, #tpu.memory_space<hbm>>) target(%dma_start3A_182 : memref<128x64xf32, #tpu.memory_space<vmem>>) offsets(%dma_start3A_185 : memref<128xi32, #tpu.memory_space<vmem>>) semaphore(%arg13 : memref<!tpu.dma_semaphore, #tpu.memory_space<semaphore_mem>>)
        } else {
        }
      } else {
      }
      %mul3A_130 = arith.constant 6 : i32
      %mul3A_131 = arith.muli %scan3A_106, %mul3A_130 : i32
      %add3A_132 = arith.constant 3 : i32
      %add3A_133 = arith.addi %mul3A_131, %add3A_132 : i32
      %lt3A_134 = arith.constant 157 : i32
      %lt3A_135 = arith.cmpi slt, %add3A_133, %lt3A_134 : i32
      %convert_element_type3A_136 = arith.extui %lt3A_135 : i1 to i32
      %cond3A_137 = arith.constant 0 : i32
      %cond3A_138 = arith.cmpi ne, %convert_element_type3A_136, %cond3A_137 : i32
      scf.if %cond3A_138 {
        %dma_wait3A = arith.constant 3 : i32
        %dma_wait3A_157 = arith.constant 0 : i32
        %dma_wait3A_158 = arith.constant 0 : i32
        %dma_wait3A_159 = tpu.memref_slice %arg9[%dma_wait3A, %dma_wait3A_157, %dma_wait3A_158] : memref<6x128x64xf32, #tpu.memory_space<vmem>> -> memref<1x128x64xf32, #tpu.memory_space<vmem>>
        %dma_wait3A_160 = tpu.memref_squeeze %dma_wait3A_159 : memref<1x128x64xf32, #tpu.memory_space<vmem>> -> memref<128x64xf32, #tpu.memory_space<vmem>>
        %dma_wait3A_161 = arith.constant 0 : i32
        %dma_wait3A_162 = tpu.memref_slice %arg7[%add3A_133, %dma_wait3A_161] : memref<157x128xi32, #tpu.memory_space<vmem>> -> memref<1x128xi32, #tpu.memory_space<vmem>>
        %dma_wait3A_163 = tpu.memref_squeeze %dma_wait3A_162 : memref<1x128xi32, #tpu.memory_space<vmem>> -> memref<128xi32, #tpu.memory_space<vmem>>
        %dma_wait3A_164 = arith.constant 0 : i32
        %dma_wait3A_165 = arith.constant 0 : i32
        %dma_wait3A_166 = tpu.memref_slice %arg4[%arg0, %dma_wait3A_164, %dma_wait3A_165] : memref<2x10112x64xf32, #tpu.memory_space<hbm>> -> memref<1x10112x64xf32, #tpu.memory_space<hbm>>
        %dma_wait3A_167 = tpu.memref_squeeze %dma_wait3A_166 : memref<1x10112x64xf32, #tpu.memory_space<hbm>> -> memref<10112x64xf32, #tpu.memory_space<hbm>>
        %dma_wait3A_168 = arith.constant 0 : i32
        %dma_wait3A_169 = arith.constant 0 : i32
        %dma_wait3A_170 = tpu.memref_slice %dma_wait3A_167[%dma_wait3A_168, %dma_wait3A_169] : memref<10112x64xf32, #tpu.memory_space<hbm>> -> memref<10112x64xf32, #tpu.memory_space<hbm>>
        tpu.wait_indirect_dma semaphore(%arg14 : memref<!tpu.dma_semaphore, #tpu.memory_space<semaphore_mem>>) src(%dma_wait3A_170 : memref<10112x64xf32, #tpu.memory_space<hbm>>) dst(%dma_wait3A_160 : memref<128x64xf32, #tpu.memory_space<vmem>>)
        %run_scoped3A = arith.constant 3 : i32
        "tpu.region"() ({
          %run_scoped3A_178 = tpu.sem_alloc : memref<!tpu.dma_semaphore, #tpu.memory_space<semaphore_mem>>
          %dma_start3A_179 = arith.constant 0 : i32
          %dma_start3A_180 = arith.constant 0 : i32
          %dma_start3A_181 = tpu.memref_slice %arg9[%run_scoped3A, %dma_start3A_179, %dma_start3A_180] : memref<6x128x64xf32, #tpu.memory_space<vmem>> -> memref<1x128x64xf32, #tpu.memory_space<vmem>>
          %dma_start3A_182 = tpu.memref_squeeze %dma_start3A_181 : memref<1x128x64xf32, #tpu.memory_space<vmem>> -> memref<128x64xf32, #tpu.memory_space<vmem>>
          %dma_start3A_183 = arith.constant 0 : i32
          %dma_start3A_184 = tpu.memref_slice %arg8[%add3A_133, %dma_start3A_183] : memref<157x128xi32, #tpu.memory_space<vmem>> -> memref<1x128xi32, #tpu.memory_space<vmem>>
          %dma_start3A_185 = tpu.memref_squeeze %dma_start3A_184 : memref<1x128xi32, #tpu.memory_space<vmem>> -> memref<128xi32, #tpu.memory_space<vmem>>
          %dma_start3A_186 = arith.constant 0 : i32
          %dma_start3A_187 = arith.constant 0 : i32
          %dma_start3A_188 = tpu.memref_slice %arg10[%dma_start3A_186, %dma_start3A_187] : memref<10112x64xf32, #tpu.memory_space<vmem_shared>> -> memref<10112x64xf32, #tpu.memory_space<vmem_shared>>
          tpu.enqueue_indirect_dma source(%dma_start3A_182 : memref<128x64xf32, #tpu.memory_space<vmem>>) target(%dma_start3A_188 : memref<10112x64xf32, #tpu.memory_space<vmem_shared>>) offsets(%dma_start3A_185 : memref<128xi32, #tpu.memory_space<vmem>>) semaphore(%run_scoped3A_178 : memref<!tpu.dma_semaphore, #tpu.memory_space<semaphore_mem>>) {add = true}
          %dma_wait3A_189 = arith.constant 0 : i32
          %dma_wait3A_190 = arith.constant 0 : i32
          %dma_wait3A_191 = tpu.memref_slice %arg9[%run_scoped3A, %dma_wait3A_189, %dma_wait3A_190] : memref<6x128x64xf32, #tpu.memory_space<vmem>> -> memref<1x128x64xf32, #tpu.memory_space<vmem>>
          %dma_wait3A_192 = tpu.memref_squeeze %dma_wait3A_191 : memref<1x128x64xf32, #tpu.memory_space<vmem>> -> memref<128x64xf32, #tpu.memory_space<vmem>>
          %dma_wait3A_193 = arith.constant 0 : i32
          %dma_wait3A_194 = tpu.memref_slice %arg8[%add3A_133, %dma_wait3A_193] : memref<157x128xi32, #tpu.memory_space<vmem>> -> memref<1x128xi32, #tpu.memory_space<vmem>>
          %dma_wait3A_195 = tpu.memref_squeeze %dma_wait3A_194 : memref<1x128xi32, #tpu.memory_space<vmem>> -> memref<128xi32, #tpu.memory_space<vmem>>
          %dma_wait3A_196 = arith.constant 0 : i32
          %dma_wait3A_197 = arith.constant 0 : i32
          %dma_wait3A_198 = tpu.memref_slice %arg10[%dma_wait3A_196, %dma_wait3A_197] : memref<10112x64xf32, #tpu.memory_space<vmem_shared>> -> memref<10112x64xf32, #tpu.memory_space<vmem_shared>>
          tpu.wait_indirect_dma semaphore(%run_scoped3A_178 : memref<!tpu.dma_semaphore, #tpu.memory_space<semaphore_mem>>) src(%dma_wait3A_192 : memref<128x64xf32, #tpu.memory_space<vmem>>) dst(%dma_wait3A_198 : memref<10112x64xf32, #tpu.memory_space<vmem_shared>>)
          tpu.yield
        }) : () -> ()
        %add3A_171 = arith.constant 6 : i32
        %add3A_172 = arith.addi %add3A_133, %add3A_171 : i32
        %lt3A_173 = arith.constant 157 : i32
        %lt3A_174 = arith.cmpi slt, %add3A_172, %lt3A_173 : i32
        %convert_element_type3A_175 = arith.extui %lt3A_174 : i1 to i32
        %cond3A_176 = arith.constant 0 : i32
        %cond3A_177 = arith.cmpi ne, %convert_element_type3A_175, %cond3A_176 : i32
        scf.if %cond3A_177 {
          %dma_start3A_178 = arith.constant 3 : i32
          %dma_start3A_179 = arith.constant 0 : i32
          %dma_start3A_180 = arith.constant 0 : i32
          %dma_start3A_181 = tpu.memref_slice %arg9[%dma_start3A_178, %dma_start3A_179, %dma_start3A_180] : memref<6x128x64xf32, #tpu.memory_space<vmem>> -> memref<1x128x64xf32, #tpu.memory_space<vmem>>
          %dma_start3A_182 = tpu.memref_squeeze %dma_start3A_181 : memref<1x128x64xf32, #tpu.memory_space<vmem>> -> memref<128x64xf32, #tpu.memory_space<vmem>>
          %dma_start3A_183 = arith.constant 0 : i32
          %dma_start3A_184 = tpu.memref_slice %arg7[%add3A_172, %dma_start3A_183] : memref<157x128xi32, #tpu.memory_space<vmem>> -> memref<1x128xi32, #tpu.memory_space<vmem>>
          %dma_start3A_185 = tpu.memref_squeeze %dma_start3A_184 : memref<1x128xi32, #tpu.memory_space<vmem>> -> memref<128xi32, #tpu.memory_space<vmem>>
          %dma_start3A_186 = arith.constant 0 : i32
          %dma_start3A_187 = arith.constant 0 : i32
          %dma_start3A_188 = tpu.memref_slice %arg4[%arg0, %dma_start3A_186, %dma_start3A_187] : memref<2x10112x64xf32, #tpu.memory_space<hbm>> -> memref<1x10112x64xf32, #tpu.memory_space<hbm>>
          %dma_start3A_189 = tpu.memref_squeeze %dma_start3A_188 : memref<1x10112x64xf32, #tpu.memory_space<hbm>> -> memref<10112x64xf32, #tpu.memory_space<hbm>>
          %dma_start3A_190 = arith.constant 0 : i32
          %dma_start3A_191 = arith.constant 0 : i32
          %dma_start3A_192 = tpu.memref_slice %dma_start3A_189[%dma_start3A_190, %dma_start3A_191] : memref<10112x64xf32, #tpu.memory_space<hbm>> -> memref<10112x64xf32, #tpu.memory_space<hbm>>
          tpu.enqueue_indirect_dma source(%dma_start3A_192 : memref<10112x64xf32, #tpu.memory_space<hbm>>) target(%dma_start3A_182 : memref<128x64xf32, #tpu.memory_space<vmem>>) offsets(%dma_start3A_185 : memref<128xi32, #tpu.memory_space<vmem>>) semaphore(%arg14 : memref<!tpu.dma_semaphore, #tpu.memory_space<semaphore_mem>>)
        } else {
        }
      } else {
      }
      %mul3A_139 = arith.constant 6 : i32
      %mul3A_140 = arith.muli %scan3A_106, %mul3A_139 : i32
      %add3A_141 = arith.constant 4 : i32
      %add3A_142 = arith.addi %mul3A_140, %add3A_141 : i32
      %lt3A_143 = arith.constant 157 : i32
      %lt3A_144 = arith.cmpi slt, %add3A_142, %lt3A_143 : i32
      %convert_element_type3A_145 = arith.extui %lt3A_144 : i1 to i32
      %cond3A_146 = arith.constant 0 : i32
      %cond3A_147 = arith.cmpi ne, %convert_element_type3A_145, %cond3A_146 : i32
      scf.if %cond3A_147 {
        %dma_wait3A = arith.constant 4 : i32
        %dma_wait3A_157 = arith.constant 0 : i32
        %dma_wait3A_158 = arith.constant 0 : i32
        %dma_wait3A_159 = tpu.memref_slice %arg9[%dma_wait3A, %dma_wait3A_157, %dma_wait3A_158] : memref<6x128x64xf32, #tpu.memory_space<vmem>> -> memref<1x128x64xf32, #tpu.memory_space<vmem>>
        %dma_wait3A_160 = tpu.memref_squeeze %dma_wait3A_159 : memref<1x128x64xf32, #tpu.memory_space<vmem>> -> memref<128x64xf32, #tpu.memory_space<vmem>>
        %dma_wait3A_161 = arith.constant 0 : i32
        %dma_wait3A_162 = tpu.memref_slice %arg7[%add3A_142, %dma_wait3A_161] : memref<157x128xi32, #tpu.memory_space<vmem>> -> memref<1x128xi32, #tpu.memory_space<vmem>>
        %dma_wait3A_163 = tpu.memref_squeeze %dma_wait3A_162 : memref<1x128xi32, #tpu.memory_space<vmem>> -> memref<128xi32, #tpu.memory_space<vmem>>
        %dma_wait3A_164 = arith.constant 0 : i32
        %dma_wait3A_165 = arith.constant 0 : i32
        %dma_wait3A_166 = tpu.memref_slice %arg4[%arg0, %dma_wait3A_164, %dma_wait3A_165] : memref<2x10112x64xf32, #tpu.memory_space<hbm>> -> memref<1x10112x64xf32, #tpu.memory_space<hbm>>
        %dma_wait3A_167 = tpu.memref_squeeze %dma_wait3A_166 : memref<1x10112x64xf32, #tpu.memory_space<hbm>> -> memref<10112x64xf32, #tpu.memory_space<hbm>>
        %dma_wait3A_168 = arith.constant 0 : i32
        %dma_wait3A_169 = arith.constant 0 : i32
        %dma_wait3A_170 = tpu.memref_slice %dma_wait3A_167[%dma_wait3A_168, %dma_wait3A_169] : memref<10112x64xf32, #tpu.memory_space<hbm>> -> memref<10112x64xf32, #tpu.memory_space<hbm>>
        tpu.wait_indirect_dma semaphore(%arg15 : memref<!tpu.dma_semaphore, #tpu.memory_space<semaphore_mem>>) src(%dma_wait3A_170 : memref<10112x64xf32, #tpu.memory_space<hbm>>) dst(%dma_wait3A_160 : memref<128x64xf32, #tpu.memory_space<vmem>>)
        %run_scoped3A = arith.constant 4 : i32
        "tpu.region"() ({
          %run_scoped3A_178 = tpu.sem_alloc : memref<!tpu.dma_semaphore, #tpu.memory_space<semaphore_mem>>
          %dma_start3A_179 = arith.constant 0 : i32
          %dma_start3A_180 = arith.constant 0 : i32
          %dma_start3A_181 = tpu.memref_slice %arg9[%run_scoped3A, %dma_start3A_179, %dma_start3A_180] : memref<6x128x64xf32, #tpu.memory_space<vmem>> -> memref<1x128x64xf32, #tpu.memory_space<vmem>>
          %dma_start3A_182 = tpu.memref_squeeze %dma_start3A_181 : memref<1x128x64xf32, #tpu.memory_space<vmem>> -> memref<128x64xf32, #tpu.memory_space<vmem>>
          %dma_start3A_183 = arith.constant 0 : i32
          %dma_start3A_184 = tpu.memref_slice %arg8[%add3A_142, %dma_start3A_183] : memref<157x128xi32, #tpu.memory_space<vmem>> -> memref<1x128xi32, #tpu.memory_space<vmem>>
          %dma_start3A_185 = tpu.memref_squeeze %dma_start3A_184 : memref<1x128xi32, #tpu.memory_space<vmem>> -> memref<128xi32, #tpu.memory_space<vmem>>
          %dma_start3A_186 = arith.constant 0 : i32
          %dma_start3A_187 = arith.constant 0 : i32
          %dma_start3A_188 = tpu.memref_slice %arg10[%dma_start3A_186, %dma_start3A_187] : memref<10112x64xf32, #tpu.memory_space<vmem_shared>> -> memref<10112x64xf32, #tpu.memory_space<vmem_shared>>
          tpu.enqueue_indirect_dma source(%dma_start3A_182 : memref<128x64xf32, #tpu.memory_space<vmem>>) target(%dma_start3A_188 : memref<10112x64xf32, #tpu.memory_space<vmem_shared>>) offsets(%dma_start3A_185 : memref<128xi32, #tpu.memory_space<vmem>>) semaphore(%run_scoped3A_178 : memref<!tpu.dma_semaphore, #tpu.memory_space<semaphore_mem>>) {add = true}
          %dma_wait3A_189 = arith.constant 0 : i32
          %dma_wait3A_190 = arith.constant 0 : i32
          %dma_wait3A_191 = tpu.memref_slice %arg9[%run_scoped3A, %dma_wait3A_189, %dma_wait3A_190] : memref<6x128x64xf32, #tpu.memory_space<vmem>> -> memref<1x128x64xf32, #tpu.memory_space<vmem>>
          %dma_wait3A_192 = tpu.memref_squeeze %dma_wait3A_191 : memref<1x128x64xf32, #tpu.memory_space<vmem>> -> memref<128x64xf32, #tpu.memory_space<vmem>>
          %dma_wait3A_193 = arith.constant 0 : i32
          %dma_wait3A_194 = tpu.memref_slice %arg8[%add3A_142, %dma_wait3A_193] : memref<157x128xi32, #tpu.memory_space<vmem>> -> memref<1x128xi32, #tpu.memory_space<vmem>>
          %dma_wait3A_195 = tpu.memref_squeeze %dma_wait3A_194 : memref<1x128xi32, #tpu.memory_space<vmem>> -> memref<128xi32, #tpu.memory_space<vmem>>
          %dma_wait3A_196 = arith.constant 0 : i32
          %dma_wait3A_197 = arith.constant 0 : i32
          %dma_wait3A_198 = tpu.memref_slice %arg10[%dma_wait3A_196, %dma_wait3A_197] : memref<10112x64xf32, #tpu.memory_space<vmem_shared>> -> memref<10112x64xf32, #tpu.memory_space<vmem_shared>>
          tpu.wait_indirect_dma semaphore(%run_scoped3A_178 : memref<!tpu.dma_semaphore, #tpu.memory_space<semaphore_mem>>) src(%dma_wait3A_192 : memref<128x64xf32, #tpu.memory_space<vmem>>) dst(%dma_wait3A_198 : memref<10112x64xf32, #tpu.memory_space<vmem_shared>>)
          tpu.yield
        }) : () -> ()
        %add3A_171 = arith.constant 6 : i32
        %add3A_172 = arith.addi %add3A_142, %add3A_171 : i32
        %lt3A_173 = arith.constant 157 : i32
        %lt3A_174 = arith.cmpi slt, %add3A_172, %lt3A_173 : i32
        %convert_element_type3A_175 = arith.extui %lt3A_174 : i1 to i32
        %cond3A_176 = arith.constant 0 : i32
        %cond3A_177 = arith.cmpi ne, %convert_element_type3A_175, %cond3A_176 : i32
        scf.if %cond3A_177 {
          %dma_start3A_178 = arith.constant 4 : i32
          %dma_start3A_179 = arith.constant 0 : i32
          %dma_start3A_180 = arith.constant 0 : i32
          %dma_start3A_181 = tpu.memref_slice %arg9[%dma_start3A_178, %dma_start3A_179, %dma_start3A_180] : memref<6x128x64xf32, #tpu.memory_space<vmem>> -> memref<1x128x64xf32, #tpu.memory_space<vmem>>
          %dma_start3A_182 = tpu.memref_squeeze %dma_start3A_181 : memref<1x128x64xf32, #tpu.memory_space<vmem>> -> memref<128x64xf32, #tpu.memory_space<vmem>>
          %dma_start3A_183 = arith.constant 0 : i32
          %dma_start3A_184 = tpu.memref_slice %arg7[%add3A_172, %dma_start3A_183] : memref<157x128xi32, #tpu.memory_space<vmem>> -> memref<1x128xi32, #tpu.memory_space<vmem>>
          %dma_start3A_185 = tpu.memref_squeeze %dma_start3A_184 : memref<1x128xi32, #tpu.memory_space<vmem>> -> memref<128xi32, #tpu.memory_space<vmem>>
          %dma_start3A_186 = arith.constant 0 : i32
          %dma_start3A_187 = arith.constant 0 : i32
          %dma_start3A_188 = tpu.memref_slice %arg4[%arg0, %dma_start3A_186, %dma_start3A_187] : memref<2x10112x64xf32, #tpu.memory_space<hbm>> -> memref<1x10112x64xf32, #tpu.memory_space<hbm>>
          %dma_start3A_189 = tpu.memref_squeeze %dma_start3A_188 : memref<1x10112x64xf32, #tpu.memory_space<hbm>> -> memref<10112x64xf32, #tpu.memory_space<hbm>>
          %dma_start3A_190 = arith.constant 0 : i32
          %dma_start3A_191 = arith.constant 0 : i32
          %dma_start3A_192 = tpu.memref_slice %dma_start3A_189[%dma_start3A_190, %dma_start3A_191] : memref<10112x64xf32, #tpu.memory_space<hbm>> -> memref<10112x64xf32, #tpu.memory_space<hbm>>
          tpu.enqueue_indirect_dma source(%dma_start3A_192 : memref<10112x64xf32, #tpu.memory_space<hbm>>) target(%dma_start3A_182 : memref<128x64xf32, #tpu.memory_space<vmem>>) offsets(%dma_start3A_185 : memref<128xi32, #tpu.memory_space<vmem>>) semaphore(%arg15 : memref<!tpu.dma_semaphore, #tpu.memory_space<semaphore_mem>>)
        } else {
        }
      } else {
      }
      %mul3A_148 = arith.constant 6 : i32
      %mul3A_149 = arith.muli %scan3A_106, %mul3A_148 : i32
      %add3A_150 = arith.constant 5 : i32
      %add3A_151 = arith.addi %mul3A_149, %add3A_150 : i32
      %lt3A_152 = arith.constant 157 : i32
      %lt3A_153 = arith.cmpi slt, %add3A_151, %lt3A_152 : i32
      %convert_element_type3A_154 = arith.extui %lt3A_153 : i1 to i32
      %cond3A_155 = arith.constant 0 : i32
      %cond3A_156 = arith.cmpi ne, %convert_element_type3A_154, %cond3A_155 : i32
      scf.if %cond3A_156 {
        %dma_wait3A = arith.constant 5 : i32
        %dma_wait3A_157 = arith.constant 0 : i32
        %dma_wait3A_158 = arith.constant 0 : i32
        %dma_wait3A_159 = tpu.memref_slice %arg9[%dma_wait3A, %dma_wait3A_157, %dma_wait3A_158] : memref<6x128x64xf32, #tpu.memory_space<vmem>> -> memref<1x128x64xf32, #tpu.memory_space<vmem>>
        %dma_wait3A_160 = tpu.memref_squeeze %dma_wait3A_159 : memref<1x128x64xf32, #tpu.memory_space<vmem>> -> memref<128x64xf32, #tpu.memory_space<vmem>>
        %dma_wait3A_161 = arith.constant 0 : i32
        %dma_wait3A_162 = tpu.memref_slice %arg7[%add3A_151, %dma_wait3A_161] : memref<157x128xi32, #tpu.memory_space<vmem>> -> memref<1x128xi32, #tpu.memory_space<vmem>>
        %dma_wait3A_163 = tpu.memref_squeeze %dma_wait3A_162 : memref<1x128xi32, #tpu.memory_space<vmem>> -> memref<128xi32, #tpu.memory_space<vmem>>
        %dma_wait3A_164 = arith.constant 0 : i32
        %dma_wait3A_165 = arith.constant 0 : i32
        %dma_wait3A_166 = tpu.memref_slice %arg4[%arg0, %dma_wait3A_164, %dma_wait3A_165] : memref<2x10112x64xf32, #tpu.memory_space<hbm>> -> memref<1x10112x64xf32, #tpu.memory_space<hbm>>
        %dma_wait3A_167 = tpu.memref_squeeze %dma_wait3A_166 : memref<1x10112x64xf32, #tpu.memory_space<hbm>> -> memref<10112x64xf32, #tpu.memory_space<hbm>>
        %dma_wait3A_168 = arith.constant 0 : i32
        %dma_wait3A_169 = arith.constant 0 : i32
        %dma_wait3A_170 = tpu.memref_slice %dma_wait3A_167[%dma_wait3A_168, %dma_wait3A_169] : memref<10112x64xf32, #tpu.memory_space<hbm>> -> memref<10112x64xf32, #tpu.memory_space<hbm>>
        tpu.wait_indirect_dma semaphore(%arg16 : memref<!tpu.dma_semaphore, #tpu.memory_space<semaphore_mem>>) src(%dma_wait3A_170 : memref<10112x64xf32, #tpu.memory_space<hbm>>) dst(%dma_wait3A_160 : memref<128x64xf32, #tpu.memory_space<vmem>>)
        %run_scoped3A = arith.constant 5 : i32
        "tpu.region"() ({
          %run_scoped3A_178 = tpu.sem_alloc : memref<!tpu.dma_semaphore, #tpu.memory_space<semaphore_mem>>
          %dma_start3A_179 = arith.constant 0 : i32
          %dma_start3A_180 = arith.constant 0 : i32
          %dma_start3A_181 = tpu.memref_slice %arg9[%run_scoped3A, %dma_start3A_179, %dma_start3A_180] : memref<6x128x64xf32, #tpu.memory_space<vmem>> -> memref<1x128x64xf32, #tpu.memory_space<vmem>>
          %dma_start3A_182 = tpu.memref_squeeze %dma_start3A_181 : memref<1x128x64xf32, #tpu.memory_space<vmem>> -> memref<128x64xf32, #tpu.memory_space<vmem>>
          %dma_start3A_183 = arith.constant 0 : i32
          %dma_start3A_184 = tpu.memref_slice %arg8[%add3A_151, %dma_start3A_183] : memref<157x128xi32, #tpu.memory_space<vmem>> -> memref<1x128xi32, #tpu.memory_space<vmem>>
          %dma_start3A_185 = tpu.memref_squeeze %dma_start3A_184 : memref<1x128xi32, #tpu.memory_space<vmem>> -> memref<128xi32, #tpu.memory_space<vmem>>
          %dma_start3A_186 = arith.constant 0 : i32
          %dma_start3A_187 = arith.constant 0 : i32
          %dma_start3A_188 = tpu.memref_slice %arg10[%dma_start3A_186, %dma_start3A_187] : memref<10112x64xf32, #tpu.memory_space<vmem_shared>> -> memref<10112x64xf32, #tpu.memory_space<vmem_shared>>
          tpu.enqueue_indirect_dma source(%dma_start3A_182 : memref<128x64xf32, #tpu.memory_space<vmem>>) target(%dma_start3A_188 : memref<10112x64xf32, #tpu.memory_space<vmem_shared>>) offsets(%dma_start3A_185 : memref<128xi32, #tpu.memory_space<vmem>>) semaphore(%run_scoped3A_178 : memref<!tpu.dma_semaphore, #tpu.memory_space<semaphore_mem>>) {add = true}
          %dma_wait3A_189 = arith.constant 0 : i32
          %dma_wait3A_190 = arith.constant 0 : i32
          %dma_wait3A_191 = tpu.memref_slice %arg9[%run_scoped3A, %dma_wait3A_189, %dma_wait3A_190] : memref<6x128x64xf32, #tpu.memory_space<vmem>> -> memref<1x128x64xf32, #tpu.memory_space<vmem>>
          %dma_wait3A_192 = tpu.memref_squeeze %dma_wait3A_191 : memref<1x128x64xf32, #tpu.memory_space<vmem>> -> memref<128x64xf32, #tpu.memory_space<vmem>>
          %dma_wait3A_193 = arith.constant 0 : i32
          %dma_wait3A_194 = tpu.memref_slice %arg8[%add3A_151, %dma_wait3A_193] : memref<157x128xi32, #tpu.memory_space<vmem>> -> memref<1x128xi32, #tpu.memory_space<vmem>>
          %dma_wait3A_195 = tpu.memref_squeeze %dma_wait3A_194 : memref<1x128xi32, #tpu.memory_space<vmem>> -> memref<128xi32, #tpu.memory_space<vmem>>
          %dma_wait3A_196 = arith.constant 0 : i32
          %dma_wait3A_197 = arith.constant 0 : i32
          %dma_wait3A_198 = tpu.memref_slice %arg10[%dma_wait3A_196, %dma_wait3A_197] : memref<10112x64xf32, #tpu.memory_space<vmem_shared>> -> memref<10112x64xf32, #tpu.memory_space<vmem_shared>>
          tpu.wait_indirect_dma semaphore(%run_scoped3A_178 : memref<!tpu.dma_semaphore, #tpu.memory_space<semaphore_mem>>) src(%dma_wait3A_192 : memref<128x64xf32, #tpu.memory_space<vmem>>) dst(%dma_wait3A_198 : memref<10112x64xf32, #tpu.memory_space<vmem_shared>>)
          tpu.yield
        }) : () -> ()
        %add3A_171 = arith.constant 6 : i32
        %add3A_172 = arith.addi %add3A_151, %add3A_171 : i32
        %lt3A_173 = arith.constant 157 : i32
        %lt3A_174 = arith.cmpi slt, %add3A_172, %lt3A_173 : i32
        %convert_element_type3A_175 = arith.extui %lt3A_174 : i1 to i32
        %cond3A_176 = arith.constant 0 : i32
        %cond3A_177 = arith.cmpi ne, %convert_element_type3A_175, %cond3A_176 : i32
        scf.if %cond3A_177 {
          %dma_start3A_178 = arith.constant 5 : i32
          %dma_start3A_179 = arith.constant 0 : i32
          %dma_start3A_180 = arith.constant 0 : i32
          %dma_start3A_181 = tpu.memref_slice %arg9[%dma_start3A_178, %dma_start3A_179, %dma_start3A_180] : memref<6x128x64xf32, #tpu.memory_space<vmem>> -> memref<1x128x64xf32, #tpu.memory_space<vmem>>
          %dma_start3A_182 = tpu.memref_squeeze %dma_start3A_181 : memref<1x128x64xf32, #tpu.memory_space<vmem>> -> memref<128x64xf32, #tpu.memory_space<vmem>>
          %dma_start3A_183 = arith.constant 0 : i32
          %dma_start3A_184 = tpu.memref_slice %arg7[%add3A_172, %dma_start3A_183] : memref<157x128xi32, #tpu.memory_space<vmem>> -> memref<1x128xi32, #tpu.memory_space<vmem>>
          %dma_start3A_185 = tpu.memref_squeeze %dma_start3A_184 : memref<1x128xi32, #tpu.memory_space<vmem>> -> memref<128xi32, #tpu.memory_space<vmem>>
          %dma_start3A_186 = arith.constant 0 : i32
          %dma_start3A_187 = arith.constant 0 : i32
          %dma_start3A_188 = tpu.memref_slice %arg4[%arg0, %dma_start3A_186, %dma_start3A_187] : memref<2x10112x64xf32, #tpu.memory_space<hbm>> -> memref<1x10112x64xf32, #tpu.memory_space<hbm>>
          %dma_start3A_189 = tpu.memref_squeeze %dma_start3A_188 : memref<1x10112x64xf32, #tpu.memory_space<hbm>> -> memref<10112x64xf32, #tpu.memory_space<hbm>>
          %dma_start3A_190 = arith.constant 0 : i32
          %dma_start3A_191 = arith.constant 0 : i32
          %dma_start3A_192 = tpu.memref_slice %dma_start3A_189[%dma_start3A_190, %dma_start3A_191] : memref<10112x64xf32, #tpu.memory_space<hbm>> -> memref<10112x64xf32, #tpu.memory_space<hbm>>
          tpu.enqueue_indirect_dma source(%dma_start3A_192 : memref<10112x64xf32, #tpu.memory_space<hbm>>) target(%dma_start3A_182 : memref<128x64xf32, #tpu.memory_space<vmem>>) offsets(%dma_start3A_185 : memref<128xi32, #tpu.memory_space<vmem>>) semaphore(%arg16 : memref<!tpu.dma_semaphore, #tpu.memory_space<semaphore_mem>>)
        } else {
        }
      } else {
      }
    }
    %scan3A_100 = arith.constant 27 : i32
    %barrier3A_101 = arith.constant 0 : index
    tpu.barrier barrier_id(%barrier3A_101)
    %mul3A_102 = arith.constant 632 : i32
    %mul3A_103 = arith.muli %arg1, %mul3A_102 : i32
    %mul3A_104 = arith.constant 632 : i32
    %mul3A_105 = arith.muli %arg1, %mul3A_104 : i32
    "tpu.region"() ({
      %run_scoped3A = tpu.sem_alloc : memref<!tpu.dma_semaphore, #tpu.memory_space<semaphore_mem>>
      %dma_start3A_106 = arith.constant 0 : i32
      %dma_start3A_107 = tpu.memref_slice %arg6[%arg0, %mul3A_105, %dma_start3A_106] : memref<2x10112x64xf32, #tpu.memory_space<hbm>> -> memref<1x632x64xf32, #tpu.memory_space<hbm>>
      %dma_start3A_108 = tpu.memref_squeeze %dma_start3A_107 : memref<1x632x64xf32, #tpu.memory_space<hbm>> -> memref<632x64xf32, #tpu.memory_space<hbm>>
      %dma_start3A_109 = arith.constant 0 : i32
      %dma_start3A_110 = tpu.memref_slice %arg10[%mul3A_103, %dma_start3A_109] : memref<10112x64xf32, #tpu.memory_space<vmem_shared>> -> memref<632x64xf32, #tpu.memory_space<vmem_shared>>
      tpu.enqueue_dma source(%dma_start3A_110 : memref<632x64xf32, #tpu.memory_space<vmem_shared>>) target(%dma_start3A_108 : memref<632x64xf32, #tpu.memory_space<hbm>>) target_semaphore(%run_scoped3A : memref<!tpu.dma_semaphore, #tpu.memory_space<semaphore_mem>>)
      %dma_wait3A = arith.constant 0 : i32
      %dma_wait3A_111 = tpu.memref_slice %arg6[%arg0, %mul3A_105, %dma_wait3A] : memref<2x10112x64xf32, #tpu.memory_space<hbm>> -> memref<1x632x64xf32, #tpu.memory_space<hbm>>
      %dma_wait3A_112 = tpu.memref_squeeze %dma_wait3A_111 : memref<1x632x64xf32, #tpu.memory_space<hbm>> -> memref<632x64xf32, #tpu.memory_space<hbm>>
      %dma_wait3A_113 = arith.constant 0 : i32
      %dma_wait3A_114 = tpu.memref_slice %arg10[%mul3A_103, %dma_wait3A_113] : memref<10112x64xf32, #tpu.memory_space<vmem_shared>> -> memref<632x64xf32, #tpu.memory_space<vmem_shared>>
      tpu.wait_dma2 semaphore(%run_scoped3A : memref<!tpu.dma_semaphore, #tpu.memory_space<semaphore_mem>>) src(%dma_wait3A_114 : memref<632x64xf32, #tpu.memory_space<vmem_shared>>) dst(%dma_wait3A_112 : memref<632x64xf32, #tpu.memory_space<hbm>>)
      tpu.yield
    }) : () -> ()
    return
  }
}

#map = affine_map<(d0, d1) -> (0, 0, 0)>
#map1 = affine_map<(d0, d1) -> (0, 0)>
module attributes {stable_mosaic.version = 14 : i64} {
  func.func @deg_kernel(%arg0: i32, %arg1: i32, %arg2: memref<16x157x128xi32, #tpu.memory_space<hbm>>, %arg3: memref<128x8xf32, #tpu.memory_space<hbm>>, %arg4: memref<632x8xf32, #tpu.memory_space<hbm>>, %arg5: memref<2x10112x8xf32, #tpu.memory_space<hbm>>, %arg6: memref<157x128xi32, #tpu.memory_space<vmem>>, %arg7: memref<128x8xf32, #tpu.memory_space<vmem>>, %arg8: memref<10112x8xf32, #tpu.memory_space<vmem_shared>>) attributes {dimension_semantics = [#tpu.dimension_semantics<core_parallel>, #tpu.dimension_semantics<subcore_parallel>], iteration_bounds = array<i64: 2, 16>, scalar_prefetch = 0 : i64, scratch_operands = 3 : i64, tpu.core_type = #tpu.core_type<sc_vector_subcore>, window_params = [{transform_indices = #map}, {transform_indices = #map1}, {transform_indices = #map1}, {transform_indices = #map}]} {
    %mul3A = arith.constant 632 : i32
    %mul3A_0 = arith.muli %arg1, %mul3A : i32
    "tpu.region"() ({
      %run_scoped3A = tpu.sem_alloc : memref<!tpu.dma_semaphore, #tpu.memory_space<semaphore_mem>>
      %dma_start3A = arith.constant 0 : i32
      %dma_start3A_11 = tpu.memref_slice %arg8[%mul3A_0, %dma_start3A] : memref<10112x8xf32, #tpu.memory_space<vmem_shared>> -> memref<632x8xf32, #tpu.memory_space<vmem_shared>>
      tpu.enqueue_dma source(%arg4 : memref<632x8xf32, #tpu.memory_space<hbm>>) target(%dma_start3A_11 : memref<632x8xf32, #tpu.memory_space<vmem_shared>>) target_semaphore(%run_scoped3A : memref<!tpu.dma_semaphore, #tpu.memory_space<semaphore_mem>>)
      %dma_wait3A = arith.constant 0 : i32
      %dma_wait3A_12 = tpu.memref_slice %arg8[%mul3A_0, %dma_wait3A] : memref<10112x8xf32, #tpu.memory_space<vmem_shared>> -> memref<632x8xf32, #tpu.memory_space<vmem_shared>>
      tpu.wait_dma2 semaphore(%run_scoped3A : memref<!tpu.dma_semaphore, #tpu.memory_space<semaphore_mem>>) src(%arg4 : memref<632x8xf32, #tpu.memory_space<hbm>>) dst(%dma_wait3A_12 : memref<632x8xf32, #tpu.memory_space<vmem_shared>>)
      tpu.yield
    }) : () -> ()
    "tpu.region"() ({
      %run_scoped3A = tpu.sem_alloc : memref<!tpu.dma_semaphore, #tpu.memory_space<semaphore_mem>>
      tpu.enqueue_dma source(%arg3 : memref<128x8xf32, #tpu.memory_space<hbm>>) target(%arg7 : memref<128x8xf32, #tpu.memory_space<vmem>>) target_semaphore(%run_scoped3A : memref<!tpu.dma_semaphore, #tpu.memory_space<semaphore_mem>>)
      tpu.wait_dma2 semaphore(%run_scoped3A : memref<!tpu.dma_semaphore, #tpu.memory_space<semaphore_mem>>) src(%arg3 : memref<128x8xf32, #tpu.memory_space<hbm>>) dst(%arg7 : memref<128x8xf32, #tpu.memory_space<vmem>>)
      tpu.yield
    }) : () -> ()
    "tpu.region"() ({
      %run_scoped3A = tpu.sem_alloc : memref<!tpu.dma_semaphore, #tpu.memory_space<semaphore_mem>>
      %dma_start3A = arith.constant 0 : i32
      %dma_start3A_11 = arith.constant 0 : i32
      %dma_start3A_12 = tpu.memref_slice %arg2[%arg1, %dma_start3A, %dma_start3A_11] : memref<16x157x128xi32, #tpu.memory_space<hbm>> -> memref<1x157x128xi32, #tpu.memory_space<hbm>>
      %dma_start3A_13 = tpu.memref_squeeze %dma_start3A_12 : memref<1x157x128xi32, #tpu.memory_space<hbm>> -> memref<157x128xi32, #tpu.memory_space<hbm>>
      %dma_start3A_14 = arith.constant 0 : i32
      %dma_start3A_15 = arith.constant 0 : i32
      %dma_start3A_16 = tpu.memref_slice %arg2[%arg1, %dma_start3A_14, %dma_start3A_15] : memref<16x157x128xi32, #tpu.memory_space<hbm>> -> memref<1x157x128xi32, #tpu.memory_space<hbm>>
      %dma_start3A_17 = tpu.memref_squeeze %dma_start3A_16 : memref<1x157x128xi32, #tpu.memory_space<hbm>> -> memref<157x128xi32, #tpu.memory_space<hbm>>
      tpu.enqueue_dma source(%dma_start3A_17 : memref<157x128xi32, #tpu.memory_space<hbm>>) target(%arg6 : memref<157x128xi32, #tpu.memory_space<vmem>>) target_semaphore(%run_scoped3A : memref<!tpu.dma_semaphore, #tpu.memory_space<semaphore_mem>>)
      %dma_wait3A = arith.constant 0 : i32
      %dma_wait3A_18 = arith.constant 0 : i32
      %dma_wait3A_19 = tpu.memref_slice %arg2[%arg1, %dma_wait3A, %dma_wait3A_18] : memref<16x157x128xi32, #tpu.memory_space<hbm>> -> memref<1x157x128xi32, #tpu.memory_space<hbm>>
      %dma_wait3A_20 = tpu.memref_squeeze %dma_wait3A_19 : memref<1x157x128xi32, #tpu.memory_space<hbm>> -> memref<157x128xi32, #tpu.memory_space<hbm>>
      %dma_wait3A_21 = arith.constant 0 : i32
      %dma_wait3A_22 = arith.constant 0 : i32
      %dma_wait3A_23 = tpu.memref_slice %arg2[%arg1, %dma_wait3A_21, %dma_wait3A_22] : memref<16x157x128xi32, #tpu.memory_space<hbm>> -> memref<1x157x128xi32, #tpu.memory_space<hbm>>
      %dma_wait3A_24 = tpu.memref_squeeze %dma_wait3A_23 : memref<1x157x128xi32, #tpu.memory_space<hbm>> -> memref<157x128xi32, #tpu.memory_space<hbm>>
      tpu.wait_dma2 semaphore(%run_scoped3A : memref<!tpu.dma_semaphore, #tpu.memory_space<semaphore_mem>>) src(%dma_wait3A_24 : memref<157x128xi32, #tpu.memory_space<hbm>>) dst(%arg6 : memref<157x128xi32, #tpu.memory_space<vmem>>)
      tpu.yield
    }) : () -> ()
    %barrier3A = arith.constant 0 : index
    tpu.barrier barrier_id(%barrier3A)
    %scan3A = arith.constant 0 : i32
    %scan3A_1 = arith.constant 0 : i32
    %scan3A_2 = arith.constant 79 : i32
    %scan3A_3 = arith.addi %scan3A_1, %scan3A_2 : i32
    %scan3A_4 = arith.constant 1 : i32
    scf.for %scan3A_11 = %scan3A_1 to %scan3A_3 step %scan3A_4  : i32 {
      %mul3A_12 = arith.constant 2 : i32
      %mul3A_13 = arith.muli %mul3A_12, %scan3A_11 : i32
      %add3A = arith.addi %mul3A_13, %arg0 : i32
      %lt3A = arith.constant 157 : i32
      %lt3A_14 = arith.cmpi slt, %add3A, %lt3A : i32
      %convert_element_type3A = arith.extui %lt3A_14 : i1 to i32
      %cond3A = arith.constant 0 : i32
      %cond3A_15 = arith.cmpi ne, %convert_element_type3A, %cond3A : i32
      scf.if %cond3A_15 {
        "tpu.region"() ({
          %run_scoped3A = tpu.sem_alloc : memref<!tpu.dma_semaphore, #tpu.memory_space<semaphore_mem>>
          %dma_start3A = arith.constant 0 : i32
          %dma_start3A_16 = tpu.memref_slice %arg6[%add3A, %dma_start3A] : memref<157x128xi32, #tpu.memory_space<vmem>> -> memref<1x128xi32, #tpu.memory_space<vmem>>
          %dma_start3A_17 = tpu.memref_squeeze %dma_start3A_16 : memref<1x128xi32, #tpu.memory_space<vmem>> -> memref<128xi32, #tpu.memory_space<vmem>>
          %dma_start3A_18 = arith.constant 0 : i32
          %dma_start3A_19 = arith.constant 0 : i32
          %dma_start3A_20 = tpu.memref_slice %arg8[%dma_start3A_18, %dma_start3A_19] : memref<10112x8xf32, #tpu.memory_space<vmem_shared>> -> memref<10112x8xf32, #tpu.memory_space<vmem_shared>>
          tpu.enqueue_indirect_dma source(%arg7 : memref<128x8xf32, #tpu.memory_space<vmem>>) target(%dma_start3A_20 : memref<10112x8xf32, #tpu.memory_space<vmem_shared>>) offsets(%dma_start3A_17 : memref<128xi32, #tpu.memory_space<vmem>>) semaphore(%run_scoped3A : memref<!tpu.dma_semaphore, #tpu.memory_space<semaphore_mem>>) {add = true}
          %dma_wait3A = arith.constant 0 : i32
          %dma_wait3A_21 = tpu.memref_slice %arg6[%add3A, %dma_wait3A] : memref<157x128xi32, #tpu.memory_space<vmem>> -> memref<1x128xi32, #tpu.memory_space<vmem>>
          %dma_wait3A_22 = tpu.memref_squeeze %dma_wait3A_21 : memref<1x128xi32, #tpu.memory_space<vmem>> -> memref<128xi32, #tpu.memory_space<vmem>>
          %dma_wait3A_23 = arith.constant 0 : i32
          %dma_wait3A_24 = arith.constant 0 : i32
          %dma_wait3A_25 = tpu.memref_slice %arg8[%dma_wait3A_23, %dma_wait3A_24] : memref<10112x8xf32, #tpu.memory_space<vmem_shared>> -> memref<10112x8xf32, #tpu.memory_space<vmem_shared>>
          tpu.wait_indirect_dma semaphore(%run_scoped3A : memref<!tpu.dma_semaphore, #tpu.memory_space<semaphore_mem>>) src(%arg7 : memref<128x8xf32, #tpu.memory_space<vmem>>) dst(%dma_wait3A_25 : memref<10112x8xf32, #tpu.memory_space<vmem_shared>>)
          tpu.yield
        }) : () -> ()
      } else {
      }
    }
    %scan3A_5 = arith.constant 79 : i32
    %barrier3A_6 = arith.constant 0 : index
    tpu.barrier barrier_id(%barrier3A_6)
    %mul3A_7 = arith.constant 632 : i32
    %mul3A_8 = arith.muli %arg1, %mul3A_7 : i32
    %mul3A_9 = arith.constant 632 : i32
    %mul3A_10 = arith.muli %arg1, %mul3A_9 : i32
    "tpu.region"() ({
      %run_scoped3A = tpu.sem_alloc : memref<!tpu.dma_semaphore, #tpu.memory_space<semaphore_mem>>
      %dma_start3A = arith.constant 0 : i32
      %dma_start3A_11 = tpu.memref_slice %arg5[%arg0, %mul3A_10, %dma_start3A] : memref<2x10112x8xf32, #tpu.memory_space<hbm>> -> memref<1x632x8xf32, #tpu.memory_space<hbm>>
      %dma_start3A_12 = tpu.memref_squeeze %dma_start3A_11 : memref<1x632x8xf32, #tpu.memory_space<hbm>> -> memref<632x8xf32, #tpu.memory_space<hbm>>
      %dma_start3A_13 = arith.constant 0 : i32
      %dma_start3A_14 = tpu.memref_slice %arg8[%mul3A_8, %dma_start3A_13] : memref<10112x8xf32, #tpu.memory_space<vmem_shared>> -> memref<632x8xf32, #tpu.memory_space<vmem_shared>>
      tpu.enqueue_dma source(%dma_start3A_14 : memref<632x8xf32, #tpu.memory_space<vmem_shared>>) target(%dma_start3A_12 : memref<632x8xf32, #tpu.memory_space<hbm>>) target_semaphore(%run_scoped3A : memref<!tpu.dma_semaphore, #tpu.memory_space<semaphore_mem>>)
      %dma_wait3A = arith.constant 0 : i32
      %dma_wait3A_15 = tpu.memref_slice %arg5[%arg0, %mul3A_10, %dma_wait3A] : memref<2x10112x8xf32, #tpu.memory_space<hbm>> -> memref<1x632x8xf32, #tpu.memory_space<hbm>>
      %dma_wait3A_16 = tpu.memref_squeeze %dma_wait3A_15 : memref<1x632x8xf32, #tpu.memory_space<hbm>> -> memref<632x8xf32, #tpu.memory_space<hbm>>
      %dma_wait3A_17 = arith.constant 0 : i32
      %dma_wait3A_18 = tpu.memref_slice %arg8[%mul3A_8, %dma_wait3A_17] : memref<10112x8xf32, #tpu.memory_space<vmem_shared>> -> memref<632x8xf32, #tpu.memory_space<vmem_shared>>
      tpu.wait_dma2 semaphore(%run_scoped3A : memref<!tpu.dma_semaphore, #tpu.memory_space<semaphore_mem>>) src(%dma_wait3A_18 : memref<632x8xf32, #tpu.memory_space<vmem_shared>>) dst(%dma_wait3A_16 : memref<632x8xf32, #tpu.memory_space<hbm>>)
      tpu.yield
    }) : () -> ()
    return
  }
}

#map = affine_map<(d0, d1) -> (0, 0, 0)>
#map1 = affine_map<(d0, d1) -> (0, 0)>
module attributes {stable_mosaic.version = 14 : i64} {
  func.func @agg_kernel(%arg0: i32, %arg1: i32, %arg2: memref<16x157x128xi32, #tpu.memory_space<hbm>>, %arg3: memref<16x157x128xi32, #tpu.memory_space<hbm>>, %arg4: memref<2x10112x8xf32, #tpu.memory_space<hbm>>, %arg5: memref<632x8xf32, #tpu.memory_space<hbm>>, %arg6: memref<2x10112x8xf32, #tpu.memory_space<hbm>>, %arg7: memref<157x128xi32, #tpu.memory_space<vmem>>, %arg8: memref<157x128xi32, #tpu.memory_space<vmem>>, %arg9: memref<6x128x8xf32, #tpu.memory_space<vmem>>, %arg10: memref<10112x8xf32, #tpu.memory_space<vmem_shared>>, %arg11: memref<!tpu.dma_semaphore, #tpu.memory_space<semaphore_mem>>, %arg12: memref<!tpu.dma_semaphore, #tpu.memory_space<semaphore_mem>>, %arg13: memref<!tpu.dma_semaphore, #tpu.memory_space<semaphore_mem>>, %arg14: memref<!tpu.dma_semaphore, #tpu.memory_space<semaphore_mem>>, %arg15: memref<!tpu.dma_semaphore, #tpu.memory_space<semaphore_mem>>, %arg16: memref<!tpu.dma_semaphore, #tpu.memory_space<semaphore_mem>>) attributes {dimension_semantics = [#tpu.dimension_semantics<core_parallel>, #tpu.dimension_semantics<subcore_parallel>], iteration_bounds = array<i64: 2, 16>, scalar_prefetch = 0 : i64, scratch_operands = 10 : i64, tpu.core_type = #tpu.core_type<sc_vector_subcore>, window_params = [{transform_indices = #map}, {transform_indices = #map}, {transform_indices = #map}, {transform_indices = #map1}, {transform_indices = #map}]} {
    %mul3A = arith.constant 632 : i32
    %mul3A_0 = arith.muli %arg1, %mul3A : i32
    "tpu.region"() ({
      %run_scoped3A = tpu.sem_alloc : memref<!tpu.dma_semaphore, #tpu.memory_space<semaphore_mem>>
      %dma_start3A_106 = arith.constant 0 : i32
      %dma_start3A_107 = tpu.memref_slice %arg10[%mul3A_0, %dma_start3A_106] : memref<10112x8xf32, #tpu.memory_space<vmem_shared>> -> memref<632x8xf32, #tpu.memory_space<vmem_shared>>
      tpu.enqueue_dma source(%arg5 : memref<632x8xf32, #tpu.memory_space<hbm>>) target(%dma_start3A_107 : memref<632x8xf32, #tpu.memory_space<vmem_shared>>) target_semaphore(%run_scoped3A : memref<!tpu.dma_semaphore, #tpu.memory_space<semaphore_mem>>)
      %dma_wait3A = arith.constant 0 : i32
      %dma_wait3A_108 = tpu.memref_slice %arg10[%mul3A_0, %dma_wait3A] : memref<10112x8xf32, #tpu.memory_space<vmem_shared>> -> memref<632x8xf32, #tpu.memory_space<vmem_shared>>
      tpu.wait_dma2 semaphore(%run_scoped3A : memref<!tpu.dma_semaphore, #tpu.memory_space<semaphore_mem>>) src(%arg5 : memref<632x8xf32, #tpu.memory_space<hbm>>) dst(%dma_wait3A_108 : memref<632x8xf32, #tpu.memory_space<vmem_shared>>)
      tpu.yield
    }) : () -> ()
    "tpu.region"() ({
      %run_scoped3A = tpu.sem_alloc : memref<!tpu.dma_semaphore, #tpu.memory_space<semaphore_mem>>
      %dma_start3A_106 = arith.constant 0 : i32
      %dma_start3A_107 = arith.constant 0 : i32
      %dma_start3A_108 = tpu.memref_slice %arg2[%arg1, %dma_start3A_106, %dma_start3A_107] : memref<16x157x128xi32, #tpu.memory_space<hbm>> -> memref<1x157x128xi32, #tpu.memory_space<hbm>>
      %dma_start3A_109 = tpu.memref_squeeze %dma_start3A_108 : memref<1x157x128xi32, #tpu.memory_space<hbm>> -> memref<157x128xi32, #tpu.memory_space<hbm>>
      %dma_start3A_110 = arith.constant 0 : i32
      %dma_start3A_111 = arith.constant 0 : i32
      %dma_start3A_112 = tpu.memref_slice %arg2[%arg1, %dma_start3A_110, %dma_start3A_111] : memref<16x157x128xi32, #tpu.memory_space<hbm>> -> memref<1x157x128xi32, #tpu.memory_space<hbm>>
      %dma_start3A_113 = tpu.memref_squeeze %dma_start3A_112 : memref<1x157x128xi32, #tpu.memory_space<hbm>> -> memref<157x128xi32, #tpu.memory_space<hbm>>
      tpu.enqueue_dma source(%dma_start3A_113 : memref<157x128xi32, #tpu.memory_space<hbm>>) target(%arg7 : memref<157x128xi32, #tpu.memory_space<vmem>>) target_semaphore(%run_scoped3A : memref<!tpu.dma_semaphore, #tpu.memory_space<semaphore_mem>>)
      %dma_wait3A = arith.constant 0 : i32
      %dma_wait3A_114 = arith.constant 0 : i32
      %dma_wait3A_115 = tpu.memref_slice %arg2[%arg1, %dma_wait3A, %dma_wait3A_114] : memref<16x157x128xi32, #tpu.memory_space<hbm>> -> memref<1x157x128xi32, #tpu.memory_space<hbm>>
      %dma_wait3A_116 = tpu.memref_squeeze %dma_wait3A_115 : memref<1x157x128xi32, #tpu.memory_space<hbm>> -> memref<157x128xi32, #tpu.memory_space<hbm>>
      %dma_wait3A_117 = arith.constant 0 : i32
      %dma_wait3A_118 = arith.constant 0 : i32
      %dma_wait3A_119 = tpu.memref_slice %arg2[%arg1, %dma_wait3A_117, %dma_wait3A_118] : memref<16x157x128xi32, #tpu.memory_space<hbm>> -> memref<1x157x128xi32, #tpu.memory_space<hbm>>
      %dma_wait3A_120 = tpu.memref_squeeze %dma_wait3A_119 : memref<1x157x128xi32, #tpu.memory_space<hbm>> -> memref<157x128xi32, #tpu.memory_space<hbm>>
      tpu.wait_dma2 semaphore(%run_scoped3A : memref<!tpu.dma_semaphore, #tpu.memory_space<semaphore_mem>>) src(%dma_wait3A_120 : memref<157x128xi32, #tpu.memory_space<hbm>>) dst(%arg7 : memref<157x128xi32, #tpu.memory_space<vmem>>)
      tpu.yield
    }) : () -> ()
    "tpu.region"() ({
      %run_scoped3A = tpu.sem_alloc : memref<!tpu.dma_semaphore, #tpu.memory_space<semaphore_mem>>
      %dma_start3A_106 = arith.constant 0 : i32
      %dma_start3A_107 = arith.constant 0 : i32
      %dma_start3A_108 = tpu.memref_slice %arg3[%arg1, %dma_start3A_106, %dma_start3A_107] : memref<16x157x128xi32, #tpu.memory_space<hbm>> -> memref<1x157x128xi32, #tpu.memory_space<hbm>>
      %dma_start3A_109 = tpu.memref_squeeze %dma_start3A_108 : memref<1x157x128xi32, #tpu.memory_space<hbm>> -> memref<157x128xi32, #tpu.memory_space<hbm>>
      %dma_start3A_110 = arith.constant 0 : i32
      %dma_start3A_111 = arith.constant 0 : i32
      %dma_start3A_112 = tpu.memref_slice %arg3[%arg1, %dma_start3A_110, %dma_start3A_111] : memref<16x157x128xi32, #tpu.memory_space<hbm>> -> memref<1x157x128xi32, #tpu.memory_space<hbm>>
      %dma_start3A_113 = tpu.memref_squeeze %dma_start3A_112 : memref<1x157x128xi32, #tpu.memory_space<hbm>> -> memref<157x128xi32, #tpu.memory_space<hbm>>
      tpu.enqueue_dma source(%dma_start3A_113 : memref<157x128xi32, #tpu.memory_space<hbm>>) target(%arg8 : memref<157x128xi32, #tpu.memory_space<vmem>>) target_semaphore(%run_scoped3A : memref<!tpu.dma_semaphore, #tpu.memory_space<semaphore_mem>>)
      %dma_wait3A = arith.constant 0 : i32
      %dma_wait3A_114 = arith.constant 0 : i32
      %dma_wait3A_115 = tpu.memref_slice %arg3[%arg1, %dma_wait3A, %dma_wait3A_114] : memref<16x157x128xi32, #tpu.memory_space<hbm>> -> memref<1x157x128xi32, #tpu.memory_space<hbm>>
      %dma_wait3A_116 = tpu.memref_squeeze %dma_wait3A_115 : memref<1x157x128xi32, #tpu.memory_space<hbm>> -> memref<157x128xi32, #tpu.memory_space<hbm>>
      %dma_wait3A_117 = arith.constant 0 : i32
      %dma_wait3A_118 = arith.constant 0 : i32
      %dma_wait3A_119 = tpu.memref_slice %arg3[%arg1, %dma_wait3A_117, %dma_wait3A_118] : memref<16x157x128xi32, #tpu.memory_space<hbm>> -> memref<1x157x128xi32, #tpu.memory_space<hbm>>
      %dma_wait3A_120 = tpu.memref_squeeze %dma_wait3A_119 : memref<1x157x128xi32, #tpu.memory_space<hbm>> -> memref<157x128xi32, #tpu.memory_space<hbm>>
      tpu.wait_dma2 semaphore(%run_scoped3A : memref<!tpu.dma_semaphore, #tpu.memory_space<semaphore_mem>>) src(%dma_wait3A_120 : memref<157x128xi32, #tpu.memory_space<hbm>>) dst(%arg8 : memref<157x128xi32, #tpu.memory_space<vmem>>)
      tpu.yield
    }) : () -> ()
    %barrier3A = arith.constant 0 : index
    tpu.barrier barrier_id(%barrier3A)
    %dma_start3A = arith.constant 0 : i32
    %dma_start3A_1 = arith.constant 0 : i32
    %dma_start3A_2 = arith.constant 0 : i32
    %dma_start3A_3 = arith.constant 0 : i32
    %dma_start3A_4 = tpu.memref_slice %arg9[%dma_start3A_1, %dma_start3A_2, %dma_start3A_3] : memref<6x128x8xf32, #tpu.memory_space<vmem>> -> memref<1x128x8xf32, #tpu.memory_space<vmem>>
    %dma_start3A_5 = tpu.memref_squeeze %dma_start3A_4 : memref<1x128x8xf32, #tpu.memory_space<vmem>> -> memref<128x8xf32, #tpu.memory_space<vmem>>
    %dma_start3A_6 = arith.constant 0 : i32
    %dma_start3A_7 = tpu.memref_slice %arg7[%dma_start3A, %dma_start3A_6] : memref<157x128xi32, #tpu.memory_space<vmem>> -> memref<1x128xi32, #tpu.memory_space<vmem>>
    %dma_start3A_8 = tpu.memref_squeeze %dma_start3A_7 : memref<1x128xi32, #tpu.memory_space<vmem>> -> memref<128xi32, #tpu.memory_space<vmem>>
    %dma_start3A_9 = arith.constant 0 : i32
    %dma_start3A_10 = arith.constant 0 : i32
    %dma_start3A_11 = tpu.memref_slice %arg4[%arg0, %dma_start3A_9, %dma_start3A_10] : memref<2x10112x8xf32, #tpu.memory_space<hbm>> -> memref<1x10112x8xf32, #tpu.memory_space<hbm>>
    %dma_start3A_12 = tpu.memref_squeeze %dma_start3A_11 : memref<1x10112x8xf32, #tpu.memory_space<hbm>> -> memref<10112x8xf32, #tpu.memory_space<hbm>>
    %dma_start3A_13 = arith.constant 0 : i32
    %dma_start3A_14 = arith.constant 0 : i32
    %dma_start3A_15 = tpu.memref_slice %dma_start3A_12[%dma_start3A_13, %dma_start3A_14] : memref<10112x8xf32, #tpu.memory_space<hbm>> -> memref<10112x8xf32, #tpu.memory_space<hbm>>
    tpu.enqueue_indirect_dma source(%dma_start3A_15 : memref<10112x8xf32, #tpu.memory_space<hbm>>) target(%dma_start3A_5 : memref<128x8xf32, #tpu.memory_space<vmem>>) offsets(%dma_start3A_8 : memref<128xi32, #tpu.memory_space<vmem>>) semaphore(%arg11 : memref<!tpu.dma_semaphore, #tpu.memory_space<semaphore_mem>>)
    %dma_start3A_16 = arith.constant 1 : i32
    %dma_start3A_17 = arith.constant 1 : i32
    %dma_start3A_18 = arith.constant 0 : i32
    %dma_start3A_19 = arith.constant 0 : i32
    %dma_start3A_20 = tpu.memref_slice %arg9[%dma_start3A_17, %dma_start3A_18, %dma_start3A_19] : memref<6x128x8xf32, #tpu.memory_space<vmem>> -> memref<1x128x8xf32, #tpu.memory_space<vmem>>
    %dma_start3A_21 = tpu.memref_squeeze %dma_start3A_20 : memref<1x128x8xf32, #tpu.memory_space<vmem>> -> memref<128x8xf32, #tpu.memory_space<vmem>>
    %dma_start3A_22 = arith.constant 0 : i32
    %dma_start3A_23 = tpu.memref_slice %arg7[%dma_start3A_16, %dma_start3A_22] : memref<157x128xi32, #tpu.memory_space<vmem>> -> memref<1x128xi32, #tpu.memory_space<vmem>>
    %dma_start3A_24 = tpu.memref_squeeze %dma_start3A_23 : memref<1x128xi32, #tpu.memory_space<vmem>> -> memref<128xi32, #tpu.memory_space<vmem>>
    %dma_start3A_25 = arith.constant 0 : i32
    %dma_start3A_26 = arith.constant 0 : i32
    %dma_start3A_27 = tpu.memref_slice %arg4[%arg0, %dma_start3A_25, %dma_start3A_26] : memref<2x10112x8xf32, #tpu.memory_space<hbm>> -> memref<1x10112x8xf32, #tpu.memory_space<hbm>>
    %dma_start3A_28 = tpu.memref_squeeze %dma_start3A_27 : memref<1x10112x8xf32, #tpu.memory_space<hbm>> -> memref<10112x8xf32, #tpu.memory_space<hbm>>
    %dma_start3A_29 = arith.constant 0 : i32
    %dma_start3A_30 = arith.constant 0 : i32
    %dma_start3A_31 = tpu.memref_slice %dma_start3A_28[%dma_start3A_29, %dma_start3A_30] : memref<10112x8xf32, #tpu.memory_space<hbm>> -> memref<10112x8xf32, #tpu.memory_space<hbm>>
    tpu.enqueue_indirect_dma source(%dma_start3A_31 : memref<10112x8xf32, #tpu.memory_space<hbm>>) target(%dma_start3A_21 : memref<128x8xf32, #tpu.memory_space<vmem>>) offsets(%dma_start3A_24 : memref<128xi32, #tpu.memory_space<vmem>>) semaphore(%arg12 : memref<!tpu.dma_semaphore, #tpu.memory_space<semaphore_mem>>)
    %dma_start3A_32 = arith.constant 2 : i32
    %dma_start3A_33 = arith.constant 2 : i32
    %dma_start3A_34 = arith.constant 0 : i32
    %dma_start3A_35 = arith.constant 0 : i32
    %dma_start3A_36 = tpu.memref_slice %arg9[%dma_start3A_33, %dma_start3A_34, %dma_start3A_35] : memref<6x128x8xf32, #tpu.memory_space<vmem>> -> memref<1x128x8xf32, #tpu.memory_space<vmem>>
    %dma_start3A_37 = tpu.memref_squeeze %dma_start3A_36 : memref<1x128x8xf32, #tpu.memory_space<vmem>> -> memref<128x8xf32, #tpu.memory_space<vmem>>
    %dma_start3A_38 = arith.constant 0 : i32
    %dma_start3A_39 = tpu.memref_slice %arg7[%dma_start3A_32, %dma_start3A_38] : memref<157x128xi32, #tpu.memory_space<vmem>> -> memref<1x128xi32, #tpu.memory_space<vmem>>
    %dma_start3A_40 = tpu.memref_squeeze %dma_start3A_39 : memref<1x128xi32, #tpu.memory_space<vmem>> -> memref<128xi32, #tpu.memory_space<vmem>>
    %dma_start3A_41 = arith.constant 0 : i32
    %dma_start3A_42 = arith.constant 0 : i32
    %dma_start3A_43 = tpu.memref_slice %arg4[%arg0, %dma_start3A_41, %dma_start3A_42] : memref<2x10112x8xf32, #tpu.memory_space<hbm>> -> memref<1x10112x8xf32, #tpu.memory_space<hbm>>
    %dma_start3A_44 = tpu.memref_squeeze %dma_start3A_43 : memref<1x10112x8xf32, #tpu.memory_space<hbm>> -> memref<10112x8xf32, #tpu.memory_space<hbm>>
    %dma_start3A_45 = arith.constant 0 : i32
    %dma_start3A_46 = arith.constant 0 : i32
    %dma_start3A_47 = tpu.memref_slice %dma_start3A_44[%dma_start3A_45, %dma_start3A_46] : memref<10112x8xf32, #tpu.memory_space<hbm>> -> memref<10112x8xf32, #tpu.memory_space<hbm>>
    tpu.enqueue_indirect_dma source(%dma_start3A_47 : memref<10112x8xf32, #tpu.memory_space<hbm>>) target(%dma_start3A_37 : memref<128x8xf32, #tpu.memory_space<vmem>>) offsets(%dma_start3A_40 : memref<128xi32, #tpu.memory_space<vmem>>) semaphore(%arg13 : memref<!tpu.dma_semaphore, #tpu.memory_space<semaphore_mem>>)
    %dma_start3A_48 = arith.constant 3 : i32
    %dma_start3A_49 = arith.constant 3 : i32
    %dma_start3A_50 = arith.constant 0 : i32
    %dma_start3A_51 = arith.constant 0 : i32
    %dma_start3A_52 = tpu.memref_slice %arg9[%dma_start3A_49, %dma_start3A_50, %dma_start3A_51] : memref<6x128x8xf32, #tpu.memory_space<vmem>> -> memref<1x128x8xf32, #tpu.memory_space<vmem>>
    %dma_start3A_53 = tpu.memref_squeeze %dma_start3A_52 : memref<1x128x8xf32, #tpu.memory_space<vmem>> -> memref<128x8xf32, #tpu.memory_space<vmem>>
    %dma_start3A_54 = arith.constant 0 : i32
    %dma_start3A_55 = tpu.memref_slice %arg7[%dma_start3A_48, %dma_start3A_54] : memref<157x128xi32, #tpu.memory_space<vmem>> -> memref<1x128xi32, #tpu.memory_space<vmem>>
    %dma_start3A_56 = tpu.memref_squeeze %dma_start3A_55 : memref<1x128xi32, #tpu.memory_space<vmem>> -> memref<128xi32, #tpu.memory_space<vmem>>
    %dma_start3A_57 = arith.constant 0 : i32
    %dma_start3A_58 = arith.constant 0 : i32
    %dma_start3A_59 = tpu.memref_slice %arg4[%arg0, %dma_start3A_57, %dma_start3A_58] : memref<2x10112x8xf32, #tpu.memory_space<hbm>> -> memref<1x10112x8xf32, #tpu.memory_space<hbm>>
    %dma_start3A_60 = tpu.memref_squeeze %dma_start3A_59 : memref<1x10112x8xf32, #tpu.memory_space<hbm>> -> memref<10112x8xf32, #tpu.memory_space<hbm>>
    %dma_start3A_61 = arith.constant 0 : i32
    %dma_start3A_62 = arith.constant 0 : i32
    %dma_start3A_63 = tpu.memref_slice %dma_start3A_60[%dma_start3A_61, %dma_start3A_62] : memref<10112x8xf32, #tpu.memory_space<hbm>> -> memref<10112x8xf32, #tpu.memory_space<hbm>>
    tpu.enqueue_indirect_dma source(%dma_start3A_63 : memref<10112x8xf32, #tpu.memory_space<hbm>>) target(%dma_start3A_53 : memref<128x8xf32, #tpu.memory_space<vmem>>) offsets(%dma_start3A_56 : memref<128xi32, #tpu.memory_space<vmem>>) semaphore(%arg14 : memref<!tpu.dma_semaphore, #tpu.memory_space<semaphore_mem>>)
    %dma_start3A_64 = arith.constant 4 : i32
    %dma_start3A_65 = arith.constant 4 : i32
    %dma_start3A_66 = arith.constant 0 : i32
    %dma_start3A_67 = arith.constant 0 : i32
    %dma_start3A_68 = tpu.memref_slice %arg9[%dma_start3A_65, %dma_start3A_66, %dma_start3A_67] : memref<6x128x8xf32, #tpu.memory_space<vmem>> -> memref<1x128x8xf32, #tpu.memory_space<vmem>>
    %dma_start3A_69 = tpu.memref_squeeze %dma_start3A_68 : memref<1x128x8xf32, #tpu.memory_space<vmem>> -> memref<128x8xf32, #tpu.memory_space<vmem>>
    %dma_start3A_70 = arith.constant 0 : i32
    %dma_start3A_71 = tpu.memref_slice %arg7[%dma_start3A_64, %dma_start3A_70] : memref<157x128xi32, #tpu.memory_space<vmem>> -> memref<1x128xi32, #tpu.memory_space<vmem>>
    %dma_start3A_72 = tpu.memref_squeeze %dma_start3A_71 : memref<1x128xi32, #tpu.memory_space<vmem>> -> memref<128xi32, #tpu.memory_space<vmem>>
    %dma_start3A_73 = arith.constant 0 : i32
    %dma_start3A_74 = arith.constant 0 : i32
    %dma_start3A_75 = tpu.memref_slice %arg4[%arg0, %dma_start3A_73, %dma_start3A_74] : memref<2x10112x8xf32, #tpu.memory_space<hbm>> -> memref<1x10112x8xf32, #tpu.memory_space<hbm>>
    %dma_start3A_76 = tpu.memref_squeeze %dma_start3A_75 : memref<1x10112x8xf32, #tpu.memory_space<hbm>> -> memref<10112x8xf32, #tpu.memory_space<hbm>>
    %dma_start3A_77 = arith.constant 0 : i32
    %dma_start3A_78 = arith.constant 0 : i32
    %dma_start3A_79 = tpu.memref_slice %dma_start3A_76[%dma_start3A_77, %dma_start3A_78] : memref<10112x8xf32, #tpu.memory_space<hbm>> -> memref<10112x8xf32, #tpu.memory_space<hbm>>
    tpu.enqueue_indirect_dma source(%dma_start3A_79 : memref<10112x8xf32, #tpu.memory_space<hbm>>) target(%dma_start3A_69 : memref<128x8xf32, #tpu.memory_space<vmem>>) offsets(%dma_start3A_72 : memref<128xi32, #tpu.memory_space<vmem>>) semaphore(%arg15 : memref<!tpu.dma_semaphore, #tpu.memory_space<semaphore_mem>>)
    %dma_start3A_80 = arith.constant 5 : i32
    %dma_start3A_81 = arith.constant 5 : i32
    %dma_start3A_82 = arith.constant 0 : i32
    %dma_start3A_83 = arith.constant 0 : i32
    %dma_start3A_84 = tpu.memref_slice %arg9[%dma_start3A_81, %dma_start3A_82, %dma_start3A_83] : memref<6x128x8xf32, #tpu.memory_space<vmem>> -> memref<1x128x8xf32, #tpu.memory_space<vmem>>
    %dma_start3A_85 = tpu.memref_squeeze %dma_start3A_84 : memref<1x128x8xf32, #tpu.memory_space<vmem>> -> memref<128x8xf32, #tpu.memory_space<vmem>>
    %dma_start3A_86 = arith.constant 0 : i32
    %dma_start3A_87 = tpu.memref_slice %arg7[%dma_start3A_80, %dma_start3A_86] : memref<157x128xi32, #tpu.memory_space<vmem>> -> memref<1x128xi32, #tpu.memory_space<vmem>>
    %dma_start3A_88 = tpu.memref_squeeze %dma_start3A_87 : memref<1x128xi32, #tpu.memory_space<vmem>> -> memref<128xi32, #tpu.memory_space<vmem>>
    %dma_start3A_89 = arith.constant 0 : i32
    %dma_start3A_90 = arith.constant 0 : i32
    %dma_start3A_91 = tpu.memref_slice %arg4[%arg0, %dma_start3A_89, %dma_start3A_90] : memref<2x10112x8xf32, #tpu.memory_space<hbm>> -> memref<1x10112x8xf32, #tpu.memory_space<hbm>>
    %dma_start3A_92 = tpu.memref_squeeze %dma_start3A_91 : memref<1x10112x8xf32, #tpu.memory_space<hbm>> -> memref<10112x8xf32, #tpu.memory_space<hbm>>
    %dma_start3A_93 = arith.constant 0 : i32
    %dma_start3A_94 = arith.constant 0 : i32
    %dma_start3A_95 = tpu.memref_slice %dma_start3A_92[%dma_start3A_93, %dma_start3A_94] : memref<10112x8xf32, #tpu.memory_space<hbm>> -> memref<10112x8xf32, #tpu.memory_space<hbm>>
    tpu.enqueue_indirect_dma source(%dma_start3A_95 : memref<10112x8xf32, #tpu.memory_space<hbm>>) target(%dma_start3A_85 : memref<128x8xf32, #tpu.memory_space<vmem>>) offsets(%dma_start3A_88 : memref<128xi32, #tpu.memory_space<vmem>>) semaphore(%arg16 : memref<!tpu.dma_semaphore, #tpu.memory_space<semaphore_mem>>)
    %scan3A = arith.constant 0 : i32
    %scan3A_96 = arith.constant 0 : i32
    %scan3A_97 = arith.constant 27 : i32
    %scan3A_98 = arith.addi %scan3A_96, %scan3A_97 : i32
    %scan3A_99 = arith.constant 1 : i32
    scf.for %scan3A_106 = %scan3A_96 to %scan3A_98 step %scan3A_99  : i32 {
      %mul3A_107 = arith.constant 6 : i32
      %mul3A_108 = arith.muli %scan3A_106, %mul3A_107 : i32
      %add3A = arith.constant 0 : i32
      %add3A_109 = arith.addi %mul3A_108, %add3A : i32
      %lt3A = arith.constant 157 : i32
      %lt3A_110 = arith.cmpi slt, %add3A_109, %lt3A : i32
      %convert_element_type3A = arith.extui %lt3A_110 : i1 to i32
      %cond3A = arith.constant 0 : i32
      %cond3A_111 = arith.cmpi ne, %convert_element_type3A, %cond3A : i32
      scf.if %cond3A_111 {
        %dma_wait3A = arith.constant 0 : i32
        %dma_wait3A_157 = arith.constant 0 : i32
        %dma_wait3A_158 = arith.constant 0 : i32
        %dma_wait3A_159 = tpu.memref_slice %arg9[%dma_wait3A, %dma_wait3A_157, %dma_wait3A_158] : memref<6x128x8xf32, #tpu.memory_space<vmem>> -> memref<1x128x8xf32, #tpu.memory_space<vmem>>
        %dma_wait3A_160 = tpu.memref_squeeze %dma_wait3A_159 : memref<1x128x8xf32, #tpu.memory_space<vmem>> -> memref<128x8xf32, #tpu.memory_space<vmem>>
        %dma_wait3A_161 = arith.constant 0 : i32
        %dma_wait3A_162 = tpu.memref_slice %arg7[%add3A_109, %dma_wait3A_161] : memref<157x128xi32, #tpu.memory_space<vmem>> -> memref<1x128xi32, #tpu.memory_space<vmem>>
        %dma_wait3A_163 = tpu.memref_squeeze %dma_wait3A_162 : memref<1x128xi32, #tpu.memory_space<vmem>> -> memref<128xi32, #tpu.memory_space<vmem>>
        %dma_wait3A_164 = arith.constant 0 : i32
        %dma_wait3A_165 = arith.constant 0 : i32
        %dma_wait3A_166 = tpu.memref_slice %arg4[%arg0, %dma_wait3A_164, %dma_wait3A_165] : memref<2x10112x8xf32, #tpu.memory_space<hbm>> -> memref<1x10112x8xf32, #tpu.memory_space<hbm>>
        %dma_wait3A_167 = tpu.memref_squeeze %dma_wait3A_166 : memref<1x10112x8xf32, #tpu.memory_space<hbm>> -> memref<10112x8xf32, #tpu.memory_space<hbm>>
        %dma_wait3A_168 = arith.constant 0 : i32
        %dma_wait3A_169 = arith.constant 0 : i32
        %dma_wait3A_170 = tpu.memref_slice %dma_wait3A_167[%dma_wait3A_168, %dma_wait3A_169] : memref<10112x8xf32, #tpu.memory_space<hbm>> -> memref<10112x8xf32, #tpu.memory_space<hbm>>
        tpu.wait_indirect_dma semaphore(%arg11 : memref<!tpu.dma_semaphore, #tpu.memory_space<semaphore_mem>>) src(%dma_wait3A_170 : memref<10112x8xf32, #tpu.memory_space<hbm>>) dst(%dma_wait3A_160 : memref<128x8xf32, #tpu.memory_space<vmem>>)
        %run_scoped3A = arith.constant 0 : i32
        "tpu.region"() ({
          %run_scoped3A_178 = tpu.sem_alloc : memref<!tpu.dma_semaphore, #tpu.memory_space<semaphore_mem>>
          %dma_start3A_179 = arith.constant 0 : i32
          %dma_start3A_180 = arith.constant 0 : i32
          %dma_start3A_181 = tpu.memref_slice %arg9[%run_scoped3A, %dma_start3A_179, %dma_start3A_180] : memref<6x128x8xf32, #tpu.memory_space<vmem>> -> memref<1x128x8xf32, #tpu.memory_space<vmem>>
          %dma_start3A_182 = tpu.memref_squeeze %dma_start3A_181 : memref<1x128x8xf32, #tpu.memory_space<vmem>> -> memref<128x8xf32, #tpu.memory_space<vmem>>
          %dma_start3A_183 = arith.constant 0 : i32
          %dma_start3A_184 = tpu.memref_slice %arg8[%add3A_109, %dma_start3A_183] : memref<157x128xi32, #tpu.memory_space<vmem>> -> memref<1x128xi32, #tpu.memory_space<vmem>>
          %dma_start3A_185 = tpu.memref_squeeze %dma_start3A_184 : memref<1x128xi32, #tpu.memory_space<vmem>> -> memref<128xi32, #tpu.memory_space<vmem>>
          %dma_start3A_186 = arith.constant 0 : i32
          %dma_start3A_187 = arith.constant 0 : i32
          %dma_start3A_188 = tpu.memref_slice %arg10[%dma_start3A_186, %dma_start3A_187] : memref<10112x8xf32, #tpu.memory_space<vmem_shared>> -> memref<10112x8xf32, #tpu.memory_space<vmem_shared>>
          tpu.enqueue_indirect_dma source(%dma_start3A_182 : memref<128x8xf32, #tpu.memory_space<vmem>>) target(%dma_start3A_188 : memref<10112x8xf32, #tpu.memory_space<vmem_shared>>) offsets(%dma_start3A_185 : memref<128xi32, #tpu.memory_space<vmem>>) semaphore(%run_scoped3A_178 : memref<!tpu.dma_semaphore, #tpu.memory_space<semaphore_mem>>) {add = true}
          %dma_wait3A_189 = arith.constant 0 : i32
          %dma_wait3A_190 = arith.constant 0 : i32
          %dma_wait3A_191 = tpu.memref_slice %arg9[%run_scoped3A, %dma_wait3A_189, %dma_wait3A_190] : memref<6x128x8xf32, #tpu.memory_space<vmem>> -> memref<1x128x8xf32, #tpu.memory_space<vmem>>
          %dma_wait3A_192 = tpu.memref_squeeze %dma_wait3A_191 : memref<1x128x8xf32, #tpu.memory_space<vmem>> -> memref<128x8xf32, #tpu.memory_space<vmem>>
          %dma_wait3A_193 = arith.constant 0 : i32
          %dma_wait3A_194 = tpu.memref_slice %arg8[%add3A_109, %dma_wait3A_193] : memref<157x128xi32, #tpu.memory_space<vmem>> -> memref<1x128xi32, #tpu.memory_space<vmem>>
          %dma_wait3A_195 = tpu.memref_squeeze %dma_wait3A_194 : memref<1x128xi32, #tpu.memory_space<vmem>> -> memref<128xi32, #tpu.memory_space<vmem>>
          %dma_wait3A_196 = arith.constant 0 : i32
          %dma_wait3A_197 = arith.constant 0 : i32
          %dma_wait3A_198 = tpu.memref_slice %arg10[%dma_wait3A_196, %dma_wait3A_197] : memref<10112x8xf32, #tpu.memory_space<vmem_shared>> -> memref<10112x8xf32, #tpu.memory_space<vmem_shared>>
          tpu.wait_indirect_dma semaphore(%run_scoped3A_178 : memref<!tpu.dma_semaphore, #tpu.memory_space<semaphore_mem>>) src(%dma_wait3A_192 : memref<128x8xf32, #tpu.memory_space<vmem>>) dst(%dma_wait3A_198 : memref<10112x8xf32, #tpu.memory_space<vmem_shared>>)
          tpu.yield
        }) : () -> ()
        %add3A_171 = arith.constant 6 : i32
        %add3A_172 = arith.addi %add3A_109, %add3A_171 : i32
        %lt3A_173 = arith.constant 157 : i32
        %lt3A_174 = arith.cmpi slt, %add3A_172, %lt3A_173 : i32
        %convert_element_type3A_175 = arith.extui %lt3A_174 : i1 to i32
        %cond3A_176 = arith.constant 0 : i32
        %cond3A_177 = arith.cmpi ne, %convert_element_type3A_175, %cond3A_176 : i32
        scf.if %cond3A_177 {
          %dma_start3A_178 = arith.constant 0 : i32
          %dma_start3A_179 = arith.constant 0 : i32
          %dma_start3A_180 = arith.constant 0 : i32
          %dma_start3A_181 = tpu.memref_slice %arg9[%dma_start3A_178, %dma_start3A_179, %dma_start3A_180] : memref<6x128x8xf32, #tpu.memory_space<vmem>> -> memref<1x128x8xf32, #tpu.memory_space<vmem>>
          %dma_start3A_182 = tpu.memref_squeeze %dma_start3A_181 : memref<1x128x8xf32, #tpu.memory_space<vmem>> -> memref<128x8xf32, #tpu.memory_space<vmem>>
          %dma_start3A_183 = arith.constant 0 : i32
          %dma_start3A_184 = tpu.memref_slice %arg7[%add3A_172, %dma_start3A_183] : memref<157x128xi32, #tpu.memory_space<vmem>> -> memref<1x128xi32, #tpu.memory_space<vmem>>
          %dma_start3A_185 = tpu.memref_squeeze %dma_start3A_184 : memref<1x128xi32, #tpu.memory_space<vmem>> -> memref<128xi32, #tpu.memory_space<vmem>>
          %dma_start3A_186 = arith.constant 0 : i32
          %dma_start3A_187 = arith.constant 0 : i32
          %dma_start3A_188 = tpu.memref_slice %arg4[%arg0, %dma_start3A_186, %dma_start3A_187] : memref<2x10112x8xf32, #tpu.memory_space<hbm>> -> memref<1x10112x8xf32, #tpu.memory_space<hbm>>
          %dma_start3A_189 = tpu.memref_squeeze %dma_start3A_188 : memref<1x10112x8xf32, #tpu.memory_space<hbm>> -> memref<10112x8xf32, #tpu.memory_space<hbm>>
          %dma_start3A_190 = arith.constant 0 : i32
          %dma_start3A_191 = arith.constant 0 : i32
          %dma_start3A_192 = tpu.memref_slice %dma_start3A_189[%dma_start3A_190, %dma_start3A_191] : memref<10112x8xf32, #tpu.memory_space<hbm>> -> memref<10112x8xf32, #tpu.memory_space<hbm>>
          tpu.enqueue_indirect_dma source(%dma_start3A_192 : memref<10112x8xf32, #tpu.memory_space<hbm>>) target(%dma_start3A_182 : memref<128x8xf32, #tpu.memory_space<vmem>>) offsets(%dma_start3A_185 : memref<128xi32, #tpu.memory_space<vmem>>) semaphore(%arg11 : memref<!tpu.dma_semaphore, #tpu.memory_space<semaphore_mem>>)
        } else {
        }
      } else {
      }
      %mul3A_112 = arith.constant 6 : i32
      %mul3A_113 = arith.muli %scan3A_106, %mul3A_112 : i32
      %add3A_114 = arith.constant 1 : i32
      %add3A_115 = arith.addi %mul3A_113, %add3A_114 : i32
      %lt3A_116 = arith.constant 157 : i32
      %lt3A_117 = arith.cmpi slt, %add3A_115, %lt3A_116 : i32
      %convert_element_type3A_118 = arith.extui %lt3A_117 : i1 to i32
      %cond3A_119 = arith.constant 0 : i32
      %cond3A_120 = arith.cmpi ne, %convert_element_type3A_118, %cond3A_119 : i32
      scf.if %cond3A_120 {
        %dma_wait3A = arith.constant 1 : i32
        %dma_wait3A_157 = arith.constant 0 : i32
        %dma_wait3A_158 = arith.constant 0 : i32
        %dma_wait3A_159 = tpu.memref_slice %arg9[%dma_wait3A, %dma_wait3A_157, %dma_wait3A_158] : memref<6x128x8xf32, #tpu.memory_space<vmem>> -> memref<1x128x8xf32, #tpu.memory_space<vmem>>
        %dma_wait3A_160 = tpu.memref_squeeze %dma_wait3A_159 : memref<1x128x8xf32, #tpu.memory_space<vmem>> -> memref<128x8xf32, #tpu.memory_space<vmem>>
        %dma_wait3A_161 = arith.constant 0 : i32
        %dma_wait3A_162 = tpu.memref_slice %arg7[%add3A_115, %dma_wait3A_161] : memref<157x128xi32, #tpu.memory_space<vmem>> -> memref<1x128xi32, #tpu.memory_space<vmem>>
        %dma_wait3A_163 = tpu.memref_squeeze %dma_wait3A_162 : memref<1x128xi32, #tpu.memory_space<vmem>> -> memref<128xi32, #tpu.memory_space<vmem>>
        %dma_wait3A_164 = arith.constant 0 : i32
        %dma_wait3A_165 = arith.constant 0 : i32
        %dma_wait3A_166 = tpu.memref_slice %arg4[%arg0, %dma_wait3A_164, %dma_wait3A_165] : memref<2x10112x8xf32, #tpu.memory_space<hbm>> -> memref<1x10112x8xf32, #tpu.memory_space<hbm>>
        %dma_wait3A_167 = tpu.memref_squeeze %dma_wait3A_166 : memref<1x10112x8xf32, #tpu.memory_space<hbm>> -> memref<10112x8xf32, #tpu.memory_space<hbm>>
        %dma_wait3A_168 = arith.constant 0 : i32
        %dma_wait3A_169 = arith.constant 0 : i32
        %dma_wait3A_170 = tpu.memref_slice %dma_wait3A_167[%dma_wait3A_168, %dma_wait3A_169] : memref<10112x8xf32, #tpu.memory_space<hbm>> -> memref<10112x8xf32, #tpu.memory_space<hbm>>
        tpu.wait_indirect_dma semaphore(%arg12 : memref<!tpu.dma_semaphore, #tpu.memory_space<semaphore_mem>>) src(%dma_wait3A_170 : memref<10112x8xf32, #tpu.memory_space<hbm>>) dst(%dma_wait3A_160 : memref<128x8xf32, #tpu.memory_space<vmem>>)
        %run_scoped3A = arith.constant 1 : i32
        "tpu.region"() ({
          %run_scoped3A_178 = tpu.sem_alloc : memref<!tpu.dma_semaphore, #tpu.memory_space<semaphore_mem>>
          %dma_start3A_179 = arith.constant 0 : i32
          %dma_start3A_180 = arith.constant 0 : i32
          %dma_start3A_181 = tpu.memref_slice %arg9[%run_scoped3A, %dma_start3A_179, %dma_start3A_180] : memref<6x128x8xf32, #tpu.memory_space<vmem>> -> memref<1x128x8xf32, #tpu.memory_space<vmem>>
          %dma_start3A_182 = tpu.memref_squeeze %dma_start3A_181 : memref<1x128x8xf32, #tpu.memory_space<vmem>> -> memref<128x8xf32, #tpu.memory_space<vmem>>
          %dma_start3A_183 = arith.constant 0 : i32
          %dma_start3A_184 = tpu.memref_slice %arg8[%add3A_115, %dma_start3A_183] : memref<157x128xi32, #tpu.memory_space<vmem>> -> memref<1x128xi32, #tpu.memory_space<vmem>>
          %dma_start3A_185 = tpu.memref_squeeze %dma_start3A_184 : memref<1x128xi32, #tpu.memory_space<vmem>> -> memref<128xi32, #tpu.memory_space<vmem>>
          %dma_start3A_186 = arith.constant 0 : i32
          %dma_start3A_187 = arith.constant 0 : i32
          %dma_start3A_188 = tpu.memref_slice %arg10[%dma_start3A_186, %dma_start3A_187] : memref<10112x8xf32, #tpu.memory_space<vmem_shared>> -> memref<10112x8xf32, #tpu.memory_space<vmem_shared>>
          tpu.enqueue_indirect_dma source(%dma_start3A_182 : memref<128x8xf32, #tpu.memory_space<vmem>>) target(%dma_start3A_188 : memref<10112x8xf32, #tpu.memory_space<vmem_shared>>) offsets(%dma_start3A_185 : memref<128xi32, #tpu.memory_space<vmem>>) semaphore(%run_scoped3A_178 : memref<!tpu.dma_semaphore, #tpu.memory_space<semaphore_mem>>) {add = true}
          %dma_wait3A_189 = arith.constant 0 : i32
          %dma_wait3A_190 = arith.constant 0 : i32
          %dma_wait3A_191 = tpu.memref_slice %arg9[%run_scoped3A, %dma_wait3A_189, %dma_wait3A_190] : memref<6x128x8xf32, #tpu.memory_space<vmem>> -> memref<1x128x8xf32, #tpu.memory_space<vmem>>
          %dma_wait3A_192 = tpu.memref_squeeze %dma_wait3A_191 : memref<1x128x8xf32, #tpu.memory_space<vmem>> -> memref<128x8xf32, #tpu.memory_space<vmem>>
          %dma_wait3A_193 = arith.constant 0 : i32
          %dma_wait3A_194 = tpu.memref_slice %arg8[%add3A_115, %dma_wait3A_193] : memref<157x128xi32, #tpu.memory_space<vmem>> -> memref<1x128xi32, #tpu.memory_space<vmem>>
          %dma_wait3A_195 = tpu.memref_squeeze %dma_wait3A_194 : memref<1x128xi32, #tpu.memory_space<vmem>> -> memref<128xi32, #tpu.memory_space<vmem>>
          %dma_wait3A_196 = arith.constant 0 : i32
          %dma_wait3A_197 = arith.constant 0 : i32
          %dma_wait3A_198 = tpu.memref_slice %arg10[%dma_wait3A_196, %dma_wait3A_197] : memref<10112x8xf32, #tpu.memory_space<vmem_shared>> -> memref<10112x8xf32, #tpu.memory_space<vmem_shared>>
          tpu.wait_indirect_dma semaphore(%run_scoped3A_178 : memref<!tpu.dma_semaphore, #tpu.memory_space<semaphore_mem>>) src(%dma_wait3A_192 : memref<128x8xf32, #tpu.memory_space<vmem>>) dst(%dma_wait3A_198 : memref<10112x8xf32, #tpu.memory_space<vmem_shared>>)
          tpu.yield
        }) : () -> ()
        %add3A_171 = arith.constant 6 : i32
        %add3A_172 = arith.addi %add3A_115, %add3A_171 : i32
        %lt3A_173 = arith.constant 157 : i32
        %lt3A_174 = arith.cmpi slt, %add3A_172, %lt3A_173 : i32
        %convert_element_type3A_175 = arith.extui %lt3A_174 : i1 to i32
        %cond3A_176 = arith.constant 0 : i32
        %cond3A_177 = arith.cmpi ne, %convert_element_type3A_175, %cond3A_176 : i32
        scf.if %cond3A_177 {
          %dma_start3A_178 = arith.constant 1 : i32
          %dma_start3A_179 = arith.constant 0 : i32
          %dma_start3A_180 = arith.constant 0 : i32
          %dma_start3A_181 = tpu.memref_slice %arg9[%dma_start3A_178, %dma_start3A_179, %dma_start3A_180] : memref<6x128x8xf32, #tpu.memory_space<vmem>> -> memref<1x128x8xf32, #tpu.memory_space<vmem>>
          %dma_start3A_182 = tpu.memref_squeeze %dma_start3A_181 : memref<1x128x8xf32, #tpu.memory_space<vmem>> -> memref<128x8xf32, #tpu.memory_space<vmem>>
          %dma_start3A_183 = arith.constant 0 : i32
          %dma_start3A_184 = tpu.memref_slice %arg7[%add3A_172, %dma_start3A_183] : memref<157x128xi32, #tpu.memory_space<vmem>> -> memref<1x128xi32, #tpu.memory_space<vmem>>
          %dma_start3A_185 = tpu.memref_squeeze %dma_start3A_184 : memref<1x128xi32, #tpu.memory_space<vmem>> -> memref<128xi32, #tpu.memory_space<vmem>>
          %dma_start3A_186 = arith.constant 0 : i32
          %dma_start3A_187 = arith.constant 0 : i32
          %dma_start3A_188 = tpu.memref_slice %arg4[%arg0, %dma_start3A_186, %dma_start3A_187] : memref<2x10112x8xf32, #tpu.memory_space<hbm>> -> memref<1x10112x8xf32, #tpu.memory_space<hbm>>
          %dma_start3A_189 = tpu.memref_squeeze %dma_start3A_188 : memref<1x10112x8xf32, #tpu.memory_space<hbm>> -> memref<10112x8xf32, #tpu.memory_space<hbm>>
          %dma_start3A_190 = arith.constant 0 : i32
          %dma_start3A_191 = arith.constant 0 : i32
          %dma_start3A_192 = tpu.memref_slice %dma_start3A_189[%dma_start3A_190, %dma_start3A_191] : memref<10112x8xf32, #tpu.memory_space<hbm>> -> memref<10112x8xf32, #tpu.memory_space<hbm>>
          tpu.enqueue_indirect_dma source(%dma_start3A_192 : memref<10112x8xf32, #tpu.memory_space<hbm>>) target(%dma_start3A_182 : memref<128x8xf32, #tpu.memory_space<vmem>>) offsets(%dma_start3A_185 : memref<128xi32, #tpu.memory_space<vmem>>) semaphore(%arg12 : memref<!tpu.dma_semaphore, #tpu.memory_space<semaphore_mem>>)
        } else {
        }
      } else {
      }
      %mul3A_121 = arith.constant 6 : i32
      %mul3A_122 = arith.muli %scan3A_106, %mul3A_121 : i32
      %add3A_123 = arith.constant 2 : i32
      %add3A_124 = arith.addi %mul3A_122, %add3A_123 : i32
      %lt3A_125 = arith.constant 157 : i32
      %lt3A_126 = arith.cmpi slt, %add3A_124, %lt3A_125 : i32
      %convert_element_type3A_127 = arith.extui %lt3A_126 : i1 to i32
      %cond3A_128 = arith.constant 0 : i32
      %cond3A_129 = arith.cmpi ne, %convert_element_type3A_127, %cond3A_128 : i32
      scf.if %cond3A_129 {
        %dma_wait3A = arith.constant 2 : i32
        %dma_wait3A_157 = arith.constant 0 : i32
        %dma_wait3A_158 = arith.constant 0 : i32
        %dma_wait3A_159 = tpu.memref_slice %arg9[%dma_wait3A, %dma_wait3A_157, %dma_wait3A_158] : memref<6x128x8xf32, #tpu.memory_space<vmem>> -> memref<1x128x8xf32, #tpu.memory_space<vmem>>
        %dma_wait3A_160 = tpu.memref_squeeze %dma_wait3A_159 : memref<1x128x8xf32, #tpu.memory_space<vmem>> -> memref<128x8xf32, #tpu.memory_space<vmem>>
        %dma_wait3A_161 = arith.constant 0 : i32
        %dma_wait3A_162 = tpu.memref_slice %arg7[%add3A_124, %dma_wait3A_161] : memref<157x128xi32, #tpu.memory_space<vmem>> -> memref<1x128xi32, #tpu.memory_space<vmem>>
        %dma_wait3A_163 = tpu.memref_squeeze %dma_wait3A_162 : memref<1x128xi32, #tpu.memory_space<vmem>> -> memref<128xi32, #tpu.memory_space<vmem>>
        %dma_wait3A_164 = arith.constant 0 : i32
        %dma_wait3A_165 = arith.constant 0 : i32
        %dma_wait3A_166 = tpu.memref_slice %arg4[%arg0, %dma_wait3A_164, %dma_wait3A_165] : memref<2x10112x8xf32, #tpu.memory_space<hbm>> -> memref<1x10112x8xf32, #tpu.memory_space<hbm>>
        %dma_wait3A_167 = tpu.memref_squeeze %dma_wait3A_166 : memref<1x10112x8xf32, #tpu.memory_space<hbm>> -> memref<10112x8xf32, #tpu.memory_space<hbm>>
        %dma_wait3A_168 = arith.constant 0 : i32
        %dma_wait3A_169 = arith.constant 0 : i32
        %dma_wait3A_170 = tpu.memref_slice %dma_wait3A_167[%dma_wait3A_168, %dma_wait3A_169] : memref<10112x8xf32, #tpu.memory_space<hbm>> -> memref<10112x8xf32, #tpu.memory_space<hbm>>
        tpu.wait_indirect_dma semaphore(%arg13 : memref<!tpu.dma_semaphore, #tpu.memory_space<semaphore_mem>>) src(%dma_wait3A_170 : memref<10112x8xf32, #tpu.memory_space<hbm>>) dst(%dma_wait3A_160 : memref<128x8xf32, #tpu.memory_space<vmem>>)
        %run_scoped3A = arith.constant 2 : i32
        "tpu.region"() ({
          %run_scoped3A_178 = tpu.sem_alloc : memref<!tpu.dma_semaphore, #tpu.memory_space<semaphore_mem>>
          %dma_start3A_179 = arith.constant 0 : i32
          %dma_start3A_180 = arith.constant 0 : i32
          %dma_start3A_181 = tpu.memref_slice %arg9[%run_scoped3A, %dma_start3A_179, %dma_start3A_180] : memref<6x128x8xf32, #tpu.memory_space<vmem>> -> memref<1x128x8xf32, #tpu.memory_space<vmem>>
          %dma_start3A_182 = tpu.memref_squeeze %dma_start3A_181 : memref<1x128x8xf32, #tpu.memory_space<vmem>> -> memref<128x8xf32, #tpu.memory_space<vmem>>
          %dma_start3A_183 = arith.constant 0 : i32
          %dma_start3A_184 = tpu.memref_slice %arg8[%add3A_124, %dma_start3A_183] : memref<157x128xi32, #tpu.memory_space<vmem>> -> memref<1x128xi32, #tpu.memory_space<vmem>>
          %dma_start3A_185 = tpu.memref_squeeze %dma_start3A_184 : memref<1x128xi32, #tpu.memory_space<vmem>> -> memref<128xi32, #tpu.memory_space<vmem>>
          %dma_start3A_186 = arith.constant 0 : i32
          %dma_start3A_187 = arith.constant 0 : i32
          %dma_start3A_188 = tpu.memref_slice %arg10[%dma_start3A_186, %dma_start3A_187] : memref<10112x8xf32, #tpu.memory_space<vmem_shared>> -> memref<10112x8xf32, #tpu.memory_space<vmem_shared>>
          tpu.enqueue_indirect_dma source(%dma_start3A_182 : memref<128x8xf32, #tpu.memory_space<vmem>>) target(%dma_start3A_188 : memref<10112x8xf32, #tpu.memory_space<vmem_shared>>) offsets(%dma_start3A_185 : memref<128xi32, #tpu.memory_space<vmem>>) semaphore(%run_scoped3A_178 : memref<!tpu.dma_semaphore, #tpu.memory_space<semaphore_mem>>) {add = true}
          %dma_wait3A_189 = arith.constant 0 : i32
          %dma_wait3A_190 = arith.constant 0 : i32
          %dma_wait3A_191 = tpu.memref_slice %arg9[%run_scoped3A, %dma_wait3A_189, %dma_wait3A_190] : memref<6x128x8xf32, #tpu.memory_space<vmem>> -> memref<1x128x8xf32, #tpu.memory_space<vmem>>
          %dma_wait3A_192 = tpu.memref_squeeze %dma_wait3A_191 : memref<1x128x8xf32, #tpu.memory_space<vmem>> -> memref<128x8xf32, #tpu.memory_space<vmem>>
          %dma_wait3A_193 = arith.constant 0 : i32
          %dma_wait3A_194 = tpu.memref_slice %arg8[%add3A_124, %dma_wait3A_193] : memref<157x128xi32, #tpu.memory_space<vmem>> -> memref<1x128xi32, #tpu.memory_space<vmem>>
          %dma_wait3A_195 = tpu.memref_squeeze %dma_wait3A_194 : memref<1x128xi32, #tpu.memory_space<vmem>> -> memref<128xi32, #tpu.memory_space<vmem>>
          %dma_wait3A_196 = arith.constant 0 : i32
          %dma_wait3A_197 = arith.constant 0 : i32
          %dma_wait3A_198 = tpu.memref_slice %arg10[%dma_wait3A_196, %dma_wait3A_197] : memref<10112x8xf32, #tpu.memory_space<vmem_shared>> -> memref<10112x8xf32, #tpu.memory_space<vmem_shared>>
          tpu.wait_indirect_dma semaphore(%run_scoped3A_178 : memref<!tpu.dma_semaphore, #tpu.memory_space<semaphore_mem>>) src(%dma_wait3A_192 : memref<128x8xf32, #tpu.memory_space<vmem>>) dst(%dma_wait3A_198 : memref<10112x8xf32, #tpu.memory_space<vmem_shared>>)
          tpu.yield
        }) : () -> ()
        %add3A_171 = arith.constant 6 : i32
        %add3A_172 = arith.addi %add3A_124, %add3A_171 : i32
        %lt3A_173 = arith.constant 157 : i32
        %lt3A_174 = arith.cmpi slt, %add3A_172, %lt3A_173 : i32
        %convert_element_type3A_175 = arith.extui %lt3A_174 : i1 to i32
        %cond3A_176 = arith.constant 0 : i32
        %cond3A_177 = arith.cmpi ne, %convert_element_type3A_175, %cond3A_176 : i32
        scf.if %cond3A_177 {
          %dma_start3A_178 = arith.constant 2 : i32
          %dma_start3A_179 = arith.constant 0 : i32
          %dma_start3A_180 = arith.constant 0 : i32
          %dma_start3A_181 = tpu.memref_slice %arg9[%dma_start3A_178, %dma_start3A_179, %dma_start3A_180] : memref<6x128x8xf32, #tpu.memory_space<vmem>> -> memref<1x128x8xf32, #tpu.memory_space<vmem>>
          %dma_start3A_182 = tpu.memref_squeeze %dma_start3A_181 : memref<1x128x8xf32, #tpu.memory_space<vmem>> -> memref<128x8xf32, #tpu.memory_space<vmem>>
          %dma_start3A_183 = arith.constant 0 : i32
          %dma_start3A_184 = tpu.memref_slice %arg7[%add3A_172, %dma_start3A_183] : memref<157x128xi32, #tpu.memory_space<vmem>> -> memref<1x128xi32, #tpu.memory_space<vmem>>
          %dma_start3A_185 = tpu.memref_squeeze %dma_start3A_184 : memref<1x128xi32, #tpu.memory_space<vmem>> -> memref<128xi32, #tpu.memory_space<vmem>>
          %dma_start3A_186 = arith.constant 0 : i32
          %dma_start3A_187 = arith.constant 0 : i32
          %dma_start3A_188 = tpu.memref_slice %arg4[%arg0, %dma_start3A_186, %dma_start3A_187] : memref<2x10112x8xf32, #tpu.memory_space<hbm>> -> memref<1x10112x8xf32, #tpu.memory_space<hbm>>
          %dma_start3A_189 = tpu.memref_squeeze %dma_start3A_188 : memref<1x10112x8xf32, #tpu.memory_space<hbm>> -> memref<10112x8xf32, #tpu.memory_space<hbm>>
          %dma_start3A_190 = arith.constant 0 : i32
          %dma_start3A_191 = arith.constant 0 : i32
          %dma_start3A_192 = tpu.memref_slice %dma_start3A_189[%dma_start3A_190, %dma_start3A_191] : memref<10112x8xf32, #tpu.memory_space<hbm>> -> memref<10112x8xf32, #tpu.memory_space<hbm>>
          tpu.enqueue_indirect_dma source(%dma_start3A_192 : memref<10112x8xf32, #tpu.memory_space<hbm>>) target(%dma_start3A_182 : memref<128x8xf32, #tpu.memory_space<vmem>>) offsets(%dma_start3A_185 : memref<128xi32, #tpu.memory_space<vmem>>) semaphore(%arg13 : memref<!tpu.dma_semaphore, #tpu.memory_space<semaphore_mem>>)
        } else {
        }
      } else {
      }
      %mul3A_130 = arith.constant 6 : i32
      %mul3A_131 = arith.muli %scan3A_106, %mul3A_130 : i32
      %add3A_132 = arith.constant 3 : i32
      %add3A_133 = arith.addi %mul3A_131, %add3A_132 : i32
      %lt3A_134 = arith.constant 157 : i32
      %lt3A_135 = arith.cmpi slt, %add3A_133, %lt3A_134 : i32
      %convert_element_type3A_136 = arith.extui %lt3A_135 : i1 to i32
      %cond3A_137 = arith.constant 0 : i32
      %cond3A_138 = arith.cmpi ne, %convert_element_type3A_136, %cond3A_137 : i32
      scf.if %cond3A_138 {
        %dma_wait3A = arith.constant 3 : i32
        %dma_wait3A_157 = arith.constant 0 : i32
        %dma_wait3A_158 = arith.constant 0 : i32
        %dma_wait3A_159 = tpu.memref_slice %arg9[%dma_wait3A, %dma_wait3A_157, %dma_wait3A_158] : memref<6x128x8xf32, #tpu.memory_space<vmem>> -> memref<1x128x8xf32, #tpu.memory_space<vmem>>
        %dma_wait3A_160 = tpu.memref_squeeze %dma_wait3A_159 : memref<1x128x8xf32, #tpu.memory_space<vmem>> -> memref<128x8xf32, #tpu.memory_space<vmem>>
        %dma_wait3A_161 = arith.constant 0 : i32
        %dma_wait3A_162 = tpu.memref_slice %arg7[%add3A_133, %dma_wait3A_161] : memref<157x128xi32, #tpu.memory_space<vmem>> -> memref<1x128xi32, #tpu.memory_space<vmem>>
        %dma_wait3A_163 = tpu.memref_squeeze %dma_wait3A_162 : memref<1x128xi32, #tpu.memory_space<vmem>> -> memref<128xi32, #tpu.memory_space<vmem>>
        %dma_wait3A_164 = arith.constant 0 : i32
        %dma_wait3A_165 = arith.constant 0 : i32
        %dma_wait3A_166 = tpu.memref_slice %arg4[%arg0, %dma_wait3A_164, %dma_wait3A_165] : memref<2x10112x8xf32, #tpu.memory_space<hbm>> -> memref<1x10112x8xf32, #tpu.memory_space<hbm>>
        %dma_wait3A_167 = tpu.memref_squeeze %dma_wait3A_166 : memref<1x10112x8xf32, #tpu.memory_space<hbm>> -> memref<10112x8xf32, #tpu.memory_space<hbm>>
        %dma_wait3A_168 = arith.constant 0 : i32
        %dma_wait3A_169 = arith.constant 0 : i32
        %dma_wait3A_170 = tpu.memref_slice %dma_wait3A_167[%dma_wait3A_168, %dma_wait3A_169] : memref<10112x8xf32, #tpu.memory_space<hbm>> -> memref<10112x8xf32, #tpu.memory_space<hbm>>
        tpu.wait_indirect_dma semaphore(%arg14 : memref<!tpu.dma_semaphore, #tpu.memory_space<semaphore_mem>>) src(%dma_wait3A_170 : memref<10112x8xf32, #tpu.memory_space<hbm>>) dst(%dma_wait3A_160 : memref<128x8xf32, #tpu.memory_space<vmem>>)
        %run_scoped3A = arith.constant 3 : i32
        "tpu.region"() ({
          %run_scoped3A_178 = tpu.sem_alloc : memref<!tpu.dma_semaphore, #tpu.memory_space<semaphore_mem>>
          %dma_start3A_179 = arith.constant 0 : i32
          %dma_start3A_180 = arith.constant 0 : i32
          %dma_start3A_181 = tpu.memref_slice %arg9[%run_scoped3A, %dma_start3A_179, %dma_start3A_180] : memref<6x128x8xf32, #tpu.memory_space<vmem>> -> memref<1x128x8xf32, #tpu.memory_space<vmem>>
          %dma_start3A_182 = tpu.memref_squeeze %dma_start3A_181 : memref<1x128x8xf32, #tpu.memory_space<vmem>> -> memref<128x8xf32, #tpu.memory_space<vmem>>
          %dma_start3A_183 = arith.constant 0 : i32
          %dma_start3A_184 = tpu.memref_slice %arg8[%add3A_133, %dma_start3A_183] : memref<157x128xi32, #tpu.memory_space<vmem>> -> memref<1x128xi32, #tpu.memory_space<vmem>>
          %dma_start3A_185 = tpu.memref_squeeze %dma_start3A_184 : memref<1x128xi32, #tpu.memory_space<vmem>> -> memref<128xi32, #tpu.memory_space<vmem>>
          %dma_start3A_186 = arith.constant 0 : i32
          %dma_start3A_187 = arith.constant 0 : i32
          %dma_start3A_188 = tpu.memref_slice %arg10[%dma_start3A_186, %dma_start3A_187] : memref<10112x8xf32, #tpu.memory_space<vmem_shared>> -> memref<10112x8xf32, #tpu.memory_space<vmem_shared>>
          tpu.enqueue_indirect_dma source(%dma_start3A_182 : memref<128x8xf32, #tpu.memory_space<vmem>>) target(%dma_start3A_188 : memref<10112x8xf32, #tpu.memory_space<vmem_shared>>) offsets(%dma_start3A_185 : memref<128xi32, #tpu.memory_space<vmem>>) semaphore(%run_scoped3A_178 : memref<!tpu.dma_semaphore, #tpu.memory_space<semaphore_mem>>) {add = true}
          %dma_wait3A_189 = arith.constant 0 : i32
          %dma_wait3A_190 = arith.constant 0 : i32
          %dma_wait3A_191 = tpu.memref_slice %arg9[%run_scoped3A, %dma_wait3A_189, %dma_wait3A_190] : memref<6x128x8xf32, #tpu.memory_space<vmem>> -> memref<1x128x8xf32, #tpu.memory_space<vmem>>
          %dma_wait3A_192 = tpu.memref_squeeze %dma_wait3A_191 : memref<1x128x8xf32, #tpu.memory_space<vmem>> -> memref<128x8xf32, #tpu.memory_space<vmem>>
          %dma_wait3A_193 = arith.constant 0 : i32
          %dma_wait3A_194 = tpu.memref_slice %arg8[%add3A_133, %dma_wait3A_193] : memref<157x128xi32, #tpu.memory_space<vmem>> -> memref<1x128xi32, #tpu.memory_space<vmem>>
          %dma_wait3A_195 = tpu.memref_squeeze %dma_wait3A_194 : memref<1x128xi32, #tpu.memory_space<vmem>> -> memref<128xi32, #tpu.memory_space<vmem>>
          %dma_wait3A_196 = arith.constant 0 : i32
          %dma_wait3A_197 = arith.constant 0 : i32
          %dma_wait3A_198 = tpu.memref_slice %arg10[%dma_wait3A_196, %dma_wait3A_197] : memref<10112x8xf32, #tpu.memory_space<vmem_shared>> -> memref<10112x8xf32, #tpu.memory_space<vmem_shared>>
          tpu.wait_indirect_dma semaphore(%run_scoped3A_178 : memref<!tpu.dma_semaphore, #tpu.memory_space<semaphore_mem>>) src(%dma_wait3A_192 : memref<128x8xf32, #tpu.memory_space<vmem>>) dst(%dma_wait3A_198 : memref<10112x8xf32, #tpu.memory_space<vmem_shared>>)
          tpu.yield
        }) : () -> ()
        %add3A_171 = arith.constant 6 : i32
        %add3A_172 = arith.addi %add3A_133, %add3A_171 : i32
        %lt3A_173 = arith.constant 157 : i32
        %lt3A_174 = arith.cmpi slt, %add3A_172, %lt3A_173 : i32
        %convert_element_type3A_175 = arith.extui %lt3A_174 : i1 to i32
        %cond3A_176 = arith.constant 0 : i32
        %cond3A_177 = arith.cmpi ne, %convert_element_type3A_175, %cond3A_176 : i32
        scf.if %cond3A_177 {
          %dma_start3A_178 = arith.constant 3 : i32
          %dma_start3A_179 = arith.constant 0 : i32
          %dma_start3A_180 = arith.constant 0 : i32
          %dma_start3A_181 = tpu.memref_slice %arg9[%dma_start3A_178, %dma_start3A_179, %dma_start3A_180] : memref<6x128x8xf32, #tpu.memory_space<vmem>> -> memref<1x128x8xf32, #tpu.memory_space<vmem>>
          %dma_start3A_182 = tpu.memref_squeeze %dma_start3A_181 : memref<1x128x8xf32, #tpu.memory_space<vmem>> -> memref<128x8xf32, #tpu.memory_space<vmem>>
          %dma_start3A_183 = arith.constant 0 : i32
          %dma_start3A_184 = tpu.memref_slice %arg7[%add3A_172, %dma_start3A_183] : memref<157x128xi32, #tpu.memory_space<vmem>> -> memref<1x128xi32, #tpu.memory_space<vmem>>
          %dma_start3A_185 = tpu.memref_squeeze %dma_start3A_184 : memref<1x128xi32, #tpu.memory_space<vmem>> -> memref<128xi32, #tpu.memory_space<vmem>>
          %dma_start3A_186 = arith.constant 0 : i32
          %dma_start3A_187 = arith.constant 0 : i32
          %dma_start3A_188 = tpu.memref_slice %arg4[%arg0, %dma_start3A_186, %dma_start3A_187] : memref<2x10112x8xf32, #tpu.memory_space<hbm>> -> memref<1x10112x8xf32, #tpu.memory_space<hbm>>
          %dma_start3A_189 = tpu.memref_squeeze %dma_start3A_188 : memref<1x10112x8xf32, #tpu.memory_space<hbm>> -> memref<10112x8xf32, #tpu.memory_space<hbm>>
          %dma_start3A_190 = arith.constant 0 : i32
          %dma_start3A_191 = arith.constant 0 : i32
          %dma_start3A_192 = tpu.memref_slice %dma_start3A_189[%dma_start3A_190, %dma_start3A_191] : memref<10112x8xf32, #tpu.memory_space<hbm>> -> memref<10112x8xf32, #tpu.memory_space<hbm>>
          tpu.enqueue_indirect_dma source(%dma_start3A_192 : memref<10112x8xf32, #tpu.memory_space<hbm>>) target(%dma_start3A_182 : memref<128x8xf32, #tpu.memory_space<vmem>>) offsets(%dma_start3A_185 : memref<128xi32, #tpu.memory_space<vmem>>) semaphore(%arg14 : memref<!tpu.dma_semaphore, #tpu.memory_space<semaphore_mem>>)
        } else {
        }
      } else {
      }
      %mul3A_139 = arith.constant 6 : i32
      %mul3A_140 = arith.muli %scan3A_106, %mul3A_139 : i32
      %add3A_141 = arith.constant 4 : i32
      %add3A_142 = arith.addi %mul3A_140, %add3A_141 : i32
      %lt3A_143 = arith.constant 157 : i32
      %lt3A_144 = arith.cmpi slt, %add3A_142, %lt3A_143 : i32
      %convert_element_type3A_145 = arith.extui %lt3A_144 : i1 to i32
      %cond3A_146 = arith.constant 0 : i32
      %cond3A_147 = arith.cmpi ne, %convert_element_type3A_145, %cond3A_146 : i32
      scf.if %cond3A_147 {
        %dma_wait3A = arith.constant 4 : i32
        %dma_wait3A_157 = arith.constant 0 : i32
        %dma_wait3A_158 = arith.constant 0 : i32
        %dma_wait3A_159 = tpu.memref_slice %arg9[%dma_wait3A, %dma_wait3A_157, %dma_wait3A_158] : memref<6x128x8xf32, #tpu.memory_space<vmem>> -> memref<1x128x8xf32, #tpu.memory_space<vmem>>
        %dma_wait3A_160 = tpu.memref_squeeze %dma_wait3A_159 : memref<1x128x8xf32, #tpu.memory_space<vmem>> -> memref<128x8xf32, #tpu.memory_space<vmem>>
        %dma_wait3A_161 = arith.constant 0 : i32
        %dma_wait3A_162 = tpu.memref_slice %arg7[%add3A_142, %dma_wait3A_161] : memref<157x128xi32, #tpu.memory_space<vmem>> -> memref<1x128xi32, #tpu.memory_space<vmem>>
        %dma_wait3A_163 = tpu.memref_squeeze %dma_wait3A_162 : memref<1x128xi32, #tpu.memory_space<vmem>> -> memref<128xi32, #tpu.memory_space<vmem>>
        %dma_wait3A_164 = arith.constant 0 : i32
        %dma_wait3A_165 = arith.constant 0 : i32
        %dma_wait3A_166 = tpu.memref_slice %arg4[%arg0, %dma_wait3A_164, %dma_wait3A_165] : memref<2x10112x8xf32, #tpu.memory_space<hbm>> -> memref<1x10112x8xf32, #tpu.memory_space<hbm>>
        %dma_wait3A_167 = tpu.memref_squeeze %dma_wait3A_166 : memref<1x10112x8xf32, #tpu.memory_space<hbm>> -> memref<10112x8xf32, #tpu.memory_space<hbm>>
        %dma_wait3A_168 = arith.constant 0 : i32
        %dma_wait3A_169 = arith.constant 0 : i32
        %dma_wait3A_170 = tpu.memref_slice %dma_wait3A_167[%dma_wait3A_168, %dma_wait3A_169] : memref<10112x8xf32, #tpu.memory_space<hbm>> -> memref<10112x8xf32, #tpu.memory_space<hbm>>
        tpu.wait_indirect_dma semaphore(%arg15 : memref<!tpu.dma_semaphore, #tpu.memory_space<semaphore_mem>>) src(%dma_wait3A_170 : memref<10112x8xf32, #tpu.memory_space<hbm>>) dst(%dma_wait3A_160 : memref<128x8xf32, #tpu.memory_space<vmem>>)
        %run_scoped3A = arith.constant 4 : i32
        "tpu.region"() ({
          %run_scoped3A_178 = tpu.sem_alloc : memref<!tpu.dma_semaphore, #tpu.memory_space<semaphore_mem>>
          %dma_start3A_179 = arith.constant 0 : i32
          %dma_start3A_180 = arith.constant 0 : i32
          %dma_start3A_181 = tpu.memref_slice %arg9[%run_scoped3A, %dma_start3A_179, %dma_start3A_180] : memref<6x128x8xf32, #tpu.memory_space<vmem>> -> memref<1x128x8xf32, #tpu.memory_space<vmem>>
          %dma_start3A_182 = tpu.memref_squeeze %dma_start3A_181 : memref<1x128x8xf32, #tpu.memory_space<vmem>> -> memref<128x8xf32, #tpu.memory_space<vmem>>
          %dma_start3A_183 = arith.constant 0 : i32
          %dma_start3A_184 = tpu.memref_slice %arg8[%add3A_142, %dma_start3A_183] : memref<157x128xi32, #tpu.memory_space<vmem>> -> memref<1x128xi32, #tpu.memory_space<vmem>>
          %dma_start3A_185 = tpu.memref_squeeze %dma_start3A_184 : memref<1x128xi32, #tpu.memory_space<vmem>> -> memref<128xi32, #tpu.memory_space<vmem>>
          %dma_start3A_186 = arith.constant 0 : i32
          %dma_start3A_187 = arith.constant 0 : i32
          %dma_start3A_188 = tpu.memref_slice %arg10[%dma_start3A_186, %dma_start3A_187] : memref<10112x8xf32, #tpu.memory_space<vmem_shared>> -> memref<10112x8xf32, #tpu.memory_space<vmem_shared>>
          tpu.enqueue_indirect_dma source(%dma_start3A_182 : memref<128x8xf32, #tpu.memory_space<vmem>>) target(%dma_start3A_188 : memref<10112x8xf32, #tpu.memory_space<vmem_shared>>) offsets(%dma_start3A_185 : memref<128xi32, #tpu.memory_space<vmem>>) semaphore(%run_scoped3A_178 : memref<!tpu.dma_semaphore, #tpu.memory_space<semaphore_mem>>) {add = true}
          %dma_wait3A_189 = arith.constant 0 : i32
          %dma_wait3A_190 = arith.constant 0 : i32
          %dma_wait3A_191 = tpu.memref_slice %arg9[%run_scoped3A, %dma_wait3A_189, %dma_wait3A_190] : memref<6x128x8xf32, #tpu.memory_space<vmem>> -> memref<1x128x8xf32, #tpu.memory_space<vmem>>
          %dma_wait3A_192 = tpu.memref_squeeze %dma_wait3A_191 : memref<1x128x8xf32, #tpu.memory_space<vmem>> -> memref<128x8xf32, #tpu.memory_space<vmem>>
          %dma_wait3A_193 = arith.constant 0 : i32
          %dma_wait3A_194 = tpu.memref_slice %arg8[%add3A_142, %dma_wait3A_193] : memref<157x128xi32, #tpu.memory_space<vmem>> -> memref<1x128xi32, #tpu.memory_space<vmem>>
          %dma_wait3A_195 = tpu.memref_squeeze %dma_wait3A_194 : memref<1x128xi32, #tpu.memory_space<vmem>> -> memref<128xi32, #tpu.memory_space<vmem>>
          %dma_wait3A_196 = arith.constant 0 : i32
          %dma_wait3A_197 = arith.constant 0 : i32
          %dma_wait3A_198 = tpu.memref_slice %arg10[%dma_wait3A_196, %dma_wait3A_197] : memref<10112x8xf32, #tpu.memory_space<vmem_shared>> -> memref<10112x8xf32, #tpu.memory_space<vmem_shared>>
          tpu.wait_indirect_dma semaphore(%run_scoped3A_178 : memref<!tpu.dma_semaphore, #tpu.memory_space<semaphore_mem>>) src(%dma_wait3A_192 : memref<128x8xf32, #tpu.memory_space<vmem>>) dst(%dma_wait3A_198 : memref<10112x8xf32, #tpu.memory_space<vmem_shared>>)
          tpu.yield
        }) : () -> ()
        %add3A_171 = arith.constant 6 : i32
        %add3A_172 = arith.addi %add3A_142, %add3A_171 : i32
        %lt3A_173 = arith.constant 157 : i32
        %lt3A_174 = arith.cmpi slt, %add3A_172, %lt3A_173 : i32
        %convert_element_type3A_175 = arith.extui %lt3A_174 : i1 to i32
        %cond3A_176 = arith.constant 0 : i32
        %cond3A_177 = arith.cmpi ne, %convert_element_type3A_175, %cond3A_176 : i32
        scf.if %cond3A_177 {
          %dma_start3A_178 = arith.constant 4 : i32
          %dma_start3A_179 = arith.constant 0 : i32
          %dma_start3A_180 = arith.constant 0 : i32
          %dma_start3A_181 = tpu.memref_slice %arg9[%dma_start3A_178, %dma_start3A_179, %dma_start3A_180] : memref<6x128x8xf32, #tpu.memory_space<vmem>> -> memref<1x128x8xf32, #tpu.memory_space<vmem>>
          %dma_start3A_182 = tpu.memref_squeeze %dma_start3A_181 : memref<1x128x8xf32, #tpu.memory_space<vmem>> -> memref<128x8xf32, #tpu.memory_space<vmem>>
          %dma_start3A_183 = arith.constant 0 : i32
          %dma_start3A_184 = tpu.memref_slice %arg7[%add3A_172, %dma_start3A_183] : memref<157x128xi32, #tpu.memory_space<vmem>> -> memref<1x128xi32, #tpu.memory_space<vmem>>
          %dma_start3A_185 = tpu.memref_squeeze %dma_start3A_184 : memref<1x128xi32, #tpu.memory_space<vmem>> -> memref<128xi32, #tpu.memory_space<vmem>>
          %dma_start3A_186 = arith.constant 0 : i32
          %dma_start3A_187 = arith.constant 0 : i32
          %dma_start3A_188 = tpu.memref_slice %arg4[%arg0, %dma_start3A_186, %dma_start3A_187] : memref<2x10112x8xf32, #tpu.memory_space<hbm>> -> memref<1x10112x8xf32, #tpu.memory_space<hbm>>
          %dma_start3A_189 = tpu.memref_squeeze %dma_start3A_188 : memref<1x10112x8xf32, #tpu.memory_space<hbm>> -> memref<10112x8xf32, #tpu.memory_space<hbm>>
          %dma_start3A_190 = arith.constant 0 : i32
          %dma_start3A_191 = arith.constant 0 : i32
          %dma_start3A_192 = tpu.memref_slice %dma_start3A_189[%dma_start3A_190, %dma_start3A_191] : memref<10112x8xf32, #tpu.memory_space<hbm>> -> memref<10112x8xf32, #tpu.memory_space<hbm>>
          tpu.enqueue_indirect_dma source(%dma_start3A_192 : memref<10112x8xf32, #tpu.memory_space<hbm>>) target(%dma_start3A_182 : memref<128x8xf32, #tpu.memory_space<vmem>>) offsets(%dma_start3A_185 : memref<128xi32, #tpu.memory_space<vmem>>) semaphore(%arg15 : memref<!tpu.dma_semaphore, #tpu.memory_space<semaphore_mem>>)
        } else {
        }
      } else {
      }
      %mul3A_148 = arith.constant 6 : i32
      %mul3A_149 = arith.muli %scan3A_106, %mul3A_148 : i32
      %add3A_150 = arith.constant 5 : i32
      %add3A_151 = arith.addi %mul3A_149, %add3A_150 : i32
      %lt3A_152 = arith.constant 157 : i32
      %lt3A_153 = arith.cmpi slt, %add3A_151, %lt3A_152 : i32
      %convert_element_type3A_154 = arith.extui %lt3A_153 : i1 to i32
      %cond3A_155 = arith.constant 0 : i32
      %cond3A_156 = arith.cmpi ne, %convert_element_type3A_154, %cond3A_155 : i32
      scf.if %cond3A_156 {
        %dma_wait3A = arith.constant 5 : i32
        %dma_wait3A_157 = arith.constant 0 : i32
        %dma_wait3A_158 = arith.constant 0 : i32
        %dma_wait3A_159 = tpu.memref_slice %arg9[%dma_wait3A, %dma_wait3A_157, %dma_wait3A_158] : memref<6x128x8xf32, #tpu.memory_space<vmem>> -> memref<1x128x8xf32, #tpu.memory_space<vmem>>
        %dma_wait3A_160 = tpu.memref_squeeze %dma_wait3A_159 : memref<1x128x8xf32, #tpu.memory_space<vmem>> -> memref<128x8xf32, #tpu.memory_space<vmem>>
        %dma_wait3A_161 = arith.constant 0 : i32
        %dma_wait3A_162 = tpu.memref_slice %arg7[%add3A_151, %dma_wait3A_161] : memref<157x128xi32, #tpu.memory_space<vmem>> -> memref<1x128xi32, #tpu.memory_space<vmem>>
        %dma_wait3A_163 = tpu.memref_squeeze %dma_wait3A_162 : memref<1x128xi32, #tpu.memory_space<vmem>> -> memref<128xi32, #tpu.memory_space<vmem>>
        %dma_wait3A_164 = arith.constant 0 : i32
        %dma_wait3A_165 = arith.constant 0 : i32
        %dma_wait3A_166 = tpu.memref_slice %arg4[%arg0, %dma_wait3A_164, %dma_wait3A_165] : memref<2x10112x8xf32, #tpu.memory_space<hbm>> -> memref<1x10112x8xf32, #tpu.memory_space<hbm>>
        %dma_wait3A_167 = tpu.memref_squeeze %dma_wait3A_166 : memref<1x10112x8xf32, #tpu.memory_space<hbm>> -> memref<10112x8xf32, #tpu.memory_space<hbm>>
        %dma_wait3A_168 = arith.constant 0 : i32
        %dma_wait3A_169 = arith.constant 0 : i32
        %dma_wait3A_170 = tpu.memref_slice %dma_wait3A_167[%dma_wait3A_168, %dma_wait3A_169] : memref<10112x8xf32, #tpu.memory_space<hbm>> -> memref<10112x8xf32, #tpu.memory_space<hbm>>
        tpu.wait_indirect_dma semaphore(%arg16 : memref<!tpu.dma_semaphore, #tpu.memory_space<semaphore_mem>>) src(%dma_wait3A_170 : memref<10112x8xf32, #tpu.memory_space<hbm>>) dst(%dma_wait3A_160 : memref<128x8xf32, #tpu.memory_space<vmem>>)
        %run_scoped3A = arith.constant 5 : i32
        "tpu.region"() ({
          %run_scoped3A_178 = tpu.sem_alloc : memref<!tpu.dma_semaphore, #tpu.memory_space<semaphore_mem>>
          %dma_start3A_179 = arith.constant 0 : i32
          %dma_start3A_180 = arith.constant 0 : i32
          %dma_start3A_181 = tpu.memref_slice %arg9[%run_scoped3A, %dma_start3A_179, %dma_start3A_180] : memref<6x128x8xf32, #tpu.memory_space<vmem>> -> memref<1x128x8xf32, #tpu.memory_space<vmem>>
          %dma_start3A_182 = tpu.memref_squeeze %dma_start3A_181 : memref<1x128x8xf32, #tpu.memory_space<vmem>> -> memref<128x8xf32, #tpu.memory_space<vmem>>
          %dma_start3A_183 = arith.constant 0 : i32
          %dma_start3A_184 = tpu.memref_slice %arg8[%add3A_151, %dma_start3A_183] : memref<157x128xi32, #tpu.memory_space<vmem>> -> memref<1x128xi32, #tpu.memory_space<vmem>>
          %dma_start3A_185 = tpu.memref_squeeze %dma_start3A_184 : memref<1x128xi32, #tpu.memory_space<vmem>> -> memref<128xi32, #tpu.memory_space<vmem>>
          %dma_start3A_186 = arith.constant 0 : i32
          %dma_start3A_187 = arith.constant 0 : i32
          %dma_start3A_188 = tpu.memref_slice %arg10[%dma_start3A_186, %dma_start3A_187] : memref<10112x8xf32, #tpu.memory_space<vmem_shared>> -> memref<10112x8xf32, #tpu.memory_space<vmem_shared>>
          tpu.enqueue_indirect_dma source(%dma_start3A_182 : memref<128x8xf32, #tpu.memory_space<vmem>>) target(%dma_start3A_188 : memref<10112x8xf32, #tpu.memory_space<vmem_shared>>) offsets(%dma_start3A_185 : memref<128xi32, #tpu.memory_space<vmem>>) semaphore(%run_scoped3A_178 : memref<!tpu.dma_semaphore, #tpu.memory_space<semaphore_mem>>) {add = true}
          %dma_wait3A_189 = arith.constant 0 : i32
          %dma_wait3A_190 = arith.constant 0 : i32
          %dma_wait3A_191 = tpu.memref_slice %arg9[%run_scoped3A, %dma_wait3A_189, %dma_wait3A_190] : memref<6x128x8xf32, #tpu.memory_space<vmem>> -> memref<1x128x8xf32, #tpu.memory_space<vmem>>
          %dma_wait3A_192 = tpu.memref_squeeze %dma_wait3A_191 : memref<1x128x8xf32, #tpu.memory_space<vmem>> -> memref<128x8xf32, #tpu.memory_space<vmem>>
          %dma_wait3A_193 = arith.constant 0 : i32
          %dma_wait3A_194 = tpu.memref_slice %arg8[%add3A_151, %dma_wait3A_193] : memref<157x128xi32, #tpu.memory_space<vmem>> -> memref<1x128xi32, #tpu.memory_space<vmem>>
          %dma_wait3A_195 = tpu.memref_squeeze %dma_wait3A_194 : memref<1x128xi32, #tpu.memory_space<vmem>> -> memref<128xi32, #tpu.memory_space<vmem>>
          %dma_wait3A_196 = arith.constant 0 : i32
          %dma_wait3A_197 = arith.constant 0 : i32
          %dma_wait3A_198 = tpu.memref_slice %arg10[%dma_wait3A_196, %dma_wait3A_197] : memref<10112x8xf32, #tpu.memory_space<vmem_shared>> -> memref<10112x8xf32, #tpu.memory_space<vmem_shared>>
          tpu.wait_indirect_dma semaphore(%run_scoped3A_178 : memref<!tpu.dma_semaphore, #tpu.memory_space<semaphore_mem>>) src(%dma_wait3A_192 : memref<128x8xf32, #tpu.memory_space<vmem>>) dst(%dma_wait3A_198 : memref<10112x8xf32, #tpu.memory_space<vmem_shared>>)
          tpu.yield
        }) : () -> ()
        %add3A_171 = arith.constant 6 : i32
        %add3A_172 = arith.addi %add3A_151, %add3A_171 : i32
        %lt3A_173 = arith.constant 157 : i32
        %lt3A_174 = arith.cmpi slt, %add3A_172, %lt3A_173 : i32
        %convert_element_type3A_175 = arith.extui %lt3A_174 : i1 to i32
        %cond3A_176 = arith.constant 0 : i32
        %cond3A_177 = arith.cmpi ne, %convert_element_type3A_175, %cond3A_176 : i32
        scf.if %cond3A_177 {
          %dma_start3A_178 = arith.constant 5 : i32
          %dma_start3A_179 = arith.constant 0 : i32
          %dma_start3A_180 = arith.constant 0 : i32
          %dma_start3A_181 = tpu.memref_slice %arg9[%dma_start3A_178, %dma_start3A_179, %dma_start3A_180] : memref<6x128x8xf32, #tpu.memory_space<vmem>> -> memref<1x128x8xf32, #tpu.memory_space<vmem>>
          %dma_start3A_182 = tpu.memref_squeeze %dma_start3A_181 : memref<1x128x8xf32, #tpu.memory_space<vmem>> -> memref<128x8xf32, #tpu.memory_space<vmem>>
          %dma_start3A_183 = arith.constant 0 : i32
          %dma_start3A_184 = tpu.memref_slice %arg7[%add3A_172, %dma_start3A_183] : memref<157x128xi32, #tpu.memory_space<vmem>> -> memref<1x128xi32, #tpu.memory_space<vmem>>
          %dma_start3A_185 = tpu.memref_squeeze %dma_start3A_184 : memref<1x128xi32, #tpu.memory_space<vmem>> -> memref<128xi32, #tpu.memory_space<vmem>>
          %dma_start3A_186 = arith.constant 0 : i32
          %dma_start3A_187 = arith.constant 0 : i32
          %dma_start3A_188 = tpu.memref_slice %arg4[%arg0, %dma_start3A_186, %dma_start3A_187] : memref<2x10112x8xf32, #tpu.memory_space<hbm>> -> memref<1x10112x8xf32, #tpu.memory_space<hbm>>
          %dma_start3A_189 = tpu.memref_squeeze %dma_start3A_188 : memref<1x10112x8xf32, #tpu.memory_space<hbm>> -> memref<10112x8xf32, #tpu.memory_space<hbm>>
          %dma_start3A_190 = arith.constant 0 : i32
          %dma_start3A_191 = arith.constant 0 : i32
          %dma_start3A_192 = tpu.memref_slice %dma_start3A_189[%dma_start3A_190, %dma_start3A_191] : memref<10112x8xf32, #tpu.memory_space<hbm>> -> memref<10112x8xf32, #tpu.memory_space<hbm>>
          tpu.enqueue_indirect_dma source(%dma_start3A_192 : memref<10112x8xf32, #tpu.memory_space<hbm>>) target(%dma_start3A_182 : memref<128x8xf32, #tpu.memory_space<vmem>>) offsets(%dma_start3A_185 : memref<128xi32, #tpu.memory_space<vmem>>) semaphore(%arg16 : memref<!tpu.dma_semaphore, #tpu.memory_space<semaphore_mem>>)
        } else {
        }
      } else {
      }
    }
    %scan3A_100 = arith.constant 27 : i32
    %barrier3A_101 = arith.constant 0 : index
    tpu.barrier barrier_id(%barrier3A_101)
    %mul3A_102 = arith.constant 632 : i32
    %mul3A_103 = arith.muli %arg1, %mul3A_102 : i32
    %mul3A_104 = arith.constant 632 : i32
    %mul3A_105 = arith.muli %arg1, %mul3A_104 : i32
    "tpu.region"() ({
      %run_scoped3A = tpu.sem_alloc : memref<!tpu.dma_semaphore, #tpu.memory_space<semaphore_mem>>
      %dma_start3A_106 = arith.constant 0 : i32
      %dma_start3A_107 = tpu.memref_slice %arg6[%arg0, %mul3A_105, %dma_start3A_106] : memref<2x10112x8xf32, #tpu.memory_space<hbm>> -> memref<1x632x8xf32, #tpu.memory_space<hbm>>
      %dma_start3A_108 = tpu.memref_squeeze %dma_start3A_107 : memref<1x632x8xf32, #tpu.memory_space<hbm>> -> memref<632x8xf32, #tpu.memory_space<hbm>>
      %dma_start3A_109 = arith.constant 0 : i32
      %dma_start3A_110 = tpu.memref_slice %arg10[%mul3A_103, %dma_start3A_109] : memref<10112x8xf32, #tpu.memory_space<vmem_shared>> -> memref<632x8xf32, #tpu.memory_space<vmem_shared>>
      tpu.enqueue_dma source(%dma_start3A_110 : memref<632x8xf32, #tpu.memory_space<vmem_shared>>) target(%dma_start3A_108 : memref<632x8xf32, #tpu.memory_space<hbm>>) target_semaphore(%run_scoped3A : memref<!tpu.dma_semaphore, #tpu.memory_space<semaphore_mem>>)
      %dma_wait3A = arith.constant 0 : i32
      %dma_wait3A_111 = tpu.memref_slice %arg6[%arg0, %mul3A_105, %dma_wait3A] : memref<2x10112x8xf32, #tpu.memory_space<hbm>> -> memref<1x632x8xf32, #tpu.memory_space<hbm>>
      %dma_wait3A_112 = tpu.memref_squeeze %dma_wait3A_111 : memref<1x632x8xf32, #tpu.memory_space<hbm>> -> memref<632x8xf32, #tpu.memory_space<hbm>>
      %dma_wait3A_113 = arith.constant 0 : i32
      %dma_wait3A_114 = tpu.memref_slice %arg10[%mul3A_103, %dma_wait3A_113] : memref<10112x8xf32, #tpu.memory_space<vmem_shared>> -> memref<632x8xf32, #tpu.memory_space<vmem_shared>>
      tpu.wait_dma2 semaphore(%run_scoped3A : memref<!tpu.dma_semaphore, #tpu.memory_space<semaphore_mem>>) src(%dma_wait3A_114 : memref<632x8xf32, #tpu.memory_space<vmem_shared>>) dst(%dma_wait3A_112 : memref<632x8xf32, #tpu.memory_space<hbm>>)
      tpu.yield
    }) : () -> ()
    return
  }
}

module attributes {stable_mosaic.version = 14 : i64} {
  func.func @body(%arg0: i32, %arg1: memref<2000x128xf32, #tpu.memory_space<vmem>>, %arg2: memref<128x128xf32, #tpu.memory_space<vmem>>, %arg3: memref<2x2000x8xf32, #tpu.memory_space<vmem>>, %arg4: memref<2x2000x64xf32, #tpu.memory_space<vmem>>, %arg5: memref<2000x16xf32, #tpu.memory_space<vmem>>) attributes {dimension_semantics = [#tpu.dimension_semantics<arbitrary>], iteration_bounds = array<i64: 5>, scalar_prefetch = 0 : i64, scratch_operands = 0 : i64, tpu.core_type = #tpu.core_type<tc>, window_params = [{transform_indices = @transform_0, window_bounds = array<i64: 2000, 128>}, {pipeline_mode = #tpu.pipeline_mode<synchronous>, transform_indices = @transform_1, window_bounds = array<i64: 128, 128>}, {transform_indices = @transform_2, window_bounds = array<i64: 2, 2000, 8>}, {transform_indices = @transform_3, window_bounds = array<i64: 2, 2000, 64>}, {transform_indices = @transform_4, window_bounds = array<i64: 2000, 16>}]} {
    %get3A = arith.constant 0 : index
    %get3A_0 = arith.constant 0 : index
    %get3A_1 = arith.constant 0 : index
    %get3A_2 = vector.load %arg3[%get3A, %get3A_0, %get3A_1] : memref<2x2000x8xf32, #tpu.memory_space<vmem>>, vector<1x2000x1xf32>
    %get3A_3 = vector.shape_cast %get3A_2 : vector<1x2000x1xf32> to vector<2000xf32>
    %get3A_4 = arith.constant 1 : index
    %get3A_5 = arith.constant 0 : index
    %get3A_6 = arith.constant 0 : index
    %get3A_7 = vector.load %arg3[%get3A_4, %get3A_5, %get3A_6] : memref<2x2000x8xf32, #tpu.memory_space<vmem>>, vector<1x2000x1xf32>
    %get3A_8 = vector.shape_cast %get3A_7 : vector<1x2000x1xf32> to vector<2000xf32>
    %add3A = arith.addf %get3A_3, %get3A_8 : vector<2000xf32>
    %gt3A = arith.constant 0.000000e+00 : f32
    %gt3A_9 = vector.broadcast %gt3A : f32 to vector<2000xf32>
    %gt3A_10 = arith.cmpf ogt, %add3A, %gt3A_9 : vector<2000xf32>
    %max3A = arith.constant 9.99999996E-13 : f32
    %max3A_11 = vector.broadcast %max3A : f32 to vector<2000xf32>
    %max3A_12 = arith.maximumf %add3A, %max3A_11 : vector<2000xf32>
    %rsqrt3A = math.rsqrt %max3A_12 : vector<2000xf32>
    %jit3A = arith.constant 0.000000e+00 : f32
    %broadcast_in_dim3A = vector.broadcast %jit3A : f32 to vector<2000xf32>
    %select_n3A = arith.select %gt3A_10, %rsqrt3A, %broadcast_in_dim3A : vector<2000xi1>, vector<2000xf32>
    %get3A_13 = arith.constant 0 : index
    %get3A_14 = arith.constant 0 : index
    %get3A_15 = vector.load %arg1[%get3A_13, %get3A_14] : memref<2000x128xf32, #tpu.memory_space<vmem>>, vector<2000x128xf32>
    %get3A_16 = arith.constant 0 : index
    %get3A_17 = arith.constant 0 : index
    %get3A_18 = vector.load %arg2[%get3A_16, %get3A_17] : memref<128x128xf32, #tpu.memory_space<vmem>>, vector<128x128xf32>
    %dot_general3A = arith.constant dense<0.000000e+00> : vector<2000x128xf32>
    %dot_general3A_19 = tpu.matmul %get3A_15, %get3A_18, %dot_general3A {dimension_numbers = #tpu.dot_dimension_numbers<[1], [0], [0], [1], [0, 0, 1, 1], [], []>, transpose_lhs_hint = false} : vector<2000x128xf32>, vector<128x128xf32>, vector<2000x128xf32> -> vector<2000x128xf32>
    %broadcast_in_dim3A_20 = vector.shape_cast %select_n3A : vector<2000xf32> to vector<2000x1xf32>
    %mul3A = vector.broadcast %broadcast_in_dim3A_20 : vector<2000x1xf32> to vector<2000x128xf32>
    %mul3A_21 = arith.mulf %dot_general3A_19, %mul3A : vector<2000x128xf32>
    %slice3A = vector.extract_strided_slice %mul3A_21 {offsets = [0, 0], sizes = [2000, 64], strides = [1, 1]} : vector<2000x128xf32> to vector<2000x64xf32>
    %swap3A = arith.constant 0 : index
    %swap3A_22 = arith.constant 0 : index
    %swap3A_23 = arith.constant 0 : index
    %swap3A_24 = vector.load %arg4[%swap3A, %swap3A_22, %swap3A_23] : memref<2x2000x64xf32, #tpu.memory_space<vmem>>, vector<1x2000x64xf32>
    %swap3A_25 = vector.shape_cast %swap3A_24 : vector<1x2000x64xf32> to vector<2000x64xf32>
    %swap3A_26 = vector.shape_cast %slice3A : vector<2000x64xf32> to vector<1x2000x64xf32>
    tpu.vector_store %arg4[%swap3A, %swap3A_22, %swap3A_23], %swap3A_26 {strides = array<i32>} : memref<2x2000x64xf32, #tpu.memory_space<vmem>>, vector<1x2000x64xf32>,
    %slice3A_27 = vector.extract_strided_slice %mul3A_21 {offsets = [0, 64], sizes = [2000, 64], strides = [1, 1]} : vector<2000x128xf32> to vector<2000x64xf32>
    %swap3A_28 = arith.constant 1 : index
    %swap3A_29 = arith.constant 0 : index
    %swap3A_30 = arith.constant 0 : index
    %swap3A_31 = vector.load %arg4[%swap3A_28, %swap3A_29, %swap3A_30] : memref<2x2000x64xf32, #tpu.memory_space<vmem>>, vector<1x2000x64xf32>
    %swap3A_32 = vector.shape_cast %swap3A_31 : vector<1x2000x64xf32> to vector<2000x64xf32>
    %swap3A_33 = vector.shape_cast %slice3A_27 : vector<2000x64xf32> to vector<1x2000x64xf32>
    tpu.vector_store %arg4[%swap3A_28, %swap3A_29, %swap3A_30], %swap3A_33 {strides = array<i32>} : memref<2x2000x64xf32, #tpu.memory_space<vmem>>, vector<1x2000x64xf32>,
    %broadcast_in_dim3A_34 = vector.shape_cast %select_n3A : vector<2000xf32> to vector<2000x1xf32>
    %broadcast_in_dim3A_35 = vector.shape_cast %broadcast_in_dim3A_34 : vector<2000x1xf32> to vector<2000x1xf32>
    %broadcast_in_dim3A_36 = vector.broadcast %broadcast_in_dim3A_35 : vector<2000x1xf32> to vector<2000x16xf32>
    %swap3A_37 = arith.constant 0 : index
    %swap3A_38 = arith.constant 0 : index
    %swap3A_39 = vector.load %arg5[%swap3A_37, %swap3A_38] : memref<2000x16xf32, #tpu.memory_space<vmem>>, vector<2000x16xf32>
    tpu.vector_store %arg5[%swap3A_37, %swap3A_38], %broadcast_in_dim3A_36 {strides = array<i32>} : memref<2000x16xf32, #tpu.memory_space<vmem>>, vector<2000x16xf32>,
    return
  }
  func.func @transform_0(%arg0: i32) -> (i32, i32) {
    %c0_i32 = arith.constant 0 : i32
    %c0_i32_0 = arith.constant 0 : i32
    return %arg0, %c0_i32 : i32, i32
  }
  func.func @transform_1(%arg0: i32) -> (i32, i32) {
    %c0_i32 = arith.constant 0 : i32
    %c0_i32_0 = arith.constant 0 : i32
    %c0_i32_1 = arith.constant 0 : i32
    return %c0_i32, %c0_i32_0 : i32, i32
  }
  func.func @transform_2(%arg0: i32) -> (i32, i32, i32) {
    %c0_i32 = arith.constant 0 : i32
    %c0_i32_0 = arith.constant 0 : i32
    %c0_i32_1 = arith.constant 0 : i32
    return %c0_i32, %arg0, %c0_i32_0 : i32, i32, i32
  }
  func.func @transform_3(%arg0: i32) -> (i32, i32, i32) {
    %c0_i32 = arith.constant 0 : i32
    %c0_i32_0 = arith.constant 0 : i32
    %c0_i32_1 = arith.constant 0 : i32
    return %c0_i32, %arg0, %c0_i32_0 : i32, i32, i32
  }
  func.func @transform_4(%arg0: i32) -> (i32, i32) {
    %c0_i32 = arith.constant 0 : i32
    %c0_i32_0 = arith.constant 0 : i32
    return %arg0, %c0_i32 : i32, i32
  }
}

module attributes {stable_mosaic.version = 14 : i64} {
  func.func @body(%arg0: i32, %arg1: memref<2x2000x64xf32, #tpu.memory_space<vmem>>, %arg2: memref<2000x16xf32, #tpu.memory_space<vmem>>, %arg3: memref<1x128xf32, #tpu.memory_space<vmem>>, %arg4: memref<128x16xf32, #tpu.memory_space<vmem>>, %arg5: memref<2x2000x8xf32, #tpu.memory_space<vmem>>) attributes {dimension_semantics = [#tpu.dimension_semantics<arbitrary>], iteration_bounds = array<i64: 5>, scalar_prefetch = 0 : i64, scratch_operands = 0 : i64, tpu.core_type = #tpu.core_type<tc>, window_params = [{transform_indices = @transform_0, window_bounds = array<i64: 2, 2000, 64>}, {transform_indices = @transform_1, window_bounds = array<i64: 2000, 16>}, {pipeline_mode = #tpu.pipeline_mode<synchronous>, transform_indices = @transform_2, window_bounds = array<i64: 1, 128>}, {pipeline_mode = #tpu.pipeline_mode<synchronous>, transform_indices = @transform_3, window_bounds = array<i64: 128, 16>}, {transform_indices = @transform_4, window_bounds = array<i64: 2, 2000, 8>}]} {
    %get3A = arith.constant 0 : index
    %get3A_0 = arith.constant 0 : index
    %get3A_1 = arith.constant 0 : index
    %get3A_2 = vector.load %arg1[%get3A, %get3A_0, %get3A_1] : memref<2x2000x64xf32, #tpu.memory_space<vmem>>, vector<1x2000x64xf32>
    %get3A_3 = vector.shape_cast %get3A_2 : vector<1x2000x64xf32> to vector<2000x64xf32>
    %get3A_4 = arith.constant 1 : index
    %get3A_5 = arith.constant 0 : index
    %get3A_6 = arith.constant 0 : index
    %get3A_7 = vector.load %arg1[%get3A_4, %get3A_5, %get3A_6] : memref<2x2000x64xf32, #tpu.memory_space<vmem>>, vector<1x2000x64xf32>
    %get3A_8 = vector.shape_cast %get3A_7 : vector<1x2000x64xf32> to vector<2000x64xf32>
    %concatenate3A = tpu.concatenate %get3A_3, %get3A_8 in 1 : vector<2000x64xf32>, vector<2000x64xf32> -> vector<2000x128xf32>
    %get3A_9 = arith.constant 0 : index
    %get3A_10 = arith.constant 0 : index
    %get3A_11 = vector.load %arg2[%get3A_9, %get3A_10] : memref<2000x16xf32, #tpu.memory_space<vmem>>, vector<2000x16xf32>
    %slice3A = vector.extract_strided_slice %get3A_11 {offsets = [0, 0], sizes = [2000, 1], strides = [1, 1]} : vector<2000x16xf32> to vector<2000x1xf32>
    %mul3A = vector.broadcast %slice3A : vector<2000x1xf32> to vector<2000x128xf32>
    %mul3A_12 = arith.mulf %concatenate3A, %mul3A : vector<2000x128xf32>
    %get3A_13 = arith.constant 0 : index
    %get3A_14 = arith.constant 0 : index
    %get3A_15 = vector.load %arg3[%get3A_13, %get3A_14] : memref<1x128xf32, #tpu.memory_space<vmem>>, vector<1x128xf32>
    %add3A = vector.broadcast %get3A_15 : vector<1x128xf32> to vector<2000x128xf32>
    %add3A_16 = arith.addf %mul3A_12, %add3A : vector<2000x128xf32>
    %max3A = arith.constant 0.000000e+00 : f32
    %max3A_17 = vector.broadcast %max3A : f32 to vector<2000x128xf32>
    %max3A_18 = arith.maximumf %add3A_16, %max3A_17 : vector<2000x128xf32>
    %get3A_19 = arith.constant 0 : index
    %get3A_20 = arith.constant 0 : index
    %get3A_21 = vector.load %arg4[%get3A_19, %get3A_20] : memref<128x16xf32, #tpu.memory_space<vmem>>, vector<128x16xf32>
    %dot_general3A = arith.constant dense<0.000000e+00> : vector<2000x16xf32>
    %dot_general3A_22 = tpu.matmul %max3A_18, %get3A_21, %dot_general3A {dimension_numbers = #tpu.dot_dimension_numbers<[1], [0], [0], [1], [0, 0, 1, 1], [], []>, transpose_lhs_hint = false} : vector<2000x128xf32>, vector<128x16xf32>, vector<2000x16xf32> -> vector<2000x16xf32>
    %mul3A_23 = vector.broadcast %slice3A : vector<2000x1xf32> to vector<2000x16xf32>
    %mul3A_24 = arith.mulf %dot_general3A_22, %mul3A_23 : vector<2000x16xf32>
    %slice3A_25 = vector.extract_strided_slice %mul3A_24 {offsets = [0, 0], sizes = [2000, 8], strides = [1, 1]} : vector<2000x16xf32> to vector<2000x8xf32>
    %swap3A = arith.constant 0 : index
    %swap3A_26 = arith.constant 0 : index
    %swap3A_27 = arith.constant 0 : index
    %swap3A_28 = vector.load %arg5[%swap3A, %swap3A_26, %swap3A_27] : memref<2x2000x8xf32, #tpu.memory_space<vmem>>, vector<1x2000x8xf32>
    %swap3A_29 = vector.shape_cast %swap3A_28 : vector<1x2000x8xf32> to vector<2000x8xf32>
    %swap3A_30 = vector.shape_cast %slice3A_25 : vector<2000x8xf32> to vector<1x2000x8xf32>
    tpu.vector_store %arg5[%swap3A, %swap3A_26, %swap3A_27], %swap3A_30 {strides = array<i32>} : memref<2x2000x8xf32, #tpu.memory_space<vmem>>, vector<1x2000x8xf32>,
    %slice3A_31 = vector.extract_strided_slice %mul3A_24 {offsets = [0, 8], sizes = [2000, 8], strides = [1, 1]} : vector<2000x16xf32> to vector<2000x8xf32>
    %swap3A_32 = arith.constant 1 : index
    %swap3A_33 = arith.constant 0 : index
    %swap3A_34 = arith.constant 0 : index
    %swap3A_35 = vector.load %arg5[%swap3A_32, %swap3A_33, %swap3A_34] : memref<2x2000x8xf32, #tpu.memory_space<vmem>>, vector<1x2000x8xf32>
    %swap3A_36 = vector.shape_cast %swap3A_35 : vector<1x2000x8xf32> to vector<2000x8xf32>
    %swap3A_37 = vector.shape_cast %slice3A_31 : vector<2000x8xf32> to vector<1x2000x8xf32>
    tpu.vector_store %arg5[%swap3A_32, %swap3A_33, %swap3A_34], %swap3A_37 {strides = array<i32>} : memref<2x2000x8xf32, #tpu.memory_space<vmem>>, vector<1x2000x8xf32>,
    return
  }
  func.func @transform_0(%arg0: i32) -> (i32, i32, i32) {
    %c0_i32 = arith.constant 0 : i32
    %c0_i32_0 = arith.constant 0 : i32
    %c0_i32_1 = arith.constant 0 : i32
    return %c0_i32, %arg0, %c0_i32_0 : i32, i32, i32
  }
  func.func @transform_1(%arg0: i32) -> (i32, i32) {
    %c0_i32 = arith.constant 0 : i32
    %c0_i32_0 = arith.constant 0 : i32
    return %arg0, %c0_i32 : i32, i32
  }
  func.func @transform_2(%arg0: i32) -> (i32, i32) {
    %c0_i32 = arith.constant 0 : i32
    %c0_i32_0 = arith.constant 0 : i32
    %c0_i32_1 = arith.constant 0 : i32
    return %c0_i32, %c0_i32_0 : i32, i32
  }
  func.func @transform_3(%arg0: i32) -> (i32, i32) {
    %c0_i32 = arith.constant 0 : i32
    %c0_i32_0 = arith.constant 0 : i32
    %c0_i32_1 = arith.constant 0 : i32
    return %c0_i32, %c0_i32_0 : i32, i32
  }
  func.func @transform_4(%arg0: i32) -> (i32, i32, i32) {
    %c0_i32 = arith.constant 0 : i32
    %c0_i32_0 = arith.constant 0 : i32
    %c0_i32_1 = arith.constant 0 : i32
    return %c0_i32, %arg0, %c0_i32_0 : i32, i32, i32
  }
}

module attributes {stable_mosaic.version = 14 : i64} {
  func.func @body(%arg0: i32, %arg1: memref<2x2000x8xf32, #tpu.memory_space<vmem>>, %arg2: memref<2000x16xf32, #tpu.memory_space<vmem>>, %arg3: memref<1x16xf32, #tpu.memory_space<vmem>>, %arg4: memref<2000x16xf32, #tpu.memory_space<vmem>>) attributes {dimension_semantics = [#tpu.dimension_semantics<arbitrary>], iteration_bounds = array<i64: 5>, scalar_prefetch = 0 : i64, scratch_operands = 0 : i64, tpu.core_type = #tpu.core_type<tc>, window_params = [{transform_indices = @transform_0, window_bounds = array<i64: 2, 2000, 8>}, {transform_indices = @transform_1, window_bounds = array<i64: 2000, 16>}, {pipeline_mode = #tpu.pipeline_mode<synchronous>, transform_indices = @transform_2, window_bounds = array<i64: 1, 16>}, {transform_indices = @transform_3, window_bounds = array<i64: 2000, 16>}]} {
    %get3A = arith.constant 0 : index
    %get3A_0 = arith.constant 0 : index
    %get3A_1 = arith.constant 0 : index
    %get3A_2 = vector.load %arg1[%get3A, %get3A_0, %get3A_1] : memref<2x2000x8xf32, #tpu.memory_space<vmem>>, vector<1x2000x8xf32>
    %get3A_3 = vector.shape_cast %get3A_2 : vector<1x2000x8xf32> to vector<2000x8xf32>
    %get3A_4 = arith.constant 1 : index
    %get3A_5 = arith.constant 0 : index
    %get3A_6 = arith.constant 0 : index
    %get3A_7 = vector.load %arg1[%get3A_4, %get3A_5, %get3A_6] : memref<2x2000x8xf32, #tpu.memory_space<vmem>>, vector<1x2000x8xf32>
    %get3A_8 = vector.shape_cast %get3A_7 : vector<1x2000x8xf32> to vector<2000x8xf32>
    %concatenate3A = tpu.concatenate %get3A_3, %get3A_8 in 1 : vector<2000x8xf32>, vector<2000x8xf32> -> vector<2000x16xf32>
    %get3A_9 = arith.constant 0 : index
    %get3A_10 = arith.constant 0 : index
    %get3A_11 = vector.load %arg2[%get3A_9, %get3A_10] : memref<2000x16xf32, #tpu.memory_space<vmem>>, vector<2000x16xf32>
    %slice3A = vector.extract_strided_slice %get3A_11 {offsets = [0, 0], sizes = [2000, 1], strides = [1, 1]} : vector<2000x16xf32> to vector<2000x1xf32>
    %mul3A = vector.broadcast %slice3A : vector<2000x1xf32> to vector<2000x16xf32>
    %mul3A_12 = arith.mulf %concatenate3A, %mul3A : vector<2000x16xf32>
    %get3A_13 = arith.constant 0 : index
    %get3A_14 = arith.constant 0 : index
    %get3A_15 = vector.load %arg3[%get3A_13, %get3A_14] : memref<1x16xf32, #tpu.memory_space<vmem>>, vector<1x16xf32>
    %add3A = vector.broadcast %get3A_15 : vector<1x16xf32> to vector<2000x16xf32>
    %add3A_16 = arith.addf %mul3A_12, %add3A : vector<2000x16xf32>
    %reduce_max3A = arith.constant dense<0xFF800000> : vector<2000xf32>
    %reduce_max3A_17 = vector.multi_reduction <maximumf>, %add3A_16, %reduce_max3A [1] : vector<2000x16xf32> to vector<2000xf32>
    %broadcast_in_dim3A = vector.shape_cast %reduce_max3A_17 : vector<2000xf32> to vector<2000x1xf32>
    %sub3A = vector.broadcast %broadcast_in_dim3A : vector<2000x1xf32> to vector<2000x16xf32>
    %sub3A_18 = arith.subf %add3A_16, %sub3A : vector<2000x16xf32>
    %exp3A = math.exp %sub3A_18 : vector<2000x16xf32>
    %reduce_sum3A = arith.constant dense<0.000000e+00> : vector<2000xf32>
    %reduce_sum3A_19 = vector.multi_reduction <add>, %exp3A, %reduce_sum3A [1] : vector<2000x16xf32> to vector<2000xf32>
    %broadcast_in_dim3A_20 = vector.shape_cast %reduce_sum3A_19 : vector<2000xf32> to vector<2000x1xf32>
    %log3A = math.log %broadcast_in_dim3A_20 : vector<2000x1xf32>
    %add3A_21 = arith.addf %log3A, %broadcast_in_dim3A : vector<2000x1xf32>
    %sub3A_22 = vector.broadcast %add3A_21 : vector<2000x1xf32> to vector<2000x16xf32>
    %sub3A_23 = arith.subf %add3A_16, %sub3A_22 : vector<2000x16xf32>
    %swap3A = arith.constant 0 : index
    %swap3A_24 = arith.constant 0 : index
    %swap3A_25 = vector.load %arg4[%swap3A, %swap3A_24] : memref<2000x16xf32, #tpu.memory_space<vmem>>, vector<2000x16xf32>
    tpu.vector_store %arg4[%swap3A, %swap3A_24], %sub3A_23 {strides = array<i32>} : memref<2000x16xf32, #tpu.memory_space<vmem>>, vector<2000x16xf32>,
    return
  }
  func.func @transform_0(%arg0: i32) -> (i32, i32, i32) {
    %c0_i32 = arith.constant 0 : i32
    %c0_i32_0 = arith.constant 0 : i32
    %c0_i32_1 = arith.constant 0 : i32
    return %c0_i32, %arg0, %c0_i32_0 : i32, i32, i32
  }
  func.func @transform_1(%arg0: i32) -> (i32, i32) {
    %c0_i32 = arith.constant 0 : i32
    %c0_i32_0 = arith.constant 0 : i32
    return %arg0, %c0_i32 : i32, i32
  }
  func.func @transform_2(%arg0: i32) -> (i32, i32) {
    %c0_i32 = arith.constant 0 : i32
    %c0_i32_0 = arith.constant 0 : i32
    %c0_i32_1 = arith.constant 0 : i32
    return %c0_i32, %c0_i32_0 : i32, i32
  }
  func.func @transform_3(%arg0: i32) -> (i32, i32) {
    %c0_i32 = arith.constant 0 : i32
    %c0_i32_0 = arith.constant 0 : i32
    return %arg0, %c0_i32 : i32, i32
  }
}

</mosaic_0001>

<sc_bundles>
// kernel: kernel.11.cloned.1.call-start
scs
__scs_entry_jumppad:
0x0: {  	(pc) =	sbr.rel $0x88, $3  }
0x1: {  	(tag) =	ssettag $0x0;
	lr =	simm.s32 $0x1  }
0x2: {  	[smem:$0x3F9B] =	sst lr;
	_ =	strace $0xD0000000  }
0x3: {  	_ = 	snop  }
0x4: {  	_ = 	snop  }
0x5: {  	_ = 	snop  }
0x6: {  	_ = 	snop  }
0x7: {  	_ = 	snop  }
__scs_overlays_trampoline_lowered:
0x8: {  	[smem:$0x3FAA] =	sst s0  }
0x9: {  	[smem:$0x3FAB] =	sst s1  }
0xa: {  	[smem:$0x3FAC] =	sst s2  }
0xb: {  	[smem:$0x3FAD] =	sst s3  }
0xc: {  	[smem:$0x3FAE] =	sst s4  }
0xd: {  	[smem:$0x3FAF] =	sst s5  }
0xe: {  	[smem:$0x3FB0] =	sst s6  }
0xf: {  	[smem:$0x3FB1] =	sst s7  }
0x10: {  	[smem:$0x3FB2] =	sst s8  }
0x11: {  	[smem:$0x3FB3] =	sst s9;
	s0 =	simm.s32 @!p0 $0x0  }
0x12: {  	s1 =	sld [smem:$0x3F99];
	s0 =	simm.s32 @p0 $0x1  }
0x13: {  	[smem:$0x3FB4] =	sst s0;
	s0 =	simm.s32 @!p1 $0x0  }
0x14: {  	s2 =	sld [smem:$0x3F98];
	s0 =	simm.s32 @p1 $0x1  }
0x15: {  	[smem:$0x3FB5] =	sst s0;
	s0 =	simm.s32 @!p2 $0x0  }
0x16: {  	s3 =	sld [smem:$0x3FDB];
	s0 =	simm.s32 @p2 $0x1  }
0x17: {  	s4 =	simm.s32 $0x1BF5;
	[smem:$0x3FB7] =	sst s0  }
0x18: {  	s0 =	sld [smem:$0x3F9A];
	_ =	swait.ge [sflag:s4], $0x0  }
0x19: {  	s7 =	sld [smem:$0x3F9B]  }
0x1a: {  	s8 =	sadd.s32 $0xFFFFE003, lr  }
0x1b: {  	s9 =	sadd.s32 $0xFFFFFEF7, lr;
	s5 =	simm.s32 $0xFFFFFFFF;
	p2 =	slt.u32 s8, $0xFFFFF086  }
0x1c: {  	p1 =	slt.u32 s9, $0xF7A;
	s5 =	simm.s32 @!p2 $0x0  }
0x1d: {  	s5 =	simm.s32 @p1 $0x1;
	p0 =	seq.s32 s7, s2  }
0x1e: {  	s7 =	smul.u32 @!p0 $0xF7A, s2;
	p2 =	seq.s32 @!p0 s5, $0x0  }
0x1f: {  	s9 =	smul.u32 $0xF7A, s1;
	s8 =	simm.s32 @!p0 $0x1BF5;
	p2 =	por !p2, p0  }
0x20: {  	[sflag:s8] =	ssyncset.s32 @!p0 $0xFFFFF086;
	s6 =	sadd.s32 @!p0 s3, s7;
	s7 =	simm.s32 @!p0 $0x108  }
0x21: {  	s3 =	sadd.s32 s3, s9;
	s6 =	sadd.s32 @!p0 $0x88, s6;
	s7 =	simm.s32 @p2 $0x1082  }
0x22: {  	[simem:s7], [sflag:s8] =	dma.local @!p0 [hbm:s6], $0xF7A  }
0x23: {  	s9 =	sor.u32 $0xD0000000, s2;
	s6 =	simm.s32 $0x108;
	_ =	swait.ge @!p0 [sflag:s8], $0x0  }
0x24: {  	s3 =	sadd.s32 $0x88, s3;
	s6 =	simm.s32 @!p1 $0x1082;
	[sflag:s4] =	ssyncset.s32 $0xFFFFF086  }
0x25: {  	[simem:s6], [sflag:s4] =	dma.local [hbm:s3], $0xF7A  }
0x26: {  	[smem:$0x3F9B] =	sst s1;
	(tag) =	ssettag s2;
	_ =	strace s9  }
0x27: {  	s1 =	sld [smem:$0x3FAB]  }
0x28: {  	s2 =	sld [smem:$0x3FAC]  }
0x29: {  	s4 =	sld [smem:$0x3FAE]  }
0x2a: {  	p0 =	seq.s32 s5, $0x0;
	s5 =	sld [smem:$0x3FAF]  }
0x2b: {  	s6 =	sld [smem:$0x3FB0]  }
0x2c: {  	s7 =	sld [smem:$0x3FB1]  }
0x2d: {  	s3 =	simm.s32 $0x108;
	s8 =	sld [smem:$0x3FB2]  }
0x2e: {  	s3 =	simm.s32 @!p0 $0x1082;
	s9 =	sld [smem:$0x3FB3]  }
0x2f: {  	lr =	sadd.s32 s0, s3;
	s0 =	sld [smem:$0x3FAA]  }
0x30: {  	s3 =	sld [smem:$0x3FAD]  }
0x31: {  	[smem:$0x3FB6] =	sst s10  }
0x32: {  	s10 =	sld [smem:$0x3FB4];
	_ =	sdelay $0x3  }
0x33: {  	p0 =	seq.s32 s10, $0x1;
	s10 =	sld [smem:$0x3FB6];
	_ =	sdelay $0x3  }
0x34: {  	[smem:$0x3FB6] =	sst s10  }
0x35: {  	s10 =	sld [smem:$0x3FB5];
	_ =	sdelay $0x3  }
0x36: {  	p1 =	seq.s32 s10, $0x1;
	s10 =	sld [smem:$0x3FB6];
	_ =	sdelay $0x3  }
0x37: {  	[smem:$0x3FB6] =	sst s10  }
0x38: {  	s10 =	sld [smem:$0x3FB7]  }
0x39: {  	_ = 	snop;
	(pc) =	sbr.ind lr, $3  }
0x3a: {  	_ = 	snop  }
0x3b: {  	_ = 	snop  }
0x3c: {  	p2 =	seq.s32 s10, $0x1;
	s10 =	sld [smem:$0x3FB6]  }
0x3d: {  	_ =	shalt  }
0x3e: {  	_ =	shalt  }
0x3f: {  	_ =	shalt  }
0x40: {  	_ =	shalt  }
0x41: {  	_ =	shalt  }
0x42: {  	_ =	shalt  }
0x43: {  	_ =	shalt  }
0x44: {  	_ =	shalt  }
0x45: {  	_ =	shalt  }
0x46: {  	_ =	shalt  }
0x47: {  	_ =	shalt  }
0x48: {  	_ =	shalt  }
0x49: {  	_ =	shalt  }
0x4a: {  	_ =	shalt  }
0x4b: {  	_ =	shalt  }
0x4c: {  	_ =	shalt  }
0x4d: {  	_ =	shalt  }
0x4e: {  	_ =	shalt  }
0x4f: {  	_ =	shalt  }
0x50: {  	_ =	shalt  }
0x51: {  	_ =	shalt  }
0x52: {  	_ =	shalt  }
0x53: {  	_ =	shalt  }
0x54: {  	_ =	shalt  }
0x55: {  	_ =	shalt  }
0x56: {  	_ =	shalt  }
0x57: {  	_ =	shalt  }
0x58: {  	_ =	shalt  }
0x59: {  	_ =	shalt  }
0x5a: {  	_ =	shalt  }
0x5b: {  	_ =	shalt  }
0x5c: {  	_ =	shalt  }
0x5d: {  	_ =	shalt  }
0x5e: {  	_ =	shalt  }
0x5f: {  	_ =	shalt  }
0x60: {  	_ =	shalt  }
0x61: {  	_ =	shalt  }
0x62: {  	_ =	shalt  }
0x63: {  	_ =	shalt  }
0x64: {  	_ =	shalt  }
0x65: {  	_ =	shalt  }
0x66: {  	_ =	shalt  }
0x67: {  	_ =	shalt  }
0x68: {  	_ =	shalt  }
0x69: {  	_ =	shalt  }
0x6a: {  	_ =	shalt  }
0x6b: {  	_ =	shalt  }
0x6c: {  	_ =	shalt  }
0x6d: {  	_ =	shalt  }
0x6e: {  	_ =	shalt  }
0x6f: {  	_ =	shalt  }
0x70: {  	_ =	shalt  }
0x71: {  	_ =	shalt  }
0x72: {  	_ =	shalt  }
0x73: {  	_ =	shalt  }
0x74: {  	_ =	shalt  }
0x75: {  	_ =	shalt  }
0x76: {  	_ =	shalt  }
0x77: {  	_ =	shalt  }
0x78: {  	_ =	shalt  }
0x79: {  	_ =	shalt  }
0x7a: {  	_ =	shalt  }
0x7b: {  	_ =	shalt  }
0x7c: {  	_ =	shalt  }
0x7d: {  	_ =	shalt  }
0x7e: {  	_ =	shalt  }
0x7f: {  	_ =	shalt  }
0x80: {  	_ =	shalt  }
0x81: {  	_ =	shalt  }
0x82: {  	_ =	shalt  }
0x83: {  	_ =	shalt  }
0x84: {  	_ =	shalt  }
0x85: {  	_ =	shalt  }
0x86: {  	_ =	shalt  }
0x87: {  	_ =	shalt  }
.Lfunc_end0:
.L_simem_size_0:
called_computation.1_lowered:
.L_overlay_start_0:
0x88: {  	s2 =	sld [smem:$0x3FD9]  }
0x89: {  	s3 =	sld [smem:$0x3FFE];
	_ =	sdelay $0x1  }
0x8a: {  	s1 =	srdreg.scid  }
0x8b: {  	s0 =	sand.u32 $0x1, s1  }
0x8c: {  	s17 =	sshll.u32 s0, $0xA;
	s2 =	sadd.s32 s3, s2  }
0x8d: {  	s2 =	sadd.s32 s2, s17  }
0x8e: {  	[smem:$0x3FC2] =	sst s2  }
0x8f: {  	_ = 	snop  }
0x90: {  	s2 =	sld [smem:$0x3FD0];
	(tm) =	ssettm $0x1  }
0x91: {  	s18 =	sld [smem:$0x3FFB];
	_ =	sdelay $0x3  }
0x92: {  	_ =	strace s18  }
0x93: {  	s3 =	sld [smem:$0x3FFC];
	_ =	sdelay $0x3  }
0x94: {  	_ =	strace s3  }
0x95: {  	s3 =	sld [smem:$0x3FFD];
	_ =	sdelay $0x3  }
0x96: {  	_ =	strace s3  }
0x97: {  	_ =	strace $0x8FFFFFFF  }
0x98: {  	s19 =	sld [smem:$0x3FDB];
	_ =	sdelay $0x1  }
0x99: {  	s4 =	simm.s32 $_scs_section_size  }
0x9a: {  	s5 =	simm.s32 $_size__tile_overlayer_lowered;
	s6 =	simm.s32 $_tile_overlayer_lowered  }
0x9b: {  	s22 =	simm.s32 $0x1BFF;
	s21 =	sshll.u32 s6, $0x1;
	s3 =	sadd.s32 s4, s19  }
0x9c: {  	s7 =	simm.s32 $0x0;
	s20 =	sshll.u32 s5, $0x1;
	s5 =	sadd.s32 s21, s3  }
0x9d: {  	[timem:s7], [sflag:s22] =	dma.local [hbm:s5], s20  }
0x9e: {  	_ =	swait.ge [sflag:s22], s20  }
0x9f: {  	s4 =	ssub.s32 $0x0, s20;
	[sflag:s22] =	ssyncset.done $0x0  }
0xa0: {  	[sflag:s22] =	ssyncadd.s32 s4;
	_ =	sdelay $0x1  }
0xa1: {  	s23 =	simm.s32 $0x1B8B  }
0xa2: {  	_ =	swait.ge [sflag:s23], $0x1  }
0xa3: {  	[sflag:s23] =	ssyncset.done $0x0  }
0xa4: {  	s25 =	simm.s32 $0x1B8E;
	s24 =	sld [smem:$0x3FFE];
	[sflag:s23] =	ssyncadd.s32 $0xFFFFFFFF  }
0xa5: {  	s26 =	simm.s32 $execute0_lowered;
	[smem:$0x3FD2] =	sst s25  }
0xa6: {  	s5 =	sshll.u32 s26, $0x1;
	_ =	strace $0x80000049;
	[dreg:$0x1] =	wrdreg $0xFFFFFFFF  }
0xa7: {  	s28 =	simm.s32 $_size_execute0_lowered;
	s3 =	sadd.s32 s3, s5;
	[dreg:$0x0] =	wrdreg $0x0  }
0xa8: {  	s5 =	sshll.u32 s28, $0x1;
	[dreg:$0x2] =	wrdreg s3  }
0xa9: {  	[dreg:$0x3] =	wrdreg s5  }
0xaa: {  	[dreg:$0x4] =	wrdreg $0xC0  }
0xab: {  	_ =	task [dreg:s7], $0x5FFFF  }
0xac: {  	[dreg:$0x1] =	wrdreg $0xFFFFFFFF  }
0xad: {  	[dreg:$0x0] =	wrdreg $0x60  }
0xae: {  	[dreg:$0x2] =	wrdreg s24  }
0xaf: {  	[dreg:$0x3] =	wrdreg s2  }
0xb0: {  	[dreg:$0x4] =	wrdreg $0x15D000  }
0xb1: {  	[dreg:$0x5] =	wrdreg $0x9  }
0xb2: {  	_ =	task.clear_ibuf [dreg:s7], $0x6FFFF;
	_ =	strace $0x90000049  }
0xb3: {  	s29 =	simm.s32 $0x9;
	_ =	strace $0x8000004B  }
0xb4: {  	_ =	swait.ge [sflag:s29], $0x1  }
0xb5: {  	[sflag:s29] =	ssyncadd.s32 $0xFFFFFFFF  }
0xb6: {  	_ =	strace $0x9000004B  }
0xb7: {  	_ =	sfence  }
0xb8: {  	s30 =	sld [smem:$0x0];
	_ =	sdelay $0x2  }
0xb9: {  	s31 =	sshll.u32 s1, $0xD;
	s1 =	sshrl.u32 s1, $0x2  }
0xba: {  	s3 =	sand.u32 $0x4000, s31;
	s1 =	sadd.s32 s1, s30  }
0xbb: {  	s0 =	sor.u32 s3, s0;
	s1 =	sshll.u32 s1, $0x11  }
0xbc: {  	s0 =	sor.u32 s1, s0  }
0xbd: {  	s0 =	sadd.s32 $0x8F2B, s0  }
0xbe: {  	[sflag:s0] =	ssyncadd.remote.s32 $0x1  }
0xbf: {  	_ =	sfence.sel $0xFFFF  }
0xc0: {  	[dreg:$0x0] =	wrdreg $0xFFFFFFFF;
	(pc) =	sbr.abs _section_cstart, $3  }
0xc1: {  	[dreg:$0x1] =	wrdreg $0xFFFFFFFF  }
0xc2: {  	_ =	task.clear_ibuf [dreg:s7], $0x2FFFF;
	_ =	strace $0x9FFFFFFF  }
0xc3: {  	(tm) =	ssettm $0x7FFFFFFF  }
tec
execute0_lowered:
.L_overlay_start_1:
0x0: {  	(tag) =	ssettag $0x1  }
0x1: {  	s1 =	rddreg [dreg:$0x0];
	s0 =	stileid.u32  }
0x2: {  	s4 =	srdreg.scid;
	s3 =	rddreg [dreg:$0x2]  }
0x3: {  	s14 =	simm.s32 $0x80;
	s15 =	simm.s32 $0x9D00;
	s22 =	simm.s32 $0x11D00  }
0x4: {  	s23 =	simm.s32 $0x280;
	s24 =	simm.s32 $0x13D00;
	s25 =	simm.s32 $0x1  }
0x5: {  	s26 =	simm.s32 $0x0;
	s5 =	smul.u32 $0x9D0, s0;
	s6 =	sand.u32 $0x1, s4  }
0x6: {  	s4 =	simm.s32 $0x0;
	s8 =	smul.u32 $0x9E00, s0;
	s31 =	sshll.u32 s0, $0x6  }
0x7: {  	s7 =	smul.u32 $0x9E000, s6;
	[smem:$0x7FF] =	sst s4;
	s6 =	ssub.s32 $0x2, s6  }
0x8: {  	_ =	strace $0x8000004A;
	s9 =	sadd.s32 s5, s1;
	s30 =	sshrl.u32 s6, $0x1  }
0x9: {  	s12 =	sadd.s32 s8, s3;
	s5 =	sor.u32 $0x1C07, s31;
	s28 =	sshrl.u32 s7, $0x3  }
0xa: {  	s7 =	sadd.s32 s8, s7;
	s11 =	ssub.s32 s6, s30;
	s6 =	sadd.s32 $0xBE00, s9  }
0xb: {  	s10 =	sadd.s32 s28, s1;
	s29 =	sshrl.u32 s7, $0x3;
	s7 =	sadd.s32 $0x2000, s9  }
0xc: {  	s1 =	sadd.s32 s29, s1;
	s8 =	sadd.s32 $0x16000, s10;
	s10 =	smax.u32 s11, $0x1  }
0xd: {  	s11 =	sshrl.u32 s12, $0x3;
	s12 =	simm.s32 $0x7;
	s9 =	sadd.s32 $0x3D800, s1  }
.LBB2_1:
0xe: {  	s0 =	rddreg [dreg:$0x1]  }
0xf: {  	[spmem:s11], [sflag:s5] =	dma.local [hbm:s0], $0x13C0  }
0x10: {  	_ =	swait.ge [sflag:s12], $0x13C0  }
0x11: {  	[sflag:s12] =	ssyncset.done $0x0  }
0x12: {  	[sflag:s12] =	ssyncadd.s32 $0xFFFFEC40  }
0x13: {  	[tilespmem:s4], [sflag:$0x7] =	stream.linear.gather [hbm4b:s6+s4], $0x4E80, $0x38;
	[tilespmem:$0x1FB00] =	vst v63  }
0x14: {  	_ =	swait.ge [sflag:s12], $0x4E80  }
0x15: {  	[sflag:s12] =	ssyncset.done $0x0  }
0x16: {  	s17 =	simm.s32 $0x4E80;
	[sflag:s12] =	ssyncadd.s32 $0xFFFFB180  }
0x17: {  	[tilespmem:s17], [sflag:$0x7] =	stream.linear.gather [hbm4b:s7+s4], $0x4E80, $0x38;
	[tilespmem:$0x1FB00] =	vst v63  }
0x18: {  	_ =	swait.ge [sflag:s12], $0x4E80  }
0x19: {  	[sflag:s12] =	ssyncset.done $0x0  }
0x1a: {  	[sflag:s12] =	ssyncadd.s32 $0xFFFFB180  }
0x1b: {  	[bflag:$0x0] =	sbarrier.arrive $0xFFFF  }
0x1c: {  	[tilespmem:s15], [sflag:$0x1] =	stream.indirect.gather [hbm4b:s8+s14], $0x40, s4, s14, $0xb8;
	[tilespmem:$0x1FB00] =	vst v63  }
0x1d: {  	s18 =	simm.s32 $0xBD00  }
0x1e: {  	[tilespmem:s18], [sflag:$0x2] =	stream.indirect.gather [hbm4b:s8+s14], $0x40, s14, s14, $0xb8;
	[tilespmem:$0x1FB00] =	vst v63  }
0x1f: {  	s19 =	simm.s32 $0x100;
	s1 =	simm.s32 $0xDD00  }
0x20: {  	[tilespmem:s1], [sflag:$0x3] =	stream.indirect.gather [hbm4b:s8+s14], $0x40, s19, s14, $0xb8;
	[tilespmem:$0x1FB00] =	vst v63  }
0x21: {  	s20 =	simm.s32 $0x180;
	s21 =	simm.s32 $0xFD00  }
0x22: {  	[tilespmem:s21], [sflag:$0x4] =	stream.indirect.gather [hbm4b:s8+s14], $0x40, s20, s14, $0xb8;
	[tilespmem:$0x1FB00] =	vst v63  }
0x23: {  	s31 =	simm.s32 $0x200  }
0x24: {  	[tilespmem:s22], [sflag:$0x5] =	stream.indirect.gather [hbm4b:s8+s14], $0x40, s31, s14, $0xb8;
	[tilespmem:$0x1FB00] =	vst v63  }
0x25: {  	s28 =	simm.s32 $0x1;
	s29 =	simm.s32 $0x0;
	s30 =	simm.s32 $0x0  }
0x26: {  	[tilespmem:s24], [sflag:$0x6] =	stream.indirect.gather [hbm4b:s8+s14], $0x40, s23, s14, $0xb8;
	[tilespmem:$0x1FB00] =	vst v63  }
.LBB2_2:
0x27: {  	_ =	swait.ge [sflag:s25], $0x2000  }
0x28: {  	s1 =	sshra.s32 s29, $0x2;
	[sflag:s25] =	ssyncset.done $0x0  }
0x29: {  	p0 =	seq.s32 s29, $0x13800;
	s1 =	sadd.s32 $0x4E80, s1;
	[sflag:s25] =	ssyncadd.s32 $0xFFFFE000  }
0x2a: {  	[spmem:s3] =	stream.indirect.scatter.add.f32 [tilespmem:s15], [sflag:$0x7], $0x40, s1, s14, $0xb8;
	[tilespmem:$0x1FB00] =	vst v63  }
0x2b: {  	s31 =	sshra.s32 @!p0 s29, $0x2;
	s2 =	simm.s32 @!p0 $0x9D00;
	_ =	swait.ge [sflag:s12], $0x2000  }
0x2c: {  	p2 =	sgt.u32 @!p0 s28, $0x9C;
	s0 =	sadd.s32 @!p0 $0x300, s31;
	[sflag:s12] =	ssyncset.done $0x0  }
0x2d: {  	p1 =	por p2, p0;
	s1 =	simm.s32 @!p0 $0x80;
	[sflag:s12] =	ssyncadd.s32 $0xFFFFE000  }
0x2e: {  	[tilespmem:s2], [sflag:$0x1] =	stream.indirect.gather @!p0 [hbm4b:s8+s1], $0x40, s0, s1, $0xb8;
	[tilespmem:$0x1FB00] =	vst v63  }
0x2f: {  	s0 =	simm.s32 @!p1 $0x2  }
0x30: {  	_ =	swait.ge @!p1 [sflag:s0], $0x2000  }
0x31: {  	[sflag:s0] =	ssyncset.done @!p1 $0x0  }
0x32: {  	[sflag:s0] =	ssyncadd.s32 @!p1 $0xFFFFE000;
	s0 =	sshra.s32 @!p1 s29, $0x2  }
0x33: {  	s13 =	simm.s32 @!p1 $0xBD00;
	s2 =	simm.s32 @!p1 $0x80;
	s0 =	sadd.s32 @!p1 $0x4F00, s0  }
0x34: {  	[spmem:s3] =	stream.indirect.scatter.add.f32 @!p1 [tilespmem:s13], [sflag:$0x7], $0x40, s0, s2, $0xb8;
	[tilespmem:$0x1FB00] =	vst v63  }
0x35: {  	p3 =	sgt.u32 @!p1 s30, $0x18;
	s0 =	simm.s32 @!p1 $0x7  }
0x36: {  	p2 =	por @!p0 p3, p2;
	_ =	swait.ge @!p1 [sflag:s0], $0x2000  }
0x37: {  	p2 =	por p2, p0;
	[sflag:s0] =	ssyncset.done @!p1 $0x0  }
0x38: {  	[sflag:s0] =	ssyncadd.s32 @!p1 $0xFFFFE000;
	s0 =	sshra.s32 @!p2 s29, $0x2  }
0x39: {  	s2 =	simm.s32 @!p2 $0x80;
	s13 =	simm.s32 @!p2 $0xBD00;
	s0 =	sadd.s32 @!p2 $0x380, s0  }
0x3a: {  	[tilespmem:s13], [sflag:$0x2] =	stream.indirect.gather @!p2 [hbm4b:s8+s2], $0x40, s0, s2, $0xb8;
	[tilespmem:$0x1FB00] =	vst v63  }
0x3b: {  	s0 =	simm.s32 @!p0 $0x3  }
0x3c: {  	_ =	swait.ge @!p0 [sflag:s0], $0x2000  }
0x3d: {  	[sflag:s0] =	ssyncset.done @!p0 $0x0  }
0x3e: {  	s2 =	simm.s32 @!p0 $0xDD00;
	[sflag:s0] =	ssyncadd.s32 @!p0 $0xFFFFE000;
	s0 =	sadd.s32 @!p0 $0x4F80, s31  }
0x3f: {  	[spmem:s3] =	stream.indirect.scatter.add.f32 @!p0 [tilespmem:s2], [sflag:$0x7], $0x40, s0, s1, $0xb8;
	[tilespmem:$0x1FB00] =	vst v63  }
0x40: {  	s0 =	simm.s32 @!p0 $0x7  }
0x41: {  	p1 =	sgt.u32 @!p0 s30, $0x18;
	_ =	swait.ge @!p0 [sflag:s0], $0x2000  }
0x42: {  	p2 =	por !p1, p0;
	[sflag:s0] =	ssyncset.done @!p0 $0x0  }
0x43: {  	s2 =	simm.s32 @!p2 $0x4;
	[sflag:s0] =	ssyncadd.s32 @!p0 $0xFFFFE000  }
0x44: {  	_ =	swait.ge @!p2 [sflag:s2], $0x2000  }
0x45: {  	[sflag:s2] =	ssyncset.done @!p2 $0x0  }
0x46: {  	[sflag:s2] =	ssyncadd.s32 @!p2 $0xFFFFE000;
	s2 =	sshra.s32 @!p2 s29, $0x2  }
0x47: {  	s16 =	simm.s32 @!p2 $0x80;
	s17 =	simm.s32 @!p2 $0xFD00;
	s13 =	sadd.s32 @!p2 $0x5000, s2  }
0x48: {  	[spmem:s3] =	stream.indirect.scatter.add.f32 @!p2 [tilespmem:s17], [sflag:$0x7], $0x40, s13, s16, $0xb8;
	[tilespmem:$0x1FB00] =	vst v63  }
0x49: {  	s13 =	simm.s32 @!p2 $0x7  }
0x4a: {  	p1 =	por p1, p0;
	_ =	swait.ge @!p2 [sflag:s13], $0x2000  }
0x4b: {  	s19 =	simm.s32 @!p1 $0x80;
	s17 =	sshra.s32 @!p1 s29, $0x2;
	[sflag:s13] =	ssyncset.done @!p2 $0x0  }
0x4c: {  	s20 =	simm.s32 @!p1 $0xDD00;
	s18 =	sadd.s32 @!p1 $0x400, s17;
	[sflag:s13] =	ssyncadd.s32 @!p2 $0xFFFFE000  }
0x4d: {  	[tilespmem:s20], [sflag:$0x3] =	stream.indirect.gather @!p1 [hbm4b:s8+s19], $0x40, s18, s19, $0xb8;
	[tilespmem:$0x1FB00] =	vst v63  }
0x4e: {  	s18 =	simm.s32 @!p1 $0x4  }
0x4f: {  	_ =	swait.ge @!p1 [sflag:s18], $0x2000  }
0x50: {  	[sflag:s18] =	ssyncset.done @!p1 $0x0  }
0x51: {  	s20 =	simm.s32 @!p1 $0xFD00;
	[sflag:s18] =	ssyncadd.s32 @!p1 $0xFFFFE000;
	s18 =	sadd.s32 @!p1 $0x5000, s17  }
0x52: {  	[spmem:s3] =	stream.indirect.scatter.add.f32 @!p1 [tilespmem:s20], [sflag:$0x7], $0x40, s18, s19, $0xb8;
	[tilespmem:$0x1FB00] =	vst v63  }
0x53: {  	s18 =	simm.s32 @!p1 $0x7  }
0x54: {  	_ =	swait.ge @!p1 [sflag:s18], $0x2000  }
0x55: {  	[sflag:s18] =	ssyncset.done @!p1 $0x0  }
0x56: {  	s21 =	sadd.s32 @!p1 $0x480, s17;
	[sflag:s18] =	ssyncadd.s32 @!p1 $0xFFFFE000  }
0x57: {  	[tilespmem:s20], [sflag:$0x4] =	stream.indirect.gather @!p1 [hbm4b:s8+s19], $0x40, s21, s19, $0xb8;
	[tilespmem:$0x1FB00] =	vst v63  }
0x58: {  	s20 =	simm.s32 @!p0 $0x5  }
0x59: {  	_ =	swait.ge @!p0 [sflag:s20], $0x2000  }
0x5a: {  	[sflag:s20] =	ssyncset.done @!p0 $0x0  }
0x5b: {  	s21 =	simm.s32 @!p0 $0x11D00;
	[sflag:s20] =	ssyncadd.s32 @!p0 $0xFFFFE000;
	s20 =	sadd.s32 @!p0 $0x5080, s31  }
0x5c: {  	[spmem:s3] =	stream.indirect.scatter.add.f32 @!p0 [tilespmem:s21], [sflag:$0x7], $0x40, s20, s1, $0xb8;
	[tilespmem:$0x1FB00] =	vst v63  }
0x5d: {  	_ =	swait.ge @!p0 [sflag:s0], $0x2000  }
0x5e: {  	[sflag:s0] =	ssyncset.done @!p0 $0x0  }
0x5f: {  	[sflag:s0] =	ssyncadd.s32 @!p0 $0xFFFFE000;
	s0 =	simm.s32 @!p2 $0x6  }
0x60: {  	_ =	swait.ge @!p2 [sflag:s0], $0x2000  }
0x61: {  	[sflag:s0] =	ssyncset.done @!p2 $0x0  }
0x62: {  	s1 =	simm.s32 @!p2 $0x13D00;
	[sflag:s0] =	ssyncadd.s32 @!p2 $0xFFFFE000;
	s0 =	sadd.s32 @!p2 $0x5100, s2  }
0x63: {  	[spmem:s3] =	stream.indirect.scatter.add.f32 @!p2 [tilespmem:s1], [sflag:$0x7], $0x40, s0, s16, $0xb8;
	[tilespmem:$0x1FB00] =	vst v63  }
0x64: {  	_ =	swait.ge @!p2 [sflag:s13], $0x2000  }
0x65: {  	[sflag:s13] =	ssyncset.done @!p2 $0x0  }
0x66: {  	s0 =	sadd.s32 @!p1 $0x500, s17;
	s1 =	simm.s32 @!p1 $0x11D00;
	[sflag:s13] =	ssyncadd.s32 @!p2 $0xFFFFE000  }
0x67: {  	[tilespmem:s1], [sflag:$0x5] =	stream.indirect.gather @!p1 [hbm4b:s8+s19], $0x40, s0, s19, $0xb8;
	[tilespmem:$0x1FB00] =	vst v63  }
0x68: {  	s0 =	simm.s32 @!p1 $0x6  }
0x69: {  	_ =	swait.ge @!p1 [sflag:s0], $0x2000  }
0x6a: {  	[sflag:s0] =	ssyncset.done @!p1 $0x0  }
0x6b: {  	s1 =	simm.s32 @!p1 $0x13D00;
	[sflag:s0] =	ssyncadd.s32 @!p1 $0xFFFFE000;
	s0 =	sadd.s32 @!p1 $0x5100, s17  }
0x6c: {  	[spmem:s3] =	stream.indirect.scatter.add.f32 @!p1 [tilespmem:s1], [sflag:$0x7], $0x40, s0, s19, $0xb8;
	[tilespmem:$0x1FB00] =	vst v63  }
0x6d: {  	_ =	swait.ge @!p1 [sflag:s18], $0x2000  }
0x6e: {  	[sflag:s18] =	ssyncset.done @!p1 $0x0  }
0x6f: {  	s29 =	sadd.s32 @!p0 $0xC00, s29;
	s0 =	sadd.s32 @!p1 $0x580, s17;
	[sflag:s18] =	ssyncadd.s32 @!p1 $0xFFFFE000  }
0x70: {  	[tilespmem:s1], [sflag:$0x6] =	stream.indirect.gather @!p1 [hbm4b:s8+s19], $0x40, s0, s19, $0xb8;
	[tilespmem:$0x1FB00] =	vst v63  }
0x71: {  	p1 =	sne.s32 @!p0 s29, $0x14400  }
0x72: {  	p1 =	por p0, !p1  }
.Ltmp0:
0x73: {  	_ = 	snop;
	(pc) =	sbr.rel @!p1 .LBB2_2-.Ltmp0, $2  }
0x74: {  	_ =	sdelay $0x2  }
0x75: {  	s28 =	sadd.s32 @!p0 $0x6, s28;
	s30 =	sadd.s32 @!p0 $0x1, s30  }
0x76: {  	s26 =	sadd.s32 $0x1, s26  }
0x77: {  	p0 =	sne.s32 s26, s10  }
.Ltmp1:
0x78: {  	[bflag:$0x0] =	sbarrier.arrive $0xFFFF;
	(pc) =	sbr.rel @p0 .LBB2_1-.Ltmp1, $4  }
0x79: {  	[hbm:s9], [sflag:s5] =	dma.local [spmem:s11], $0x13C0  }
0x7a: {  	_ =	swait.ge [sflag:s12], $0x13C0  }
0x7b: {  	[sflag:s12] =	ssyncset.done $0x0  }
0x7c: {  	[sflag:s12] =	ssyncadd.s32 $0xFFFFEC40  }
0x7d: {  	_ =	sfence.sel $0x180000  }
0x7e: {  	[bflag:$0x0] =	sbarrier.arrive $0xFFFF  }
0x7f: {  	_ =	strace $0x9000004A  }
0x80: {  	s0 =	stileid.u32;
	[bflag:$0x2] =	sbarrier.arrive $0xFFFF  }
0x81: {  	p0 =	sne.s32 s0, $0x0;
	s0 =	rddreg [dreg:$0x3]  }
0x82: {  	s0 =	sadd.s32 @!p0 $0x100000, s0  }
0x83: {  	[sflag:s0] =	ssyncadd.tile.s32 @!p0 $0x1;
	_ =	shalt  }
.Lfunc_end2:
_tile_overlayer_lowered:
.L_overlay_start_2:
0x84: {  	(tag) =	ssettag $0x2  }
0x85: {  	s0 =	rddreg [dreg:$0x0];
	s2 =	stileid.u32  }
0x86: {  	s1 =	rddreg [dreg:$0x1];
	p0 =	sne.s32 s2, $0x0  }
0x87: {  	s3 =	rddreg [dreg:$0x2];
	[bflag:$0x3] =	sbarrier.arrive $0xFFFF;
	s2 =	simm.s32 @!p0 $0x1C07  }
0x88: {  	[timem:s3], [sflag:s2] =	dma.local @!p0 [hbm:s0], s1  }
0x89: {  	s0 =	simm.s32 @!p0 $0x7  }
0x8a: {  	_ =	swait.ge @!p0 [sflag:s0], s1  }
0x8b: {  	s1 =	ssub.s32 @!p0 $0x0, s1;
	[sflag:s0] =	ssyncset.done @!p0 $0x0  }
0x8c: {  	[sflag:s0] =	ssyncadd.s32 @!p0 s1  }
0x8d: {  	[bflag:$0x3] =	sbarrier.arrive $0xFFFF  }
0x8e: {  	_ =	shalt  }

// kernel: kernel.14.cloned.1.call-start
scs
__scs_entry_jumppad:
0x0: {  	(pc) =	sbr.rel $0x88, $3  }
0x1: {  	(tag) =	ssettag $0x0;
	lr =	simm.s32 $0x1  }
0x2: {  	[smem:$0x3F9B] =	sst lr;
	_ =	strace $0xD0000000  }
0x3: {  	_ = 	snop  }
0x4: {  	_ = 	snop  }
0x5: {  	_ = 	snop  }
0x6: {  	_ = 	snop  }
0x7: {  	_ = 	snop  }
__scs_overlays_trampoline_lowered:
0x8: {  	[smem:$0x3FAA] =	sst s0  }
0x9: {  	[smem:$0x3FAB] =	sst s1  }
0xa: {  	[smem:$0x3FAC] =	sst s2  }
0xb: {  	[smem:$0x3FAD] =	sst s3  }
0xc: {  	[smem:$0x3FAE] =	sst s4  }
0xd: {  	[smem:$0x3FAF] =	sst s5  }
0xe: {  	[smem:$0x3FB0] =	sst s6  }
0xf: {  	[smem:$0x3FB1] =	sst s7  }
0x10: {  	[smem:$0x3FB2] =	sst s8  }
0x11: {  	[smem:$0x3FB3] =	sst s9;
	s0 =	simm.s32 @!p0 $0x0  }
0x12: {  	s1 =	sld [smem:$0x3F99];
	s0 =	simm.s32 @p0 $0x1  }
0x13: {  	[smem:$0x3FB4] =	sst s0;
	s0 =	simm.s32 @!p1 $0x0  }
0x14: {  	s2 =	sld [smem:$0x3F98];
	s0 =	simm.s32 @p1 $0x1  }
0x15: {  	[smem:$0x3FB5] =	sst s0;
	s0 =	simm.s32 @!p2 $0x0  }
0x16: {  	s3 =	sld [smem:$0x3FDB];
	s0 =	simm.s32 @p2 $0x1  }
0x17: {  	s4 =	simm.s32 $0x1BF5;
	[smem:$0x3FB7] =	sst s0  }
0x18: {  	s0 =	sld [smem:$0x3F9A];
	_ =	swait.ge [sflag:s4], $0x0  }
0x19: {  	s7 =	sld [smem:$0x3F9B]  }
0x1a: {  	s8 =	sadd.s32 $0xFFFFE003, lr  }
0x1b: {  	s9 =	sadd.s32 $0xFFFFFEF7, lr;
	s5 =	simm.s32 $0xFFFFFFFF;
	p2 =	slt.u32 s8, $0xFFFFF086  }
0x1c: {  	p1 =	slt.u32 s9, $0xF7A;
	s5 =	simm.s32 @!p2 $0x0  }
0x1d: {  	s5 =	simm.s32 @p1 $0x1;
	p0 =	seq.s32 s7, s2  }
0x1e: {  	s7 =	smul.u32 @!p0 $0xF7A, s2;
	p2 =	seq.s32 @!p0 s5, $0x0  }
0x1f: {  	s9 =	smul.u32 $0xF7A, s1;
	s8 =	simm.s32 @!p0 $0x1BF5;
	p2 =	por !p2, p0  }
0x20: {  	[sflag:s8] =	ssyncset.s32 @!p0 $0xFFFFF086;
	s6 =	sadd.s32 @!p0 s3, s7;
	s7 =	simm.s32 @!p0 $0x108  }
0x21: {  	s3 =	sadd.s32 s3, s9;
	s6 =	sadd.s32 @!p0 $0x88, s6;
	s7 =	simm.s32 @p2 $0x1082  }
0x22: {  	[simem:s7], [sflag:s8] =	dma.local @!p0 [hbm:s6], $0xF7A  }
0x23: {  	s9 =	sor.u32 $0xD0000000, s2;
	s6 =	simm.s32 $0x108;
	_ =	swait.ge @!p0 [sflag:s8], $0x0  }
0x24: {  	s3 =	sadd.s32 $0x88, s3;
	s6 =	simm.s32 @!p1 $0x1082;
	[sflag:s4] =	ssyncset.s32 $0xFFFFF086  }
0x25: {  	[simem:s6], [sflag:s4] =	dma.local [hbm:s3], $0xF7A  }
0x26: {  	[smem:$0x3F9B] =	sst s1;
	(tag) =	ssettag s2;
	_ =	strace s9  }
0x27: {  	s1 =	sld [smem:$0x3FAB]  }
0x28: {  	s2 =	sld [smem:$0x3FAC]  }
0x29: {  	s4 =	sld [smem:$0x3FAE]  }
0x2a: {  	p0 =	seq.s32 s5, $0x0;
	s5 =	sld [smem:$0x3FAF]  }
0x2b: {  	s6 =	sld [smem:$0x3FB0]  }
0x2c: {  	s7 =	sld [smem:$0x3FB1]  }
0x2d: {  	s3 =	simm.s32 $0x108;
	s8 =	sld [smem:$0x3FB2]  }
0x2e: {  	s3 =	simm.s32 @!p0 $0x1082;
	s9 =	sld [smem:$0x3FB3]  }
0x2f: {  	lr =	sadd.s32 s0, s3;
	s0 =	sld [smem:$0x3FAA]  }
0x30: {  	s3 =	sld [smem:$0x3FAD]  }
0x31: {  	[smem:$0x3FB6] =	sst s10  }
0x32: {  	s10 =	sld [smem:$0x3FB4];
	_ =	sdelay $0x3  }
0x33: {  	p0 =	seq.s32 s10, $0x1;
	s10 =	sld [smem:$0x3FB6];
	_ =	sdelay $0x3  }
0x34: {  	[smem:$0x3FB6] =	sst s10  }
0x35: {  	s10 =	sld [smem:$0x3FB5];
	_ =	sdelay $0x3  }
0x36: {  	p1 =	seq.s32 s10, $0x1;
	s10 =	sld [smem:$0x3FB6];
	_ =	sdelay $0x3  }
0x37: {  	[smem:$0x3FB6] =	sst s10  }
0x38: {  	s10 =	sld [smem:$0x3FB7]  }
0x39: {  	_ = 	snop;
	(pc) =	sbr.ind lr, $3  }
0x3a: {  	_ = 	snop  }
0x3b: {  	_ = 	snop  }
0x3c: {  	p2 =	seq.s32 s10, $0x1;
	s10 =	sld [smem:$0x3FB6]  }
0x3d: {  	_ =	shalt  }
0x3e: {  	_ =	shalt  }
0x3f: {  	_ =	shalt  }
0x40: {  	_ =	shalt  }
0x41: {  	_ =	shalt  }
0x42: {  	_ =	shalt  }
0x43: {  	_ =	shalt  }
0x44: {  	_ =	shalt  }
0x45: {  	_ =	shalt  }
0x46: {  	_ =	shalt  }
0x47: {  	_ =	shalt  }
0x48: {  	_ =	shalt  }
0x49: {  	_ =	shalt  }
0x4a: {  	_ =	shalt  }
0x4b: {  	_ =	shalt  }
0x4c: {  	_ =	shalt  }
0x4d: {  	_ =	shalt  }
0x4e: {  	_ =	shalt  }
0x4f: {  	_ =	shalt  }
0x50: {  	_ =	shalt  }
0x51: {  	_ =	shalt  }
0x52: {  	_ =	shalt  }
0x53: {  	_ =	shalt  }
0x54: {  	_ =	shalt  }
0x55: {  	_ =	shalt  }
0x56: {  	_ =	shalt  }
0x57: {  	_ =	shalt  }
0x58: {  	_ =	shalt  }
0x59: {  	_ =	shalt  }
0x5a: {  	_ =	shalt  }
0x5b: {  	_ =	shalt  }
0x5c: {  	_ =	shalt  }
0x5d: {  	_ =	shalt  }
0x5e: {  	_ =	shalt  }
0x5f: {  	_ =	shalt  }
0x60: {  	_ =	shalt  }
0x61: {  	_ =	shalt  }
0x62: {  	_ =	shalt  }
0x63: {  	_ =	shalt  }
0x64: {  	_ =	shalt  }
0x65: {  	_ =	shalt  }
0x66: {  	_ =	shalt  }
0x67: {  	_ =	shalt  }
0x68: {  	_ =	shalt  }
0x69: {  	_ =	shalt  }
0x6a: {  	_ =	shalt  }
0x6b: {  	_ =	shalt  }
0x6c: {  	_ =	shalt  }
0x6d: {  	_ =	shalt  }
0x6e: {  	_ =	shalt  }
0x6f: {  	_ =	shalt  }
0x70: {  	_ =	shalt  }
0x71: {  	_ =	shalt  }
0x72: {  	_ =	shalt  }
0x73: {  	_ =	shalt  }
0x74: {  	_ =	shalt  }
0x75: {  	_ =	shalt  }
0x76: {  	_ =	shalt  }
0x77: {  	_ =	shalt  }
0x78: {  	_ =	shalt  }
0x79: {  	_ =	shalt  }
0x7a: {  	_ =	shalt  }
0x7b: {  	_ =	shalt  }
0x7c: {  	_ =	shalt  }
0x7d: {  	_ =	shalt  }
0x7e: {  	_ =	shalt  }
0x7f: {  	_ =	shalt  }
0x80: {  	_ =	shalt  }
0x81: {  	_ =	shalt  }
0x82: {  	_ =	shalt  }
0x83: {  	_ =	shalt  }
0x84: {  	_ =	shalt  }
0x85: {  	_ =	shalt  }
0x86: {  	_ =	shalt  }
0x87: {  	_ =	shalt  }
.Lfunc_end0:
.L_simem_size_0:
called_computation.2_lowered:
.L_overlay_start_0:
0x88: {  	s2 =	sld [smem:$0x3FD9]  }
0x89: {  	s3 =	sld [smem:$0x3FFE];
	_ =	sdelay $0x1  }
0x8a: {  	s1 =	srdreg.scid  }
0x8b: {  	s0 =	sand.u32 $0x1, s1  }
0x8c: {  	s17 =	sshll.u32 s0, $0xA;
	s2 =	sadd.s32 s3, s2  }
0x8d: {  	s2 =	sadd.s32 s2, s17  }
0x8e: {  	[smem:$0x3FC2] =	sst s2  }
0x8f: {  	_ = 	snop  }
0x90: {  	s2 =	sld [smem:$0x3FD0];
	(tm) =	ssettm $0x1  }
0x91: {  	s18 =	sld [smem:$0x3FFB];
	_ =	sdelay $0x3  }
0x92: {  	_ =	strace s18  }
0x93: {  	s3 =	sld [smem:$0x3FFC];
	_ =	sdelay $0x3  }
0x94: {  	_ =	strace s3  }
0x95: {  	s3 =	sld [smem:$0x3FFD];
	_ =	sdelay $0x3  }
0x96: {  	_ =	strace s3  }
0x97: {  	_ =	strace $0x8FFFFFFF  }
0x98: {  	s19 =	sld [smem:$0x3FDB];
	_ =	sdelay $0x1  }
0x99: {  	s4 =	simm.s32 $_scs_section_size  }
0x9a: {  	s5 =	simm.s32 $_size__tile_overlayer_lowered;
	s6 =	simm.s32 $_tile_overlayer_lowered  }
0x9b: {  	s22 =	simm.s32 $0x1BFF;
	s21 =	sshll.u32 s6, $0x1;
	s3 =	sadd.s32 s4, s19  }
0x9c: {  	s7 =	simm.s32 $0x0;
	s20 =	sshll.u32 s5, $0x1;
	s5 =	sadd.s32 s21, s3  }
0x9d: {  	[timem:s7], [sflag:s22] =	dma.local [hbm:s5], s20  }
0x9e: {  	_ =	swait.ge [sflag:s22], s20  }
0x9f: {  	s4 =	ssub.s32 $0x0, s20;
	[sflag:s22] =	ssyncset.done $0x0  }
0xa0: {  	[sflag:s22] =	ssyncadd.s32 s4;
	_ =	sdelay $0x1  }
0xa1: {  	s23 =	simm.s32 $0x1B8B  }
0xa2: {  	_ =	swait.ge [sflag:s23], $0x1  }
0xa3: {  	[sflag:s23] =	ssyncset.done $0x0  }
0xa4: {  	s25 =	simm.s32 $0x1B8E;
	s24 =	sld [smem:$0x3FFE];
	[sflag:s23] =	ssyncadd.s32 $0xFFFFFFFF  }
0xa5: {  	s26 =	simm.s32 $execute0_lowered;
	[smem:$0x3FD2] =	sst s25  }
0xa6: {  	s5 =	sshll.u32 s26, $0x1;
	_ =	strace $0x8000004C;
	[dreg:$0x1] =	wrdreg $0xFFFFFFFF  }
0xa7: {  	s28 =	simm.s32 $_size_execute0_lowered;
	s3 =	sadd.s32 s3, s5;
	[dreg:$0x0] =	wrdreg $0x0  }
0xa8: {  	s5 =	sshll.u32 s28, $0x1;
	[dreg:$0x2] =	wrdreg s3  }
0xa9: {  	[dreg:$0x3] =	wrdreg s5  }
0xaa: {  	[dreg:$0x4] =	wrdreg $0xC0  }
0xab: {  	_ =	task [dreg:s7], $0x5FFFF  }
0xac: {  	[dreg:$0x1] =	wrdreg $0xFFFFFFFF  }
0xad: {  	[dreg:$0x0] =	wrdreg $0x60  }
0xae: {  	[dreg:$0x2] =	wrdreg s24  }
0xaf: {  	[dreg:$0x3] =	wrdreg s2  }
0xb0: {  	[dreg:$0x4] =	wrdreg $0xB5000  }
0xb1: {  	[dreg:$0x5] =	wrdreg $0x9  }
0xb2: {  	_ =	task.clear_ibuf [dreg:s7], $0x6FFFF;
	_ =	strace $0x9000004C  }
0xb3: {  	s29 =	simm.s32 $0x9;
	_ =	strace $0x8000004E  }
0xb4: {  	_ =	swait.ge [sflag:s29], $0x1  }
0xb5: {  	[sflag:s29] =	ssyncadd.s32 $0xFFFFFFFF  }
0xb6: {  	_ =	strace $0x9000004E  }
0xb7: {  	_ =	sfence  }
0xb8: {  	s30 =	sld [smem:$0x0];
	_ =	sdelay $0x2  }
0xb9: {  	s31 =	sshll.u32 s1, $0xD;
	s1 =	sshrl.u32 s1, $0x2  }
0xba: {  	s3 =	sand.u32 $0x4000, s31;
	s1 =	sadd.s32 s1, s30  }
0xbb: {  	s0 =	sor.u32 s3, s0;
	s1 =	sshll.u32 s1, $0x11  }
0xbc: {  	s0 =	sor.u32 s1, s0  }
0xbd: {  	s0 =	sadd.s32 $0x8F2B, s0  }
0xbe: {  	[sflag:s0] =	ssyncadd.remote.s32 $0x1  }
0xbf: {  	_ =	sfence.sel $0xFFFF  }
0xc0: {  	[dreg:$0x0] =	wrdreg $0xFFFFFFFF;
	(pc) =	sbr.abs _section_cstart, $3  }
0xc1: {  	[dreg:$0x1] =	wrdreg $0xFFFFFFFF  }
0xc2: {  	_ =	task.clear_ibuf [dreg:s7], $0x2FFFF;
	_ =	strace $0x9FFFFFFF  }
0xc3: {  	(tm) =	ssettm $0x7FFFFFFF  }
tec
execute0_lowered:
.L_overlay_start_1:
0x0: {  	(tag) =	ssettag $0x1  }
0x1: {  	s0 =	rddreg [dreg:$0x0]  }
0x2: {  	s8 =	rddreg [dreg:$0x1]  }
0x3: {  	s2 =	rddreg [dreg:$0x2];
	s1 =	stileid.u32  }
0x4: {  	s5 =	srdreg.scid;
	s3 =	simm.s32 $0x0;
	s14 =	simm.s32 $0x80  }
0x5: {  	s15 =	simm.s32 $0x9D00;
	s23 =	simm.s32 $0x280;
	s24 =	simm.s32 $0xB100  }
0x6: {  	s25 =	simm.s32 $0x1;
	s26 =	simm.s32 $0x0;
	s4 =	smul.u32 $0x9D0, s1  }
0x7: {  	s5 =	sand.u32 $0x1, s5;
	s6 =	smul.u32 $0x13C0, s1;
	[smem:$0x7FF] =	sst s3  }
0x8: {  	s30 =	sshll.u32 s1, $0x6;
	s7 =	smul.u32 $0x13C00, s5;
	_ =	strace $0x8000004D  }
0x9: {  	s5 =	ssub.s32 $0x2, s5;
	s9 =	sadd.s32 s4, s0;
	s4 =	sadd.s32 $0x15C00, s0  }
0xa: {  	s11 =	sshrl.u32 s5, $0x1;
	s31 =	sadd.s32 s6, s2;
	s10 =	sadd.s32 s6, s7  }
0xb: {  	s29 =	ssub.s32 s5, s11;
	s5 =	sor.u32 $0x1C07, s30;
	s12 =	sshrl.u32 s7, $0x3  }
0xc: {  	s6 =	sadd.s32 $0xBE00, s9;
	s7 =	sadd.s32 $0x2000, s9;
	s10 =	sshrl.u32 s10, $0x3  }
0xd: {  	s11 =	sshrl.u32 s31, $0x3;
	s8 =	sadd.s32 s8, s12;
	s0 =	sadd.s32 s10, s0  }
0xe: {  	s12 =	simm.s32 $0x7;
	s10 =	smax.u32 s29, $0x1;
	s9 =	sadd.s32 $0x16000, s0  }
.LBB2_1:
0xf: {  	[spmem:s11], [sflag:s5] =	dma.local [hbm:s4], $0x278  }
0x10: {  	_ =	swait.ge [sflag:s12], $0x278  }
0x11: {  	[sflag:s12] =	ssyncset.done $0x0  }
0x12: {  	[sflag:s12] =	ssyncadd.s32 $0xFFFFFD88  }
0x13: {  	[tilespmem:s3], [sflag:$0x7] =	stream.linear.gather [hbm4b:s6+s3], $0x4E80, $0x38;
	[tilespmem:$0xC8C0] =	vst v63  }
0x14: {  	_ =	swait.ge [sflag:s12], $0x4E80  }
0x15: {  	[sflag:s12] =	ssyncset.done $0x0  }
0x16: {  	s0 =	simm.s32 $0x4E80;
	[sflag:s12] =	ssyncadd.s32 $0xFFFFB180  }
0x17: {  	[tilespmem:s0], [sflag:$0x7] =	stream.linear.gather [hbm4b:s7+s3], $0x4E80, $0x38;
	[tilespmem:$0xC8C0] =	vst v63  }
0x18: {  	_ =	swait.ge [sflag:s12], $0x4E80  }
0x19: {  	[sflag:s12] =	ssyncset.done $0x0  }
0x1a: {  	[sflag:s12] =	ssyncadd.s32 $0xFFFFB180  }
0x1b: {  	[bflag:$0x0] =	sbarrier.arrive $0xFFFF  }
0x1c: {  	[tilespmem:s15], [sflag:$0x1] =	stream.indirect.gather [hbm4b:s8+s14], $0x8, s3, s14, $0xb8;
	[tilespmem:$0xC8C0] =	vst v63  }
0x1d: {  	s18 =	simm.s32 $0xA100  }
0x1e: {  	[tilespmem:s18], [sflag:$0x2] =	stream.indirect.gather [hbm4b:s8+s14], $0x8, s14, s14, $0xb8;
	[tilespmem:$0xC8C0] =	vst v63  }
0x1f: {  	s19 =	simm.s32 $0x100;
	s1 =	simm.s32 $0xA500  }
0x20: {  	[tilespmem:s1], [sflag:$0x3] =	stream.indirect.gather [hbm4b:s8+s14], $0x8, s19, s14, $0xb8;
	[tilespmem:$0xC8C0] =	vst v63  }
0x21: {  	s20 =	simm.s32 $0x180;
	s21 =	simm.s32 $0xA900  }
0x22: {  	[tilespmem:s21], [sflag:$0x4] =	stream.indirect.gather [hbm4b:s8+s14], $0x8, s20, s14, $0xb8;
	[tilespmem:$0xC8C0] =	vst v63  }
0x23: {  	s22 =	simm.s32 $0x200;
	s31 =	simm.s32 $0xAD00  }
0x24: {  	[tilespmem:s31], [sflag:$0x5] =	stream.indirect.gather [hbm4b:s8+s14], $0x8, s22, s14, $0xb8;
	[tilespmem:$0xC8C0] =	vst v63  }
0x25: {  	s28 =	simm.s32 $0x1;
	s29 =	simm.s32 $0x0;
	s30 =	simm.s32 $0x0  }
0x26: {  	[tilespmem:s24], [sflag:$0x6] =	stream.indirect.gather [hbm4b:s8+s14], $0x8, s23, s14, $0xb8;
	[tilespmem:$0xC8C0] =	vst v63  }
.LBB2_2:
0x27: {  	_ =	swait.ge [sflag:s25], $0x400  }
0x28: {  	s0 =	sshra.s32 s29, $0x2;
	[sflag:s25] =	ssyncset.done $0x0  }
0x29: {  	p0 =	seq.s32 s29, $0x13800;
	s0 =	sadd.s32 $0x4E80, s0;
	[sflag:s25] =	ssyncadd.s32 $0xFFFFFC00  }
0x2a: {  	[spmem:s2] =	stream.indirect.scatter.add.f32 [tilespmem:s15], [sflag:$0x7], $0x8, s0, s14, $0xb8;
	[tilespmem:$0xC8C0] =	vst v63  }
0x2b: {  	s31 =	sshra.s32 @!p0 s29, $0x2;
	s13 =	simm.s32 @!p0 $0x9D00;
	_ =	swait.ge [sflag:s12], $0x400  }
0x2c: {  	p2 =	sgt.u32 @!p0 s28, $0x9C;
	s1 =	sadd.s32 @!p0 $0x300, s31;
	[sflag:s12] =	ssyncset.done $0x0  }
0x2d: {  	p1 =	por p2, p0;
	s0 =	simm.s32 @!p0 $0x80;
	[sflag:s12] =	ssyncadd.s32 $0xFFFFFC00  }
0x2e: {  	[tilespmem:s13], [sflag:$0x1] =	stream.indirect.gather @!p0 [hbm4b:s8+s0], $0x8, s1, s0, $0xb8;
	[tilespmem:$0xC8C0] =	vst v63  }
0x2f: {  	s1 =	simm.s32 @!p1 $0x2  }
0x30: {  	_ =	swait.ge @!p1 [sflag:s1], $0x400  }
0x31: {  	[sflag:s1] =	ssyncset.done @!p1 $0x0  }
0x32: {  	[sflag:s1] =	ssyncadd.s32 @!p1 $0xFFFFFC00;
	s1 =	sshra.s32 @!p1 s29, $0x2  }
0x33: {  	s16 =	simm.s32 @!p1 $0xA100;
	s13 =	simm.s32 @!p1 $0x80;
	s1 =	sadd.s32 @!p1 $0x4F00, s1  }
0x34: {  	[spmem:s2] =	stream.indirect.scatter.add.f32 @!p1 [tilespmem:s16], [sflag:$0x7], $0x8, s1, s13, $0xb8;
	[tilespmem:$0xC8C0] =	vst v63  }
0x35: {  	p3 =	sgt.u32 @!p1 s30, $0x18;
	s1 =	simm.s32 @!p1 $0x7  }
0x36: {  	p2 =	por @!p0 p3, p2;
	_ =	swait.ge @!p1 [sflag:s1], $0x400  }
0x37: {  	p2 =	por p2, p0;
	[sflag:s1] =	ssyncset.done @!p1 $0x0  }
0x38: {  	[sflag:s1] =	ssyncadd.s32 @!p1 $0xFFFFFC00;
	s1 =	sshra.s32 @!p2 s29, $0x2  }
0x39: {  	s13 =	simm.s32 @!p2 $0x80;
	s16 =	simm.s32 @!p2 $0xA100;
	s1 =	sadd.s32 @!p2 $0x380, s1  }
0x3a: {  	[tilespmem:s16], [sflag:$0x2] =	stream.indirect.gather @!p2 [hbm4b:s8+s13], $0x8, s1, s13, $0xb8;
	[tilespmem:$0xC8C0] =	vst v63  }
0x3b: {  	s1 =	simm.s32 @!p0 $0x3  }
0x3c: {  	_ =	swait.ge @!p0 [sflag:s1], $0x400  }
0x3d: {  	[sflag:s1] =	ssyncset.done @!p0 $0x0  }
0x3e: {  	s13 =	simm.s32 @!p0 $0xA500;
	[sflag:s1] =	ssyncadd.s32 @!p0 $0xFFFFFC00;
	s1 =	sadd.s32 @!p0 $0x4F80, s31  }
0x3f: {  	[spmem:s2] =	stream.indirect.scatter.add.f32 @!p0 [tilespmem:s13], [sflag:$0x7], $0x8, s1, s0, $0xb8;
	[tilespmem:$0xC8C0] =	vst v63  }
0x40: {  	s1 =	simm.s32 @!p0 $0x7  }
0x41: {  	p1 =	sgt.u32 @!p0 s30, $0x18;
	_ =	swait.ge @!p0 [sflag:s1], $0x400  }
0x42: {  	p2 =	por !p1, p0;
	[sflag:s1] =	ssyncset.done @!p0 $0x0  }
0x43: {  	s13 =	simm.s32 @!p2 $0x4;
	[sflag:s1] =	ssyncadd.s32 @!p0 $0xFFFFFC00  }
0x44: {  	_ =	swait.ge @!p2 [sflag:s13], $0x400  }
0x45: {  	[sflag:s13] =	ssyncset.done @!p2 $0x0  }
0x46: {  	[sflag:s13] =	ssyncadd.s32 @!p2 $0xFFFFFC00;
	s13 =	sshra.s32 @!p2 s29, $0x2  }
0x47: {  	s17 =	simm.s32 @!p2 $0x80;
	s18 =	simm.s32 @!p2 $0xA900;
	s16 =	sadd.s32 @!p2 $0x5000, s13  }
0x48: {  	[spmem:s2] =	stream.indirect.scatter.add.f32 @!p2 [tilespmem:s18], [sflag:$0x7], $0x8, s16, s17, $0xb8;
	[tilespmem:$0xC8C0] =	vst v63  }
0x49: {  	s16 =	simm.s32 @!p2 $0x7  }
0x4a: {  	p1 =	por p1, p0;
	_ =	swait.ge @!p2 [sflag:s16], $0x400  }
0x4b: {  	s20 =	simm.s32 @!p1 $0x80;
	s18 =	sshra.s32 @!p1 s29, $0x2;
	[sflag:s16] =	ssyncset.done @!p2 $0x0  }
0x4c: {  	s21 =	simm.s32 @!p1 $0xA500;
	s19 =	sadd.s32 @!p1 $0x400, s18;
	[sflag:s16] =	ssyncadd.s32 @!p2 $0xFFFFFC00  }
0x4d: {  	[tilespmem:s21], [sflag:$0x3] =	stream.indirect.gather @!p1 [hbm4b:s8+s20], $0x8, s19, s20, $0xb8;
	[tilespmem:$0xC8C0] =	vst v63  }
0x4e: {  	s19 =	simm.s32 @!p1 $0x4  }
0x4f: {  	_ =	swait.ge @!p1 [sflag:s19], $0x400  }
0x50: {  	[sflag:s19] =	ssyncset.done @!p1 $0x0  }
0x51: {  	s21 =	simm.s32 @!p1 $0xA900;
	[sflag:s19] =	ssyncadd.s32 @!p1 $0xFFFFFC00;
	s19 =	sadd.s32 @!p1 $0x5000, s18  }
0x52: {  	[spmem:s2] =	stream.indirect.scatter.add.f32 @!p1 [tilespmem:s21], [sflag:$0x7], $0x8, s19, s20, $0xb8;
	[tilespmem:$0xC8C0] =	vst v63  }
0x53: {  	s19 =	simm.s32 @!p1 $0x7  }
0x54: {  	_ =	swait.ge @!p1 [sflag:s19], $0x400  }
0x55: {  	[sflag:s19] =	ssyncset.done @!p1 $0x0  }
0x56: {  	s22 =	sadd.s32 @!p1 $0x480, s18;
	[sflag:s19] =	ssyncadd.s32 @!p1 $0xFFFFFC00  }
0x57: {  	[tilespmem:s21], [sflag:$0x4] =	stream.indirect.gather @!p1 [hbm4b:s8+s20], $0x8, s22, s20, $0xb8;
	[tilespmem:$0xC8C0] =	vst v63  }
0x58: {  	s21 =	simm.s32 @!p0 $0x5  }
0x59: {  	_ =	swait.ge @!p0 [sflag:s21], $0x400  }
0x5a: {  	[sflag:s21] =	ssyncset.done @!p0 $0x0  }
0x5b: {  	s22 =	simm.s32 @!p0 $0xAD00;
	[sflag:s21] =	ssyncadd.s32 @!p0 $0xFFFFFC00;
	s21 =	sadd.s32 @!p0 $0x5080, s31  }
0x5c: {  	[spmem:s2] =	stream.indirect.scatter.add.f32 @!p0 [tilespmem:s22], [sflag:$0x7], $0x8, s21, s0, $0xb8;
	[tilespmem:$0xC8C0] =	vst v63  }
0x5d: {  	_ =	swait.ge @!p0 [sflag:s1], $0x400  }
0x5e: {  	[sflag:s1] =	ssyncset.done @!p0 $0x0  }
0x5f: {  	s0 =	simm.s32 @!p2 $0x6;
	[sflag:s1] =	ssyncadd.s32 @!p0 $0xFFFFFC00  }
0x60: {  	_ =	swait.ge @!p2 [sflag:s0], $0x400  }
0x61: {  	[sflag:s0] =	ssyncset.done @!p2 $0x0  }
0x62: {  	s1 =	simm.s32 @!p2 $0xB100;
	[sflag:s0] =	ssyncadd.s32 @!p2 $0xFFFFFC00;
	s0 =	sadd.s32 @!p2 $0x5100, s13  }
0x63: {  	[spmem:s2] =	stream.indirect.scatter.add.f32 @!p2 [tilespmem:s1], [sflag:$0x7], $0x8, s0, s17, $0xb8;
	[tilespmem:$0xC8C0] =	vst v63  }
0x64: {  	_ =	swait.ge @!p2 [sflag:s16], $0x400  }
0x65: {  	[sflag:s16] =	ssyncset.done @!p2 $0x0  }
0x66: {  	s0 =	sadd.s32 @!p1 $0x500, s18;
	s1 =	simm.s32 @!p1 $0xAD00;
	[sflag:s16] =	ssyncadd.s32 @!p2 $0xFFFFFC00  }
0x67: {  	[tilespmem:s1], [sflag:$0x5] =	stream.indirect.gather @!p1 [hbm4b:s8+s20], $0x8, s0, s20, $0xb8;
	[tilespmem:$0xC8C0] =	vst v63  }
0x68: {  	s0 =	simm.s32 @!p1 $0x6  }
0x69: {  	_ =	swait.ge @!p1 [sflag:s0], $0x400  }
0x6a: {  	[sflag:s0] =	ssyncset.done @!p1 $0x0  }
0x6b: {  	s1 =	simm.s32 @!p1 $0xB100;
	[sflag:s0] =	ssyncadd.s32 @!p1 $0xFFFFFC00;
	s0 =	sadd.s32 @!p1 $0x5100, s18  }
0x6c: {  	[spmem:s2] =	stream.indirect.scatter.add.f32 @!p1 [tilespmem:s1], [sflag:$0x7], $0x8, s0, s20, $0xb8;
	[tilespmem:$0xC8C0] =	vst v63  }
0x6d: {  	_ =	swait.ge @!p1 [sflag:s19], $0x400  }
0x6e: {  	[sflag:s19] =	ssyncset.done @!p1 $0x0  }
0x6f: {  	s29 =	sadd.s32 @!p0 $0xC00, s29;
	s0 =	sadd.s32 @!p1 $0x580, s18;
	[sflag:s19] =	ssyncadd.s32 @!p1 $0xFFFFFC00  }
0x70: {  	[tilespmem:s1], [sflag:$0x6] =	stream.indirect.gather @!p1 [hbm4b:s8+s20], $0x8, s0, s20, $0xb8;
	[tilespmem:$0xC8C0] =	vst v63  }
0x71: {  	p1 =	sne.s32 @!p0 s29, $0x14400  }
0x72: {  	p1 =	por p0, !p1  }
.Ltmp0:
0x73: {  	_ = 	snop;
	(pc) =	sbr.rel @!p1 .LBB2_2-.Ltmp0, $2  }
0x74: {  	_ =	sdelay $0x2  }
0x75: {  	s28 =	sadd.s32 @!p0 $0x6, s28;
	s30 =	sadd.s32 @!p0 $0x1, s30  }
0x76: {  	s26 =	sadd.s32 $0x1, s26  }
0x77: {  	p0 =	sne.s32 s26, s10  }
.Ltmp1:
0x78: {  	[bflag:$0x0] =	sbarrier.arrive $0xFFFF;
	(pc) =	sbr.rel @p0 .LBB2_1-.Ltmp1, $4  }
0x79: {  	[hbm:s9], [sflag:s5] =	dma.local [spmem:s11], $0x278  }
0x7a: {  	_ =	swait.ge [sflag:s12], $0x278  }
0x7b: {  	[sflag:s12] =	ssyncset.done $0x0  }
0x7c: {  	[sflag:s12] =	ssyncadd.s32 $0xFFFFFD88  }
0x7d: {  	_ =	sfence.sel $0x180000  }
0x7e: {  	[bflag:$0x0] =	sbarrier.arrive $0xFFFF  }
0x7f: {  	_ =	strace $0x9000004D  }
0x80: {  	s0 =	stileid.u32;
	[bflag:$0x2] =	sbarrier.arrive $0xFFFF  }
0x81: {  	p0 =	sne.s32 s0, $0x0;
	s0 =	rddreg [dreg:$0x3]  }
0x82: {  	s0 =	sadd.s32 @!p0 $0x100000, s0  }
0x83: {  	[sflag:s0] =	ssyncadd.tile.s32 @!p0 $0x1;
	_ =	shalt  }
.Lfunc_end2:
_tile_overlayer_lowered:
.L_overlay_start_2:
0x84: {  	(tag) =	ssettag $0x2  }
0x85: {  	s0 =	rddreg [dreg:$0x0];
	s2 =	stileid.u32  }
0x86: {  	s1 =	rddreg [dreg:$0x1];
	p0 =	sne.s32 s2, $0x0  }
0x87: {  	s3 =	rddreg [dreg:$0x2];
	[bflag:$0x3] =	sbarrier.arrive $0xFFFF;
	s2 =	simm.s32 @!p0 $0x1C07  }
0x88: {  	[timem:s3], [sflag:s2] =	dma.local @!p0 [hbm:s0], s1  }
0x89: {  	s0 =	simm.s32 @!p0 $0x7  }
0x8a: {  	_ =	swait.ge @!p0 [sflag:s0], s1  }
0x8b: {  	s1 =	ssub.s32 @!p0 $0x0, s1;
	[sflag:s0] =	ssyncset.done @!p0 $0x0  }
0x8c: {  	[sflag:s0] =	ssyncadd.s32 @!p0 s1  }
0x8d: {  	[bflag:$0x3] =	sbarrier.arrive $0xFFFF  }
0x8e: {  	_ =	shalt  }

// kernel: kernel.8.cloned.1.call-start
scs
__scs_entry_jumppad:
0x0: {  	(pc) =	sbr.rel $0x88, $3  }
0x1: {  	(tag) =	ssettag $0x0;
	lr =	simm.s32 $0x1  }
0x2: {  	[smem:$0x3F9B] =	sst lr;
	_ =	strace $0xD0000000  }
0x3: {  	_ = 	snop  }
0x4: {  	_ = 	snop  }
0x5: {  	_ = 	snop  }
0x6: {  	_ = 	snop  }
0x7: {  	_ = 	snop  }
__scs_overlays_trampoline_lowered:
0x8: {  	[smem:$0x3FAA] =	sst s0  }
0x9: {  	[smem:$0x3FAB] =	sst s1  }
0xa: {  	[smem:$0x3FAC] =	sst s2  }
0xb: {  	[smem:$0x3FAD] =	sst s3  }
0xc: {  	[smem:$0x3FAE] =	sst s4  }
0xd: {  	[smem:$0x3FAF] =	sst s5  }
0xe: {  	[smem:$0x3FB0] =	sst s6  }
0xf: {  	[smem:$0x3FB1] =	sst s7  }
0x10: {  	[smem:$0x3FB2] =	sst s8  }
0x11: {  	[smem:$0x3FB3] =	sst s9;
	s0 =	simm.s32 @!p0 $0x0  }
0x12: {  	s1 =	sld [smem:$0x3F99];
	s0 =	simm.s32 @p0 $0x1  }
0x13: {  	[smem:$0x3FB4] =	sst s0;
	s0 =	simm.s32 @!p1 $0x0  }
0x14: {  	s2 =	sld [smem:$0x3F98];
	s0 =	simm.s32 @p1 $0x1  }
0x15: {  	[smem:$0x3FB5] =	sst s0;
	s0 =	simm.s32 @!p2 $0x0  }
0x16: {  	s3 =	sld [smem:$0x3FDB];
	s0 =	simm.s32 @p2 $0x1  }
0x17: {  	s4 =	simm.s32 $0x1BF5;
	[smem:$0x3FB7] =	sst s0  }
0x18: {  	s0 =	sld [smem:$0x3F9A];
	_ =	swait.ge [sflag:s4], $0x0  }
0x19: {  	s7 =	sld [smem:$0x3F9B]  }
0x1a: {  	s8 =	sadd.s32 $0xFFFFE003, lr  }
0x1b: {  	s9 =	sadd.s32 $0xFFFFFEF7, lr;
	s5 =	simm.s32 $0xFFFFFFFF;
	p2 =	slt.u32 s8, $0xFFFFF086  }
0x1c: {  	p1 =	slt.u32 s9, $0xF7A;
	s5 =	simm.s32 @!p2 $0x0  }
0x1d: {  	s5 =	simm.s32 @p1 $0x1;
	p0 =	seq.s32 s7, s2  }
0x1e: {  	s7 =	smul.u32 @!p0 $0xF7A, s2;
	p2 =	seq.s32 @!p0 s5, $0x0  }
0x1f: {  	s9 =	smul.u32 $0xF7A, s1;
	s8 =	simm.s32 @!p0 $0x1BF5;
	p2 =	por !p2, p0  }
0x20: {  	[sflag:s8] =	ssyncset.s32 @!p0 $0xFFFFF086;
	s6 =	sadd.s32 @!p0 s3, s7;
	s7 =	simm.s32 @!p0 $0x108  }
0x21: {  	s3 =	sadd.s32 s3, s9;
	s6 =	sadd.s32 @!p0 $0x88, s6;
	s7 =	simm.s32 @p2 $0x1082  }
0x22: {  	[simem:s7], [sflag:s8] =	dma.local @!p0 [hbm:s6], $0xF7A  }
0x23: {  	s9 =	sor.u32 $0xD0000000, s2;
	s6 =	simm.s32 $0x108;
	_ =	swait.ge @!p0 [sflag:s8], $0x0  }
0x24: {  	s3 =	sadd.s32 $0x88, s3;
	s6 =	simm.s32 @!p1 $0x1082;
	[sflag:s4] =	ssyncset.s32 $0xFFFFF086  }
0x25: {  	[simem:s6], [sflag:s4] =	dma.local [hbm:s3], $0xF7A  }
0x26: {  	[smem:$0x3F9B] =	sst s1;
	(tag) =	ssettag s2;
	_ =	strace s9  }
0x27: {  	s1 =	sld [smem:$0x3FAB]  }
0x28: {  	s2 =	sld [smem:$0x3FAC]  }
0x29: {  	s4 =	sld [smem:$0x3FAE]  }
0x2a: {  	p0 =	seq.s32 s5, $0x0;
	s5 =	sld [smem:$0x3FAF]  }
0x2b: {  	s6 =	sld [smem:$0x3FB0]  }
0x2c: {  	s7 =	sld [smem:$0x3FB1]  }
0x2d: {  	s3 =	simm.s32 $0x108;
	s8 =	sld [smem:$0x3FB2]  }
0x2e: {  	s3 =	simm.s32 @!p0 $0x1082;
	s9 =	sld [smem:$0x3FB3]  }
0x2f: {  	lr =	sadd.s32 s0, s3;
	s0 =	sld [smem:$0x3FAA]  }
0x30: {  	s3 =	sld [smem:$0x3FAD]  }
0x31: {  	[smem:$0x3FB6] =	sst s10  }
0x32: {  	s10 =	sld [smem:$0x3FB4];
	_ =	sdelay $0x3  }
0x33: {  	p0 =	seq.s32 s10, $0x1;
	s10 =	sld [smem:$0x3FB6];
	_ =	sdelay $0x3  }
0x34: {  	[smem:$0x3FB6] =	sst s10  }
0x35: {  	s10 =	sld [smem:$0x3FB5];
	_ =	sdelay $0x3  }
0x36: {  	p1 =	seq.s32 s10, $0x1;
	s10 =	sld [smem:$0x3FB6];
	_ =	sdelay $0x3  }
0x37: {  	[smem:$0x3FB6] =	sst s10  }
0x38: {  	s10 =	sld [smem:$0x3FB7]  }
0x39: {  	_ = 	snop;
	(pc) =	sbr.ind lr, $3  }
0x3a: {  	_ = 	snop  }
0x3b: {  	_ = 	snop  }
0x3c: {  	p2 =	seq.s32 s10, $0x1;
	s10 =	sld [smem:$0x3FB6]  }
0x3d: {  	_ =	shalt  }
0x3e: {  	_ =	shalt  }
0x3f: {  	_ =	shalt  }
0x40: {  	_ =	shalt  }
0x41: {  	_ =	shalt  }
0x42: {  	_ =	shalt  }
0x43: {  	_ =	shalt  }
0x44: {  	_ =	shalt  }
0x45: {  	_ =	shalt  }
0x46: {  	_ =	shalt  }
0x47: {  	_ =	shalt  }
0x48: {  	_ =	shalt  }
0x49: {  	_ =	shalt  }
0x4a: {  	_ =	shalt  }
0x4b: {  	_ =	shalt  }
0x4c: {  	_ =	shalt  }
0x4d: {  	_ =	shalt  }
0x4e: {  	_ =	shalt  }
0x4f: {  	_ =	shalt  }
0x50: {  	_ =	shalt  }
0x51: {  	_ =	shalt  }
0x52: {  	_ =	shalt  }
0x53: {  	_ =	shalt  }
0x54: {  	_ =	shalt  }
0x55: {  	_ =	shalt  }
0x56: {  	_ =	shalt  }
0x57: {  	_ =	shalt  }
0x58: {  	_ =	shalt  }
0x59: {  	_ =	shalt  }
0x5a: {  	_ =	shalt  }
0x5b: {  	_ =	shalt  }
0x5c: {  	_ =	shalt  }
0x5d: {  	_ =	shalt  }
0x5e: {  	_ =	shalt  }
0x5f: {  	_ =	shalt  }
0x60: {  	_ =	shalt  }
0x61: {  	_ =	shalt  }
0x62: {  	_ =	shalt  }
0x63: {  	_ =	shalt  }
0x64: {  	_ =	shalt  }
0x65: {  	_ =	shalt  }
0x66: {  	_ =	shalt  }
0x67: {  	_ =	shalt  }
0x68: {  	_ =	shalt  }
0x69: {  	_ =	shalt  }
0x6a: {  	_ =	shalt  }
0x6b: {  	_ =	shalt  }
0x6c: {  	_ =	shalt  }
0x6d: {  	_ =	shalt  }
0x6e: {  	_ =	shalt  }
0x6f: {  	_ =	shalt  }
0x70: {  	_ =	shalt  }
0x71: {  	_ =	shalt  }
0x72: {  	_ =	shalt  }
0x73: {  	_ =	shalt  }
0x74: {  	_ =	shalt  }
0x75: {  	_ =	shalt  }
0x76: {  	_ =	shalt  }
0x77: {  	_ =	shalt  }
0x78: {  	_ =	shalt  }
0x79: {  	_ =	shalt  }
0x7a: {  	_ =	shalt  }
0x7b: {  	_ =	shalt  }
0x7c: {  	_ =	shalt  }
0x7d: {  	_ =	shalt  }
0x7e: {  	_ =	shalt  }
0x7f: {  	_ =	shalt  }
0x80: {  	_ =	shalt  }
0x81: {  	_ =	shalt  }
0x82: {  	_ =	shalt  }
0x83: {  	_ =	shalt  }
0x84: {  	_ =	shalt  }
0x85: {  	_ =	shalt  }
0x86: {  	_ =	shalt  }
0x87: {  	_ =	shalt  }
.Lfunc_end0:
.L_simem_size_0:
called_computation_lowered:
.L_overlay_start_0:
0x88: {  	s2 =	sld [smem:$0x3FD9]  }
0x89: {  	s3 =	sld [smem:$0x3FFE];
	_ =	sdelay $0x1  }
0x8a: {  	s1 =	srdreg.scid  }
0x8b: {  	s0 =	sand.u32 $0x1, s1  }
0x8c: {  	s17 =	sshll.u32 s0, $0xA;
	s2 =	sadd.s32 s3, s2  }
0x8d: {  	s2 =	sadd.s32 s2, s17  }
0x8e: {  	[smem:$0x3FC2] =	sst s2  }
0x8f: {  	_ = 	snop  }
0x90: {  	s2 =	sld [smem:$0x3FD0];
	(tm) =	ssettm $0x1  }
0x91: {  	s18 =	sld [smem:$0x3FFB];
	_ =	sdelay $0x3  }
0x92: {  	_ =	strace s18  }
0x93: {  	s3 =	sld [smem:$0x3FFC];
	_ =	sdelay $0x3  }
0x94: {  	_ =	strace s3  }
0x95: {  	s3 =	sld [smem:$0x3FFD];
	_ =	sdelay $0x3  }
0x96: {  	_ =	strace s3  }
0x97: {  	_ =	strace $0x8FFFFFFF  }
0x98: {  	s19 =	sld [smem:$0x3FDB];
	_ =	sdelay $0x1  }
0x99: {  	s4 =	simm.s32 $_scs_section_size  }
0x9a: {  	s5 =	simm.s32 $_size__tile_overlayer_lowered;
	s6 =	simm.s32 $_tile_overlayer_lowered  }
0x9b: {  	s22 =	simm.s32 $0x1BFF;
	s21 =	sshll.u32 s6, $0x1;
	s3 =	sadd.s32 s4, s19  }
0x9c: {  	s7 =	simm.s32 $0x0;
	s20 =	sshll.u32 s5, $0x1;
	s5 =	sadd.s32 s21, s3  }
0x9d: {  	[timem:s7], [sflag:s22] =	dma.local [hbm:s5], s20  }
0x9e: {  	_ =	swait.ge [sflag:s22], s20  }
0x9f: {  	s4 =	ssub.s32 $0x0, s20;
	[sflag:s22] =	ssyncset.done $0x0  }
0xa0: {  	[sflag:s22] =	ssyncadd.s32 s4;
	_ =	sdelay $0x1  }
0xa1: {  	s23 =	simm.s32 $0x1B8B  }
0xa2: {  	_ =	swait.ge [sflag:s23], $0x1  }
0xa3: {  	[sflag:s23] =	ssyncset.done $0x0  }
0xa4: {  	s25 =	simm.s32 $0x1B8E;
	s24 =	sld [smem:$0x3FFE];
	[sflag:s23] =	ssyncadd.s32 $0xFFFFFFFF  }
0xa5: {  	s26 =	simm.s32 $execute0_lowered;
	[smem:$0x3FD2] =	sst s25  }
0xa6: {  	s5 =	sshll.u32 s26, $0x1;
	_ =	strace $0x80000046;
	[dreg:$0x1] =	wrdreg $0xFFFFFFFF  }
0xa7: {  	s28 =	simm.s32 $_size_execute0_lowered;
	s3 =	sadd.s32 s3, s5;
	[dreg:$0x0] =	wrdreg $0x0  }
0xa8: {  	s5 =	sshll.u32 s28, $0x1;
	[dreg:$0x2] =	wrdreg s3  }
0xa9: {  	[dreg:$0x3] =	wrdreg s5  }
0xaa: {  	[dreg:$0x4] =	wrdreg $0xC0  }
0xab: {  	_ =	task [dreg:s7], $0x5FFFF  }
0xac: {  	[dreg:$0x1] =	wrdreg $0xFFFFFFFF  }
0xad: {  	[dreg:$0x0] =	wrdreg $0x60  }
0xae: {  	[dreg:$0x2] =	wrdreg s24  }
0xaf: {  	[dreg:$0x3] =	wrdreg s2  }
0xb0: {  	[dreg:$0x4] =	wrdreg $0x52800  }
0xb1: {  	[dreg:$0x5] =	wrdreg $0x9  }
0xb2: {  	_ =	task.clear_ibuf [dreg:s7], $0x6FFFF;
	_ =	strace $0x90000046  }
0xb3: {  	s29 =	simm.s32 $0x9;
	_ =	strace $0x80000048  }
0xb4: {  	_ =	swait.ge [sflag:s29], $0x1  }
0xb5: {  	[sflag:s29] =	ssyncadd.s32 $0xFFFFFFFF  }
0xb6: {  	_ =	strace $0x90000048  }
0xb7: {  	_ =	sfence  }
0xb8: {  	s30 =	sld [smem:$0x0];
	_ =	sdelay $0x2  }
0xb9: {  	s31 =	sshll.u32 s1, $0xD;
	s1 =	sshrl.u32 s1, $0x2  }
0xba: {  	s3 =	sand.u32 $0x4000, s31;
	s1 =	sadd.s32 s1, s30  }
0xbb: {  	s0 =	sor.u32 s3, s0;
	s1 =	sshll.u32 s1, $0x11  }
0xbc: {  	s0 =	sor.u32 s1, s0  }
0xbd: {  	s0 =	sadd.s32 $0x8F2B, s0  }
0xbe: {  	[sflag:s0] =	ssyncadd.remote.s32 $0x1  }
0xbf: {  	_ =	sfence.sel $0xFFFF  }
0xc0: {  	[dreg:$0x0] =	wrdreg $0xFFFFFFFF;
	(pc) =	sbr.abs _section_cstart, $3  }
0xc1: {  	[dreg:$0x1] =	wrdreg $0xFFFFFFFF  }
0xc2: {  	_ =	task.clear_ibuf [dreg:s7], $0x2FFFF;
	_ =	strace $0x9FFFFFFF  }
0xc3: {  	(tm) =	ssettm $0x7FFFFFFF  }
tec
execute0_lowered:
.L_overlay_start_1:
0x0: {  	(tag) =	ssettag $0x1  }
0x1: {  	s6 =	rddreg [dreg:$0x0]  }
0x2: {  	s9 =	rddreg [dreg:$0x1]  }
0x3: {  	s2 =	rddreg [dreg:$0x2]  }
0x4: {  	s0 =	rddreg [dreg:$0x3];
	s1 =	stileid.u32  }
0x5: {  	s3 =	simm.s32 $0x0;
	s4 =	srdreg.scid;
	s14 =	simm.s32 $0x4E80  }
0x6: {  	s15 =	simm.s32 $0x0;
	s5 =	smul.u32 $0x9D0, s1;
	[smem:$0x7FF] =	sst s3  }
0x7: {  	s4 =	sand.u32 $0x1, s4;
	s7 =	smul.u32 $0x13C0, s1;
	s31 =	sshll.u32 s1, $0x6  }
0x8: {  	_ =	strace $0x80000047;
	s8 =	ssub.s32 $0x2, s4;
	s10 =	smul.u32 $0x13C00, s4  }
0x9: {  	s11 =	sadd.s32 s5, s6;
	s5 =	sadd.s32 $0x16000, s6;
	s12 =	sshrl.u32 s8, $0x1  }
0xa: {  	s6 =	sadd.s32 $0x15C00, s6;
	s13 =	sadd.s32 s7, s2;
	s30 =	sadd.s32 s7, s10  }
0xb: {  	s12 =	ssub.s32 s8, s12;
	s7 =	sor.u32 $0x1C01, s31;
	s10 =	sshrl.u32 s30, $0x3  }
0xc: {  	s8 =	sadd.s32 $0x2000, s11;
	s11 =	sshll.u32 s4, $0x7;
	s9 =	sadd.s32 s9, s10  }
0xd: {  	s10 =	smax.u32 s12, $0x1;
	s12 =	sshrl.u32 s13, $0x3;
	s13 =	simm.s32 $0x1  }
.LBB2_1:
0xe: {  	[spmem:s12], [sflag:s7] =	dma.local [hbm:s6], $0x278  }
0xf: {  	_ =	swait.ge [sflag:s13], $0x278  }
0x10: {  	[sflag:s13] =	ssyncset.done $0x0  }
0x11: {  	[sflag:s13] =	ssyncadd.s32 $0xFFFFFD88  }
0x12: {  	[tilespmem:s14], [sflag:$0x1] =	stream.linear.gather [hbm4b:s5+s3], $0x400, $0x38;
	[tilespmem:$0x6640] =	vst v63  }
0x13: {  	_ =	swait.ge [sflag:s13], $0x400  }
0x14: {  	[sflag:s13] =	ssyncset.done $0x0  }
0x15: {  	[sflag:s13] =	ssyncadd.s32 $0xFFFFFC00  }
0x16: {  	[tilespmem:s3], [sflag:$0x1] =	stream.linear.gather [hbm4b:s8+s3], $0x4E80, $0x38;
	[tilespmem:$0x6640] =	vst v63  }
0x17: {  	s16 =	sadd.s32 $0x0, s4;
	_ =	swait.ge [sflag:s13], $0x4E80  }
0x18: {  	p0 =	sgt.u32 s16, $0x9C;
	[sflag:s13] =	ssyncset.done $0x0  }
0x19: {  	s16 =	simm.s32 @!p0 $0x80;
	[sflag:s13] =	ssyncadd.s32 $0xFFFFB180  }
0x1a: {  	s17 =	simm.s32 @!p0 $0x4E80;
	s19 =	simm.s32 @!p0 $0x1;
	[bflag:$0x0] =	sbarrier.arrive $0xFFFF  }
0x1b: {  	[spmem:s2] =	stream.indirect.scatter.add.f32 @!p0 [tilespmem:s17], [sflag:$0x1], $0x8, s11, s16, $0xb8;
	[tilespmem:$0x6640] =	vst v63  }
0x1c: {  	s18 =	simm.s32 $0x4;
	_ =	swait.ge @!p0 [sflag:s19], $0x400  }
0x1d: {  	s17 =	simm.s32 $0x2;
	s16 =	sadd.s32 $0x100, s11;
	[sflag:s19] =	ssyncset.done @!p0 $0x0  }
.LBB2_2:
0x1e: {  	s20 =	sadd.s32 s17, s4;
	s17 =	smov.u32 s18;
	s18 =	sadd.s32 $0x2, s18  }
0x1f: {  	[sflag:s19] =	ssyncadd.s32 @!p0 $0xFFFFFC00;
	p1 =	sne.s32 s18, $0x9E  }
.Ltmp0:
0x20: {  	p0 =	sgt.u32 s20, $0x9C;
	(pc) =	sbr.rel @p1 .LBB2_2-.Ltmp0, $4  }
0x21: {  	s20 =	simm.s32 @!p0 $0x80;
	s21 =	simm.s32 @!p0 $0x4E80;
	s19 =	simm.s32 @!p0 $0x1  }
0x22: {  	[spmem:s2] =	stream.indirect.scatter.add.f32 @!p0 [tilespmem:s21], [sflag:$0x1], $0x8, s16, s20, $0xb8;
	[tilespmem:$0x6640] =	vst v63  }
0x23: {  	_ =	swait.ge @!p0 [sflag:s19], $0x400  }
0x24: {  	s16 =	sadd.s32 $0x100, s16;
	[sflag:s19] =	ssyncset.done @!p0 $0x0  }
0x25: {  	s17 =	sadd.s32 s17, s4  }
0x26: {  	[sflag:s19] =	ssyncadd.s32 @!p0 $0xFFFFFC00;
	p0 =	sgt.u32 s17, $0x9C  }
0x27: {  	s17 =	simm.s32 @!p0 $0x80;
	s18 =	simm.s32 @!p0 $0x4E80;
	s19 =	simm.s32 @!p0 $0x1  }
0x28: {  	[spmem:s2] =	stream.indirect.scatter.add.f32 @!p0 [tilespmem:s18], [sflag:$0x1], $0x8, s16, s17, $0xb8;
	[tilespmem:$0x6640] =	vst v63  }
0x29: {  	_ =	swait.ge @!p0 [sflag:s19], $0x400  }
0x2a: {  	s15 =	sadd.s32 $0x1, s15;
	[sflag:s19] =	ssyncset.done @!p0 $0x0  }
0x2b: {  	[sflag:s19] =	ssyncadd.s32 @!p0 $0xFFFFFC00;
	p0 =	sne.s32 s15, s10  }
.Ltmp1:
0x2c: {  	[bflag:$0x0] =	sbarrier.arrive $0xFFFF;
	(pc) =	sbr.rel @p0 .LBB2_1-.Ltmp1, $4  }
0x2d: {  	[hbm:s9], [sflag:s7] =	dma.local [spmem:s12], $0x278  }
0x2e: {  	_ =	swait.ge [sflag:s13], $0x278  }
0x2f: {  	[sflag:s13] =	ssyncset.done $0x0  }
0x30: {  	[sflag:s13] =	ssyncadd.s32 $0xFFFFFD88  }
0x31: {  	_ =	sfence.sel $0x180000  }
0x32: {  	[bflag:$0x0] =	sbarrier.arrive $0xFFFF  }
0x33: {  	p0 =	sne.s32 s1, $0x0;
	_ =	strace $0x90000047  }
0x34: {  	s0 =	sadd.s32 @!p0 $0x100000, s0;
	[bflag:$0x2] =	sbarrier.arrive $0xFFFF  }
0x35: {  	[sflag:s0] =	ssyncadd.tile.s32 @!p0 $0x1;
	_ =	shalt  }
.Lfunc_end2:
_tile_overlayer_lowered:
.L_overlay_start_2:
0x36: {  	(tag) =	ssettag $0x2  }
0x37: {  	s0 =	rddreg [dreg:$0x0];
	s2 =	stileid.u32  }
0x38: {  	s1 =	rddreg [dreg:$0x1];
	p0 =	sne.s32 s2, $0x0  }
0x39: {  	s3 =	rddreg [dreg:$0x2];
	[bflag:$0x3] =	sbarrier.arrive $0xFFFF;
	s2 =	simm.s32 @!p0 $0x1C01  }
0x3a: {  	[timem:s3], [sflag:s2] =	dma.local @!p0 [hbm:s0], s1  }
0x3b: {  	s0 =	simm.s32 @!p0 $0x1  }
0x3c: {  	_ =	swait.ge @!p0 [sflag:s0], s1  }
0x3d: {  	s1 =	ssub.s32 @!p0 $0x0, s1;
	[sflag:s0] =	ssyncset.done @!p0 $0x0  }
0x3e: {  	[sflag:s0] =	ssyncadd.s32 @!p0 s1  }
0x3f: {  	[bflag:$0x3] =	sbarrier.arrive $0xFFFF  }
0x40: {  	_ =	shalt  }

</sc_bundles>
